<compile_context>
chip_gen: v7x
topology: tpu7x:2x2x1
jax: 0.10.2.dev20260603
libtpu: 0.0.44.dev20260713+nightly
codegen_flags: <defaults>
</compile_context>

<pallas_src>
import jax
import jax.numpy as jnp
from jax import lax
from jax.experimental import pallas as pl
from jax.experimental.pallas import tpu as pltpu
from jax.experimental.pallas import tpu_sc as plsc

VOCAB = 1000000
DIM = 64
B = 4096
L = 200

NC = 2
NS = 16
NW = NC * NS

N_ROWS = B * L
ROWS_PER_W = N_ROWS // NW
GRP = 128
N_GRP = ROWS_PER_W // GRP
NBUF = 8
LAG = 2
LA = NBUF - LAG


def _make_kernel():
    mesh = plsc.VectorSubcoreMesh(core_axis_name="c", subcore_axis_name="s")

    @pl.kernel(
        mesh=mesh,
        compiler_params=pltpu.CompilerParams(use_tc_tiling_on_sc=False),
        out_type=jax.ShapeDtypeStruct((NW, N_GRP, GRP, DIM), jnp.float32),
        scratch_types=[
            pltpu.VMEM((N_GRP, GRP), jnp.int32),
            pltpu.VMEM((NBUF, GRP, DIM), jnp.float32),
        ]
        + [pltpu.SemaphoreType.DMA] * (2 * NBUF),
    )
    def gather_kernel(table_hbm, words_hbm, out_hbm, idx_v, rows_v, *sems):
        gsem = sems[:NBUF]
        wsem = sems[NBUF:]
        wid = lax.axis_index("s") * NC + lax.axis_index("c")
        pltpu.sync_copy(words_hbm.at[wid], idx_v)

        def fire_gather(t, b):
            pltpu.async_copy(table_hbm.at[idx_v.at[t]], rows_v.at[b], gsem[b])

        def drain_gather(b):
            pltpu.make_async_copy(
                table_hbm.at[idx_v.at[0]], rows_v.at[b], gsem[b]
            ).wait()

        def fire_write(t, b):
            pltpu.async_copy(rows_v.at[b], out_hbm.at[wid, t], wsem[b])

        def drain_write(b):
            pltpu.make_async_copy(
                rows_v.at[b], out_hbm.at[wid, 0], wsem[b]
            ).wait()

        for t in range(LA):
            fire_gather(t, t)
        for t in range(LAG):
            drain_gather(t)
            fire_write(t, t)
            fire_gather(t + LA, t + LA)
        for t in range(LAG, NBUF):
            drain_gather(t)
            fire_write(t, t)
            drain_write(t - LAG)
            fire_gather(t + LA, t - LAG)

        def step(t2, carry):
            for b in range(NBUF):
                t = t2 * NBUF + b
                drain_gather(b)
                fire_write(t, b)
                b2 = (b - LAG) % NBUF
                drain_write(b2)
                fire_gather(t + LA, b2)
            return carry

        lax.fori_loop(1, N_GRP // NBUF - 1, step, 0)

        base = N_GRP - NBUF
        for i in range(LAG):
            drain_gather(i)
            fire_write(base + i, i)
            b2 = (i - LAG) % NBUF
            drain_write(b2)
            fire_gather(base + i + LA, b2)
        for i in range(LAG, NBUF):
            drain_gather(i)
            fire_write(base + i, i)
            drain_write((i - LAG) % NBUF)
        for b in range(NBUF - LAG, NBUF):
            drain_write(b)

    return gather_kernel


_kernel = _make_kernel()


@jax.jit
def kernel(words, table):
    words_flat = words.reshape(NW, N_GRP, GRP)
    out = _kernel(table, words_flat)
    return out.reshape(B, L, DIM)

# --- scband reference (transcript-rebuilt; emitter-appended) ---
"""Pipeline reference for scband-embedding-dropout-21921513078945 (READ-ONLY COPY).

The authoritative reference and input builder live on the scoring server;
editing this copy changes nothing except your own understanding.
"""

import jax, jax.numpy as jnp
import numpy as np

VOCAB = 1000000
DIM = 64
B = 4096
L = 200


def setup_inputs(seed: int = 0) -> dict:
    key = jax.random.key(seed)
    k_words, k_table = jax.random.split(key)
    # forward arg: words (int indices into the embedding table)
    words = jax.random.randint(k_words, (B, L), 0, VOCAB, dtype=jnp.int32)
    # learned parameter: embedding table sized per init_kwargs (emb = nn.Embedding(VOCAB, DIM))
    table = jax.random.normal(k_table, (VOCAB, DIM), dtype=jnp.float32)
    return {"words": words, "table": table}


def reference(words, table):
    # EmbeddingDropout.forward in eval mode (training=False or embed_p==0 path):
    #   masked_embed = emb.weight  (no dropout mask applied)
    #   out = F.embedding(words, masked_embed, padding_idx=-1, ...)
    # padding_idx only affects gradients, not the forward gather, so the forward
    # is a plain row-gather from the table.
    out = jnp.take(table, words, axis=0)
    return out

if __name__ == "__main__":
    import jax
    _d = setup_inputs()
    print(jax.jit(kernel)(*tuple(_d.values())))

</pallas_src>

<mosaic_0001>
#map = affine_map<(d0, d1) -> (0, 0)>
#map1 = affine_map<(d0, d1) -> (0, 0, 0)>
#map2 = affine_map<(d0, d1) -> (0, 0, 0, 0)>
module attributes {stable_mosaic.version = 14 : i64} {
  func.func @gather_kernel(%arg0: i32, %arg1: i32, %arg2: memref<1000000x64xf32, #tpu.memory_space<hbm>>, %arg3: memref<32x200x128xi32, #tpu.memory_space<hbm>>, %arg4: memref<32x200x128x64xf32, #tpu.memory_space<hbm>>, %arg5: memref<200x128xi32, #tpu.memory_space<vmem>>, %arg6: memref<8x128x64xf32, #tpu.memory_space<vmem>>, %arg7: memref<!tpu.dma_semaphore, #tpu.memory_space<semaphore_mem>>, %arg8: memref<!tpu.dma_semaphore, #tpu.memory_space<semaphore_mem>>, %arg9: memref<!tpu.dma_semaphore, #tpu.memory_space<semaphore_mem>>, %arg10: memref<!tpu.dma_semaphore, #tpu.memory_space<semaphore_mem>>, %arg11: memref<!tpu.dma_semaphore, #tpu.memory_space<semaphore_mem>>, %arg12: memref<!tpu.dma_semaphore, #tpu.memory_space<semaphore_mem>>, %arg13: memref<!tpu.dma_semaphore, #tpu.memory_space<semaphore_mem>>, %arg14: memref<!tpu.dma_semaphore, #tpu.memory_space<semaphore_mem>>, %arg15: memref<!tpu.dma_semaphore, #tpu.memory_space<semaphore_mem>>, %arg16: memref<!tpu.dma_semaphore, #tpu.memory_space<semaphore_mem>>, %arg17: memref<!tpu.dma_semaphore, #tpu.memory_space<semaphore_mem>>, %arg18: memref<!tpu.dma_semaphore, #tpu.memory_space<semaphore_mem>>, %arg19: memref<!tpu.dma_semaphore, #tpu.memory_space<semaphore_mem>>, %arg20: memref<!tpu.dma_semaphore, #tpu.memory_space<semaphore_mem>>, %arg21: memref<!tpu.dma_semaphore, #tpu.memory_space<semaphore_mem>>, %arg22: memref<!tpu.dma_semaphore, #tpu.memory_space<semaphore_mem>>) attributes {dimension_semantics = [#tpu.dimension_semantics<core_parallel>, #tpu.dimension_semantics<subcore_parallel>], iteration_bounds = array<i64: 2, 16>, scalar_prefetch = 0 : i64, scratch_operands = 18 : i64, tpu.core_type = #tpu.core_type<sc_vector_subcore>, window_params = [{transform_indices = #map}, {transform_indices = #map1}, {transform_indices = #map2}]} {
    %mul3A = arith.constant 2 : i32
    %mul3A_0 = arith.muli %arg1, %mul3A : i32
    %add3A = arith.addi %mul3A_0, %arg0 : i32
    "tpu.region"() ({
      %run_scoped3A = tpu.sem_alloc : memref<!tpu.dma_semaphore, #tpu.memory_space<semaphore_mem>>
      %dma_start3A_964 = arith.constant 0 : i32
      %dma_start3A_965 = arith.constant 0 : i32
      %dma_start3A_966 = tpu.memref_slice %arg3[%add3A, %dma_start3A_964, %dma_start3A_965] : memref<32x200x128xi32, #tpu.memory_space<hbm>> -> memref<1x200x128xi32, #tpu.memory_space<hbm>>
      %dma_start3A_967 = tpu.memref_squeeze %dma_start3A_966 : memref<1x200x128xi32, #tpu.memory_space<hbm>> -> memref<200x128xi32, #tpu.memory_space<hbm>>
      %dma_start3A_968 = arith.constant 0 : i32
      %dma_start3A_969 = arith.constant 0 : i32
      %dma_start3A_970 = tpu.memref_slice %arg3[%add3A, %dma_start3A_968, %dma_start3A_969] : memref<32x200x128xi32, #tpu.memory_space<hbm>> -> memref<1x200x128xi32, #tpu.memory_space<hbm>>
      %dma_start3A_971 = tpu.memref_squeeze %dma_start3A_970 : memref<1x200x128xi32, #tpu.memory_space<hbm>> -> memref<200x128xi32, #tpu.memory_space<hbm>>
      tpu.enqueue_dma source(%dma_start3A_971 : memref<200x128xi32, #tpu.memory_space<hbm>>) target(%arg5 : memref<200x128xi32, #tpu.memory_space<vmem>>) target_semaphore(%run_scoped3A : memref<!tpu.dma_semaphore, #tpu.memory_space<semaphore_mem>>)
      %dma_wait3A_972 = arith.constant 0 : i32
      %dma_wait3A_973 = arith.constant 0 : i32
      %dma_wait3A_974 = tpu.memref_slice %arg3[%add3A, %dma_wait3A_972, %dma_wait3A_973] : memref<32x200x128xi32, #tpu.memory_space<hbm>> -> memref<1x200x128xi32, #tpu.memory_space<hbm>>
      %dma_wait3A_975 = tpu.memref_squeeze %dma_wait3A_974 : memref<1x200x128xi32, #tpu.memory_space<hbm>> -> memref<200x128xi32, #tpu.memory_space<hbm>>
      %dma_wait3A_976 = arith.constant 0 : i32
      %dma_wait3A_977 = arith.constant 0 : i32
      %dma_wait3A_978 = tpu.memref_slice %arg3[%add3A, %dma_wait3A_976, %dma_wait3A_977] : memref<32x200x128xi32, #tpu.memory_space<hbm>> -> memref<1x200x128xi32, #tpu.memory_space<hbm>>
      %dma_wait3A_979 = tpu.memref_squeeze %dma_wait3A_978 : memref<1x200x128xi32, #tpu.memory_space<hbm>> -> memref<200x128xi32, #tpu.memory_space<hbm>>
      tpu.wait_dma2 semaphore(%run_scoped3A : memref<!tpu.dma_semaphore, #tpu.memory_space<semaphore_mem>>) src(%dma_wait3A_979 : memref<200x128xi32, #tpu.memory_space<hbm>>) dst(%arg5 : memref<200x128xi32, #tpu.memory_space<vmem>>)
      tpu.yield
    }) : () -> ()
    %dma_start3A = arith.constant 0 : i32
    %dma_start3A_1 = arith.constant 0 : i32
    %dma_start3A_2 = arith.constant 0 : i32
    %dma_start3A_3 = arith.constant 0 : i32
    %dma_start3A_4 = tpu.memref_slice %arg6[%dma_start3A_1, %dma_start3A_2, %dma_start3A_3] : memref<8x128x64xf32, #tpu.memory_space<vmem>> -> memref<1x128x64xf32, #tpu.memory_space<vmem>>
    %dma_start3A_5 = tpu.memref_squeeze %dma_start3A_4 : memref<1x128x64xf32, #tpu.memory_space<vmem>> -> memref<128x64xf32, #tpu.memory_space<vmem>>
    %dma_start3A_6 = arith.constant 0 : i32
    %dma_start3A_7 = tpu.memref_slice %arg5[%dma_start3A, %dma_start3A_6] : memref<200x128xi32, #tpu.memory_space<vmem>> -> memref<1x128xi32, #tpu.memory_space<vmem>>
    %dma_start3A_8 = tpu.memref_squeeze %dma_start3A_7 : memref<1x128xi32, #tpu.memory_space<vmem>> -> memref<128xi32, #tpu.memory_space<vmem>>
    %dma_start3A_9 = arith.constant 0 : i32
    %dma_start3A_10 = arith.constant 0 : i32
    %dma_start3A_11 = tpu.memref_slice %arg2[%dma_start3A_9, %dma_start3A_10] : memref<1000000x64xf32, #tpu.memory_space<hbm>> -> memref<1000000x64xf32, #tpu.memory_space<hbm>>
    tpu.enqueue_indirect_dma source(%dma_start3A_11 : memref<1000000x64xf32, #tpu.memory_space<hbm>>) target(%dma_start3A_5 : memref<128x64xf32, #tpu.memory_space<vmem>>) offsets(%dma_start3A_8 : memref<128xi32, #tpu.memory_space<vmem>>) semaphore(%arg7 : memref<!tpu.dma_semaphore, #tpu.memory_space<semaphore_mem>>)
    %dma_start3A_12 = arith.constant 1 : i32
    %dma_start3A_13 = arith.constant 1 : i32
    %dma_start3A_14 = arith.constant 0 : i32
    %dma_start3A_15 = arith.constant 0 : i32
    %dma_start3A_16 = tpu.memref_slice %arg6[%dma_start3A_13, %dma_start3A_14, %dma_start3A_15] : memref<8x128x64xf32, #tpu.memory_space<vmem>> -> memref<1x128x64xf32, #tpu.memory_space<vmem>>
    %dma_start3A_17 = tpu.memref_squeeze %dma_start3A_16 : memref<1x128x64xf32, #tpu.memory_space<vmem>> -> memref<128x64xf32, #tpu.memory_space<vmem>>
    %dma_start3A_18 = arith.constant 0 : i32
    %dma_start3A_19 = tpu.memref_slice %arg5[%dma_start3A_12, %dma_start3A_18] : memref<200x128xi32, #tpu.memory_space<vmem>> -> memref<1x128xi32, #tpu.memory_space<vmem>>
    %dma_start3A_20 = tpu.memref_squeeze %dma_start3A_19 : memref<1x128xi32, #tpu.memory_space<vmem>> -> memref<128xi32, #tpu.memory_space<vmem>>
    %dma_start3A_21 = arith.constant 0 : i32
    %dma_start3A_22 = arith.constant 0 : i32
    %dma_start3A_23 = tpu.memref_slice %arg2[%dma_start3A_21, %dma_start3A_22] : memref<1000000x64xf32, #tpu.memory_space<hbm>> -> memref<1000000x64xf32, #tpu.memory_space<hbm>>
    tpu.enqueue_indirect_dma source(%dma_start3A_23 : memref<1000000x64xf32, #tpu.memory_space<hbm>>) target(%dma_start3A_17 : memref<128x64xf32, #tpu.memory_space<vmem>>) offsets(%dma_start3A_20 : memref<128xi32, #tpu.memory_space<vmem>>) semaphore(%arg8 : memref<!tpu.dma_semaphore, #tpu.memory_space<semaphore_mem>>)
    %dma_start3A_24 = arith.constant 2 : i32
    %dma_start3A_25 = arith.constant 2 : i32
    %dma_start3A_26 = arith.constant 0 : i32
    %dma_start3A_27 = arith.constant 0 : i32
    %dma_start3A_28 = tpu.memref_slice %arg6[%dma_start3A_25, %dma_start3A_26, %dma_start3A_27] : memref<8x128x64xf32, #tpu.memory_space<vmem>> -> memref<1x128x64xf32, #tpu.memory_space<vmem>>
    %dma_start3A_29 = tpu.memref_squeeze %dma_start3A_28 : memref<1x128x64xf32, #tpu.memory_space<vmem>> -> memref<128x64xf32, #tpu.memory_space<vmem>>
    %dma_start3A_30 = arith.constant 0 : i32
    %dma_start3A_31 = tpu.memref_slice %arg5[%dma_start3A_24, %dma_start3A_30] : memref<200x128xi32, #tpu.memory_space<vmem>> -> memref<1x128xi32, #tpu.memory_space<vmem>>
    %dma_start3A_32 = tpu.memref_squeeze %dma_start3A_31 : memref<1x128xi32, #tpu.memory_space<vmem>> -> memref<128xi32, #tpu.memory_space<vmem>>
    %dma_start3A_33 = arith.constant 0 : i32
    %dma_start3A_34 = arith.constant 0 : i32
    %dma_start3A_35 = tpu.memref_slice %arg2[%dma_start3A_33, %dma_start3A_34] : memref<1000000x64xf32, #tpu.memory_space<hbm>> -> memref<1000000x64xf32, #tpu.memory_space<hbm>>
    tpu.enqueue_indirect_dma source(%dma_start3A_35 : memref<1000000x64xf32, #tpu.memory_space<hbm>>) target(%dma_start3A_29 : memref<128x64xf32, #tpu.memory_space<vmem>>) offsets(%dma_start3A_32 : memref<128xi32, #tpu.memory_space<vmem>>) semaphore(%arg9 : memref<!tpu.dma_semaphore, #tpu.memory_space<semaphore_mem>>)
    %dma_start3A_36 = arith.constant 3 : i32
    %dma_start3A_37 = arith.constant 3 : i32
    %dma_start3A_38 = arith.constant 0 : i32
    %dma_start3A_39 = arith.constant 0 : i32
    %dma_start3A_40 = tpu.memref_slice %arg6[%dma_start3A_37, %dma_start3A_38, %dma_start3A_39] : memref<8x128x64xf32, #tpu.memory_space<vmem>> -> memref<1x128x64xf32, #tpu.memory_space<vmem>>
    %dma_start3A_41 = tpu.memref_squeeze %dma_start3A_40 : memref<1x128x64xf32, #tpu.memory_space<vmem>> -> memref<128x64xf32, #tpu.memory_space<vmem>>
    %dma_start3A_42 = arith.constant 0 : i32
    %dma_start3A_43 = tpu.memref_slice %arg5[%dma_start3A_36, %dma_start3A_42] : memref<200x128xi32, #tpu.memory_space<vmem>> -> memref<1x128xi32, #tpu.memory_space<vmem>>
    %dma_start3A_44 = tpu.memref_squeeze %dma_start3A_43 : memref<1x128xi32, #tpu.memory_space<vmem>> -> memref<128xi32, #tpu.memory_space<vmem>>
    %dma_start3A_45 = arith.constant 0 : i32
    %dma_start3A_46 = arith.constant 0 : i32
    %dma_start3A_47 = tpu.memref_slice %arg2[%dma_start3A_45, %dma_start3A_46] : memref<1000000x64xf32, #tpu.memory_space<hbm>> -> memref<1000000x64xf32, #tpu.memory_space<hbm>>
    tpu.enqueue_indirect_dma source(%dma_start3A_47 : memref<1000000x64xf32, #tpu.memory_space<hbm>>) target(%dma_start3A_41 : memref<128x64xf32, #tpu.memory_space<vmem>>) offsets(%dma_start3A_44 : memref<128xi32, #tpu.memory_space<vmem>>) semaphore(%arg10 : memref<!tpu.dma_semaphore, #tpu.memory_space<semaphore_mem>>)
    %dma_start3A_48 = arith.constant 4 : i32
    %dma_start3A_49 = arith.constant 4 : i32
    %dma_start3A_50 = arith.constant 0 : i32
    %dma_start3A_51 = arith.constant 0 : i32
    %dma_start3A_52 = tpu.memref_slice %arg6[%dma_start3A_49, %dma_start3A_50, %dma_start3A_51] : memref<8x128x64xf32, #tpu.memory_space<vmem>> -> memref<1x128x64xf32, #tpu.memory_space<vmem>>
    %dma_start3A_53 = tpu.memref_squeeze %dma_start3A_52 : memref<1x128x64xf32, #tpu.memory_space<vmem>> -> memref<128x64xf32, #tpu.memory_space<vmem>>
    %dma_start3A_54 = arith.constant 0 : i32
    %dma_start3A_55 = tpu.memref_slice %arg5[%dma_start3A_48, %dma_start3A_54] : memref<200x128xi32, #tpu.memory_space<vmem>> -> memref<1x128xi32, #tpu.memory_space<vmem>>
    %dma_start3A_56 = tpu.memref_squeeze %dma_start3A_55 : memref<1x128xi32, #tpu.memory_space<vmem>> -> memref<128xi32, #tpu.memory_space<vmem>>
    %dma_start3A_57 = arith.constant 0 : i32
    %dma_start3A_58 = arith.constant 0 : i32
    %dma_start3A_59 = tpu.memref_slice %arg2[%dma_start3A_57, %dma_start3A_58] : memref<1000000x64xf32, #tpu.memory_space<hbm>> -> memref<1000000x64xf32, #tpu.memory_space<hbm>>
    tpu.enqueue_indirect_dma source(%dma_start3A_59 : memref<1000000x64xf32, #tpu.memory_space<hbm>>) target(%dma_start3A_53 : memref<128x64xf32, #tpu.memory_space<vmem>>) offsets(%dma_start3A_56 : memref<128xi32, #tpu.memory_space<vmem>>) semaphore(%arg11 : memref<!tpu.dma_semaphore, #tpu.memory_space<semaphore_mem>>)
    %dma_start3A_60 = arith.constant 5 : i32
    %dma_start3A_61 = arith.constant 5 : i32
    %dma_start3A_62 = arith.constant 0 : i32
    %dma_start3A_63 = arith.constant 0 : i32
    %dma_start3A_64 = tpu.memref_slice %arg6[%dma_start3A_61, %dma_start3A_62, %dma_start3A_63] : memref<8x128x64xf32, #tpu.memory_space<vmem>> -> memref<1x128x64xf32, #tpu.memory_space<vmem>>
    %dma_start3A_65 = tpu.memref_squeeze %dma_start3A_64 : memref<1x128x64xf32, #tpu.memory_space<vmem>> -> memref<128x64xf32, #tpu.memory_space<vmem>>
    %dma_start3A_66 = arith.constant 0 : i32
    %dma_start3A_67 = tpu.memref_slice %arg5[%dma_start3A_60, %dma_start3A_66] : memref<200x128xi32, #tpu.memory_space<vmem>> -> memref<1x128xi32, #tpu.memory_space<vmem>>
    %dma_start3A_68 = tpu.memref_squeeze %dma_start3A_67 : memref<1x128xi32, #tpu.memory_space<vmem>> -> memref<128xi32, #tpu.memory_space<vmem>>
    %dma_start3A_69 = arith.constant 0 : i32
    %dma_start3A_70 = arith.constant 0 : i32
    %dma_start3A_71 = tpu.memref_slice %arg2[%dma_start3A_69, %dma_start3A_70] : memref<1000000x64xf32, #tpu.memory_space<hbm>> -> memref<1000000x64xf32, #tpu.memory_space<hbm>>
    tpu.enqueue_indirect_dma source(%dma_start3A_71 : memref<1000000x64xf32, #tpu.memory_space<hbm>>) target(%dma_start3A_65 : memref<128x64xf32, #tpu.memory_space<vmem>>) offsets(%dma_start3A_68 : memref<128xi32, #tpu.memory_space<vmem>>) semaphore(%arg12 : memref<!tpu.dma_semaphore, #tpu.memory_space<semaphore_mem>>)
    %dma_wait3A = arith.constant 0 : i32
    %dma_wait3A_72 = arith.constant 0 : i32
    %dma_wait3A_73 = arith.constant 0 : i32
    %dma_wait3A_74 = arith.constant 0 : i32
    %dma_wait3A_75 = tpu.memref_slice %arg6[%dma_wait3A_72, %dma_wait3A_73, %dma_wait3A_74] : memref<8x128x64xf32, #tpu.memory_space<vmem>> -> memref<1x128x64xf32, #tpu.memory_space<vmem>>
    %dma_wait3A_76 = tpu.memref_squeeze %dma_wait3A_75 : memref<1x128x64xf32, #tpu.memory_space<vmem>> -> memref<128x64xf32, #tpu.memory_space<vmem>>
    %dma_wait3A_77 = arith.constant 0 : i32
    %dma_wait3A_78 = tpu.memref_slice %arg5[%dma_wait3A, %dma_wait3A_77] : memref<200x128xi32, #tpu.memory_space<vmem>> -> memref<1x128xi32, #tpu.memory_space<vmem>>
    %dma_wait3A_79 = tpu.memref_squeeze %dma_wait3A_78 : memref<1x128xi32, #tpu.memory_space<vmem>> -> memref<128xi32, #tpu.memory_space<vmem>>
    %dma_wait3A_80 = arith.constant 0 : i32
    %dma_wait3A_81 = arith.constant 0 : i32
    %dma_wait3A_82 = tpu.memref_slice %arg2[%dma_wait3A_80, %dma_wait3A_81] : memref<1000000x64xf32, #tpu.memory_space<hbm>> -> memref<1000000x64xf32, #tpu.memory_space<hbm>>
    tpu.wait_indirect_dma semaphore(%arg7 : memref<!tpu.dma_semaphore, #tpu.memory_space<semaphore_mem>>) src(%dma_wait3A_82 : memref<1000000x64xf32, #tpu.memory_space<hbm>>) dst(%dma_wait3A_76 : memref<128x64xf32, #tpu.memory_space<vmem>>)
    %dma_start3A_83 = arith.constant 0 : i32
    %dma_start3A_84 = arith.constant 0 : i32
    %dma_start3A_85 = arith.constant 0 : i32
    %dma_start3A_86 = arith.constant 0 : i32
    %dma_start3A_87 = tpu.memref_slice %arg6[%dma_start3A_83, %dma_start3A_85, %dma_start3A_86] : memref<8x128x64xf32, #tpu.memory_space<vmem>> -> memref<1x128x64xf32, #tpu.memory_space<vmem>>
    %dma_start3A_88 = tpu.memref_squeeze %dma_start3A_87 : memref<1x128x64xf32, #tpu.memory_space<vmem>> -> memref<128x64xf32, #tpu.memory_space<vmem>>
    %dma_start3A_89 = arith.constant 0 : i32
    %dma_start3A_90 = arith.constant 0 : i32
    %dma_start3A_91 = tpu.memref_slice %arg4[%add3A, %dma_start3A_84, %dma_start3A_89, %dma_start3A_90] : memref<32x200x128x64xf32, #tpu.memory_space<hbm>> -> memref<1x1x128x64xf32, #tpu.memory_space<hbm>>
    %dma_start3A_92 = tpu.memref_squeeze %dma_start3A_91 : memref<1x1x128x64xf32, #tpu.memory_space<hbm>> -> memref<128x64xf32, #tpu.memory_space<hbm>>
    %dma_start3A_93 = arith.constant 0 : i32
    %dma_start3A_94 = arith.constant 0 : i32
    %dma_start3A_95 = tpu.memref_slice %arg4[%add3A, %dma_start3A_84, %dma_start3A_93, %dma_start3A_94] : memref<32x200x128x64xf32, #tpu.memory_space<hbm>> -> memref<1x1x128x64xf32, #tpu.memory_space<hbm>>
    %dma_start3A_96 = tpu.memref_squeeze %dma_start3A_95 : memref<1x1x128x64xf32, #tpu.memory_space<hbm>> -> memref<128x64xf32, #tpu.memory_space<hbm>>
    %dma_start3A_97 = arith.constant 0 : i32
    %dma_start3A_98 = arith.constant 0 : i32
    %dma_start3A_99 = tpu.memref_slice %arg6[%dma_start3A_83, %dma_start3A_97, %dma_start3A_98] : memref<8x128x64xf32, #tpu.memory_space<vmem>> -> memref<1x128x64xf32, #tpu.memory_space<vmem>>
    %dma_start3A_100 = tpu.memref_squeeze %dma_start3A_99 : memref<1x128x64xf32, #tpu.memory_space<vmem>> -> memref<128x64xf32, #tpu.memory_space<vmem>>
    tpu.enqueue_dma source(%dma_start3A_100 : memref<128x64xf32, #tpu.memory_space<vmem>>) target(%dma_start3A_96 : memref<128x64xf32, #tpu.memory_space<hbm>>) target_semaphore(%arg15 : memref<!tpu.dma_semaphore, #tpu.memory_space<semaphore_mem>>)
    %dma_start3A_101 = arith.constant 6 : i32
    %dma_start3A_102 = arith.constant 6 : i32
    %dma_start3A_103 = arith.constant 0 : i32
    %dma_start3A_104 = arith.constant 0 : i32
    %dma_start3A_105 = tpu.memref_slice %arg6[%dma_start3A_102, %dma_start3A_103, %dma_start3A_104] : memref<8x128x64xf32, #tpu.memory_space<vmem>> -> memref<1x128x64xf32, #tpu.memory_space<vmem>>
    %dma_start3A_106 = tpu.memref_squeeze %dma_start3A_105 : memref<1x128x64xf32, #tpu.memory_space<vmem>> -> memref<128x64xf32, #tpu.memory_space<vmem>>
    %dma_start3A_107 = arith.constant 0 : i32
    %dma_start3A_108 = tpu.memref_slice %arg5[%dma_start3A_101, %dma_start3A_107] : memref<200x128xi32, #tpu.memory_space<vmem>> -> memref<1x128xi32, #tpu.memory_space<vmem>>
    %dma_start3A_109 = tpu.memref_squeeze %dma_start3A_108 : memref<1x128xi32, #tpu.memory_space<vmem>> -> memref<128xi32, #tpu.memory_space<vmem>>
    %dma_start3A_110 = arith.constant 0 : i32
    %dma_start3A_111 = arith.constant 0 : i32
    %dma_start3A_112 = tpu.memref_slice %arg2[%dma_start3A_110, %dma_start3A_111] : memref<1000000x64xf32, #tpu.memory_space<hbm>> -> memref<1000000x64xf32, #tpu.memory_space<hbm>>
    tpu.enqueue_indirect_dma source(%dma_start3A_112 : memref<1000000x64xf32, #tpu.memory_space<hbm>>) target(%dma_start3A_106 : memref<128x64xf32, #tpu.memory_space<vmem>>) offsets(%dma_start3A_109 : memref<128xi32, #tpu.memory_space<vmem>>) semaphore(%arg13 : memref<!tpu.dma_semaphore, #tpu.memory_space<semaphore_mem>>)
    %dma_wait3A_113 = arith.constant 0 : i32
    %dma_wait3A_114 = arith.constant 1 : i32
    %dma_wait3A_115 = arith.constant 0 : i32
    %dma_wait3A_116 = arith.constant 0 : i32
    %dma_wait3A_117 = tpu.memref_slice %arg6[%dma_wait3A_114, %dma_wait3A_115, %dma_wait3A_116] : memref<8x128x64xf32, #tpu.memory_space<vmem>> -> memref<1x128x64xf32, #tpu.memory_space<vmem>>
    %dma_wait3A_118 = tpu.memref_squeeze %dma_wait3A_117 : memref<1x128x64xf32, #tpu.memory_space<vmem>> -> memref<128x64xf32, #tpu.memory_space<vmem>>
    %dma_wait3A_119 = arith.constant 0 : i32
    %dma_wait3A_120 = tpu.memref_slice %arg5[%dma_wait3A_113, %dma_wait3A_119] : memref<200x128xi32, #tpu.memory_space<vmem>> -> memref<1x128xi32, #tpu.memory_space<vmem>>
    %dma_wait3A_121 = tpu.memref_squeeze %dma_wait3A_120 : memref<1x128xi32, #tpu.memory_space<vmem>> -> memref<128xi32, #tpu.memory_space<vmem>>
    %dma_wait3A_122 = arith.constant 0 : i32
    %dma_wait3A_123 = arith.constant 0 : i32
    %dma_wait3A_124 = tpu.memref_slice %arg2[%dma_wait3A_122, %dma_wait3A_123] : memref<1000000x64xf32, #tpu.memory_space<hbm>> -> memref<1000000x64xf32, #tpu.memory_space<hbm>>
    tpu.wait_indirect_dma semaphore(%arg8 : memref<!tpu.dma_semaphore, #tpu.memory_space<semaphore_mem>>) src(%dma_wait3A_124 : memref<1000000x64xf32, #tpu.memory_space<hbm>>) dst(%dma_wait3A_118 : memref<128x64xf32, #tpu.memory_space<vmem>>)
    %dma_start3A_125 = arith.constant 1 : i32
    %dma_start3A_126 = arith.constant 1 : i32
    %dma_start3A_127 = arith.constant 0 : i32
    %dma_start3A_128 = arith.constant 0 : i32
    %dma_start3A_129 = tpu.memref_slice %arg6[%dma_start3A_125, %dma_start3A_127, %dma_start3A_128] : memref<8x128x64xf32, #tpu.memory_space<vmem>> -> memref<1x128x64xf32, #tpu.memory_space<vmem>>
    %dma_start3A_130 = tpu.memref_squeeze %dma_start3A_129 : memref<1x128x64xf32, #tpu.memory_space<vmem>> -> memref<128x64xf32, #tpu.memory_space<vmem>>
    %dma_start3A_131 = arith.constant 0 : i32
    %dma_start3A_132 = arith.constant 0 : i32
    %dma_start3A_133 = tpu.memref_slice %arg4[%add3A, %dma_start3A_126, %dma_start3A_131, %dma_start3A_132] : memref<32x200x128x64xf32, #tpu.memory_space<hbm>> -> memref<1x1x128x64xf32, #tpu.memory_space<hbm>>
    %dma_start3A_134 = tpu.memref_squeeze %dma_start3A_133 : memref<1x1x128x64xf32, #tpu.memory_space<hbm>> -> memref<128x64xf32, #tpu.memory_space<hbm>>
    %dma_start3A_135 = arith.constant 0 : i32
    %dma_start3A_136 = arith.constant 0 : i32
    %dma_start3A_137 = tpu.memref_slice %arg4[%add3A, %dma_start3A_126, %dma_start3A_135, %dma_start3A_136] : memref<32x200x128x64xf32, #tpu.memory_space<hbm>> -> memref<1x1x128x64xf32, #tpu.memory_space<hbm>>
    %dma_start3A_138 = tpu.memref_squeeze %dma_start3A_137 : memref<1x1x128x64xf32, #tpu.memory_space<hbm>> -> memref<128x64xf32, #tpu.memory_space<hbm>>
    %dma_start3A_139 = arith.constant 0 : i32
    %dma_start3A_140 = arith.constant 0 : i32
    %dma_start3A_141 = tpu.memref_slice %arg6[%dma_start3A_125, %dma_start3A_139, %dma_start3A_140] : memref<8x128x64xf32, #tpu.memory_space<vmem>> -> memref<1x128x64xf32, #tpu.memory_space<vmem>>
    %dma_start3A_142 = tpu.memref_squeeze %dma_start3A_141 : memref<1x128x64xf32, #tpu.memory_space<vmem>> -> memref<128x64xf32, #tpu.memory_space<vmem>>
    tpu.enqueue_dma source(%dma_start3A_142 : memref<128x64xf32, #tpu.memory_space<vmem>>) target(%dma_start3A_138 : memref<128x64xf32, #tpu.memory_space<hbm>>) target_semaphore(%arg16 : memref<!tpu.dma_semaphore, #tpu.memory_space<semaphore_mem>>)
    %dma_start3A_143 = arith.constant 7 : i32
    %dma_start3A_144 = arith.constant 7 : i32
    %dma_start3A_145 = arith.constant 0 : i32
    %dma_start3A_146 = arith.constant 0 : i32
    %dma_start3A_147 = tpu.memref_slice %arg6[%dma_start3A_144, %dma_start3A_145, %dma_start3A_146] : memref<8x128x64xf32, #tpu.memory_space<vmem>> -> memref<1x128x64xf32, #tpu.memory_space<vmem>>
    %dma_start3A_148 = tpu.memref_squeeze %dma_start3A_147 : memref<1x128x64xf32, #tpu.memory_space<vmem>> -> memref<128x64xf32, #tpu.memory_space<vmem>>
    %dma_start3A_149 = arith.constant 0 : i32
    %dma_start3A_150 = tpu.memref_slice %arg5[%dma_start3A_143, %dma_start3A_149] : memref<200x128xi32, #tpu.memory_space<vmem>> -> memref<1x128xi32, #tpu.memory_space<vmem>>
    %dma_start3A_151 = tpu.memref_squeeze %dma_start3A_150 : memref<1x128xi32, #tpu.memory_space<vmem>> -> memref<128xi32, #tpu.memory_space<vmem>>
    %dma_start3A_152 = arith.constant 0 : i32
    %dma_start3A_153 = arith.constant 0 : i32
    %dma_start3A_154 = tpu.memref_slice %arg2[%dma_start3A_152, %dma_start3A_153] : memref<1000000x64xf32, #tpu.memory_space<hbm>> -> memref<1000000x64xf32, #tpu.memory_space<hbm>>
    tpu.enqueue_indirect_dma source(%dma_start3A_154 : memref<1000000x64xf32, #tpu.memory_space<hbm>>) target(%dma_start3A_148 : memref<128x64xf32, #tpu.memory_space<vmem>>) offsets(%dma_start3A_151 : memref<128xi32, #tpu.memory_space<vmem>>) semaphore(%arg14 : memref<!tpu.dma_semaphore, #tpu.memory_space<semaphore_mem>>)
    %dma_wait3A_155 = arith.constant 0 : i32
    %dma_wait3A_156 = arith.constant 2 : i32
    %dma_wait3A_157 = arith.constant 0 : i32
    %dma_wait3A_158 = arith.constant 0 : i32
    %dma_wait3A_159 = tpu.memref_slice %arg6[%dma_wait3A_156, %dma_wait3A_157, %dma_wait3A_158] : memref<8x128x64xf32, #tpu.memory_space<vmem>> -> memref<1x128x64xf32, #tpu.memory_space<vmem>>
    %dma_wait3A_160 = tpu.memref_squeeze %dma_wait3A_159 : memref<1x128x64xf32, #tpu.memory_space<vmem>> -> memref<128x64xf32, #tpu.memory_space<vmem>>
    %dma_wait3A_161 = arith.constant 0 : i32
    %dma_wait3A_162 = tpu.memref_slice %arg5[%dma_wait3A_155, %dma_wait3A_161] : memref<200x128xi32, #tpu.memory_space<vmem>> -> memref<1x128xi32, #tpu.memory_space<vmem>>
    %dma_wait3A_163 = tpu.memref_squeeze %dma_wait3A_162 : memref<1x128xi32, #tpu.memory_space<vmem>> -> memref<128xi32, #tpu.memory_space<vmem>>
    %dma_wait3A_164 = arith.constant 0 : i32
    %dma_wait3A_165 = arith.constant 0 : i32
    %dma_wait3A_166 = tpu.memref_slice %arg2[%dma_wait3A_164, %dma_wait3A_165] : memref<1000000x64xf32, #tpu.memory_space<hbm>> -> memref<1000000x64xf32, #tpu.memory_space<hbm>>
    tpu.wait_indirect_dma semaphore(%arg9 : memref<!tpu.dma_semaphore, #tpu.memory_space<semaphore_mem>>) src(%dma_wait3A_166 : memref<1000000x64xf32, #tpu.memory_space<hbm>>) dst(%dma_wait3A_160 : memref<128x64xf32, #tpu.memory_space<vmem>>)
    %dma_start3A_167 = arith.constant 2 : i32
    %dma_start3A_168 = arith.constant 2 : i32
    %dma_start3A_169 = arith.constant 0 : i32
    %dma_start3A_170 = arith.constant 0 : i32
    %dma_start3A_171 = tpu.memref_slice %arg6[%dma_start3A_167, %dma_start3A_169, %dma_start3A_170] : memref<8x128x64xf32, #tpu.memory_space<vmem>> -> memref<1x128x64xf32, #tpu.memory_space<vmem>>
    %dma_start3A_172 = tpu.memref_squeeze %dma_start3A_171 : memref<1x128x64xf32, #tpu.memory_space<vmem>> -> memref<128x64xf32, #tpu.memory_space<vmem>>
    %dma_start3A_173 = arith.constant 0 : i32
    %dma_start3A_174 = arith.constant 0 : i32
    %dma_start3A_175 = tpu.memref_slice %arg4[%add3A, %dma_start3A_168, %dma_start3A_173, %dma_start3A_174] : memref<32x200x128x64xf32, #tpu.memory_space<hbm>> -> memref<1x1x128x64xf32, #tpu.memory_space<hbm>>
    %dma_start3A_176 = tpu.memref_squeeze %dma_start3A_175 : memref<1x1x128x64xf32, #tpu.memory_space<hbm>> -> memref<128x64xf32, #tpu.memory_space<hbm>>
    %dma_start3A_177 = arith.constant 0 : i32
    %dma_start3A_178 = arith.constant 0 : i32
    %dma_start3A_179 = tpu.memref_slice %arg4[%add3A, %dma_start3A_168, %dma_start3A_177, %dma_start3A_178] : memref<32x200x128x64xf32, #tpu.memory_space<hbm>> -> memref<1x1x128x64xf32, #tpu.memory_space<hbm>>
    %dma_start3A_180 = tpu.memref_squeeze %dma_start3A_179 : memref<1x1x128x64xf32, #tpu.memory_space<hbm>> -> memref<128x64xf32, #tpu.memory_space<hbm>>
    %dma_start3A_181 = arith.constant 0 : i32
    %dma_start3A_182 = arith.constant 0 : i32
    %dma_start3A_183 = tpu.memref_slice %arg6[%dma_start3A_167, %dma_start3A_181, %dma_start3A_182] : memref<8x128x64xf32, #tpu.memory_space<vmem>> -> memref<1x128x64xf32, #tpu.memory_space<vmem>>
    %dma_start3A_184 = tpu.memref_squeeze %dma_start3A_183 : memref<1x128x64xf32, #tpu.memory_space<vmem>> -> memref<128x64xf32, #tpu.memory_space<vmem>>
    tpu.enqueue_dma source(%dma_start3A_184 : memref<128x64xf32, #tpu.memory_space<vmem>>) target(%dma_start3A_180 : memref<128x64xf32, #tpu.memory_space<hbm>>) target_semaphore(%arg17 : memref<!tpu.dma_semaphore, #tpu.memory_space<semaphore_mem>>)
    %dma_wait3A_185 = arith.constant 0 : i32
    %dma_wait3A_186 = arith.constant 0 : i32
    %dma_wait3A_187 = arith.constant 0 : i32
    %dma_wait3A_188 = arith.constant 0 : i32
    %dma_wait3A_189 = tpu.memref_slice %arg6[%dma_wait3A_185, %dma_wait3A_187, %dma_wait3A_188] : memref<8x128x64xf32, #tpu.memory_space<vmem>> -> memref<1x128x64xf32, #tpu.memory_space<vmem>>
    %dma_wait3A_190 = tpu.memref_squeeze %dma_wait3A_189 : memref<1x128x64xf32, #tpu.memory_space<vmem>> -> memref<128x64xf32, #tpu.memory_space<vmem>>
    %dma_wait3A_191 = arith.constant 0 : i32
    %dma_wait3A_192 = arith.constant 0 : i32
    %dma_wait3A_193 = tpu.memref_slice %arg4[%add3A, %dma_wait3A_186, %dma_wait3A_191, %dma_wait3A_192] : memref<32x200x128x64xf32, #tpu.memory_space<hbm>> -> memref<1x1x128x64xf32, #tpu.memory_space<hbm>>
    %dma_wait3A_194 = tpu.memref_squeeze %dma_wait3A_193 : memref<1x1x128x64xf32, #tpu.memory_space<hbm>> -> memref<128x64xf32, #tpu.memory_space<hbm>>
    %dma_wait3A_195 = arith.constant 0 : i32
    %dma_wait3A_196 = arith.constant 0 : i32
    %dma_wait3A_197 = tpu.memref_slice %arg4[%add3A, %dma_wait3A_186, %dma_wait3A_195, %dma_wait3A_196] : memref<32x200x128x64xf32, #tpu.memory_space<hbm>> -> memref<1x1x128x64xf32, #tpu.memory_space<hbm>>
    %dma_wait3A_198 = tpu.memref_squeeze %dma_wait3A_197 : memref<1x1x128x64xf32, #tpu.memory_space<hbm>> -> memref<128x64xf32, #tpu.memory_space<hbm>>
    %dma_wait3A_199 = arith.constant 0 : i32
    %dma_wait3A_200 = arith.constant 0 : i32
    %dma_wait3A_201 = tpu.memref_slice %arg6[%dma_wait3A_185, %dma_wait3A_199, %dma_wait3A_200] : memref<8x128x64xf32, #tpu.memory_space<vmem>> -> memref<1x128x64xf32, #tpu.memory_space<vmem>>
    %dma_wait3A_202 = tpu.memref_squeeze %dma_wait3A_201 : memref<1x128x64xf32, #tpu.memory_space<vmem>> -> memref<128x64xf32, #tpu.memory_space<vmem>>
    tpu.wait_dma2 semaphore(%arg15 : memref<!tpu.dma_semaphore, #tpu.memory_space<semaphore_mem>>) src(%dma_wait3A_202 : memref<128x64xf32, #tpu.memory_space<vmem>>) dst(%dma_wait3A_198 : memref<128x64xf32, #tpu.memory_space<hbm>>)
    %dma_start3A_203 = arith.constant 8 : i32
    %dma_start3A_204 = arith.constant 0 : i32
    %dma_start3A_205 = arith.constant 0 : i32
    %dma_start3A_206 = arith.constant 0 : i32
    %dma_start3A_207 = tpu.memref_slice %arg6[%dma_start3A_204, %dma_start3A_205, %dma_start3A_206] : memref<8x128x64xf32, #tpu.memory_space<vmem>> -> memref<1x128x64xf32, #tpu.memory_space<vmem>>
    %dma_start3A_208 = tpu.memref_squeeze %dma_start3A_207 : memref<1x128x64xf32, #tpu.memory_space<vmem>> -> memref<128x64xf32, #tpu.memory_space<vmem>>
    %dma_start3A_209 = arith.constant 0 : i32
    %dma_start3A_210 = tpu.memref_slice %arg5[%dma_start3A_203, %dma_start3A_209] : memref<200x128xi32, #tpu.memory_space<vmem>> -> memref<1x128xi32, #tpu.memory_space<vmem>>
    %dma_start3A_211 = tpu.memref_squeeze %dma_start3A_210 : memref<1x128xi32, #tpu.memory_space<vmem>> -> memref<128xi32, #tpu.memory_space<vmem>>
    %dma_start3A_212 = arith.constant 0 : i32
    %dma_start3A_213 = arith.constant 0 : i32
    %dma_start3A_214 = tpu.memref_slice %arg2[%dma_start3A_212, %dma_start3A_213] : memref<1000000x64xf32, #tpu.memory_space<hbm>> -> memref<1000000x64xf32, #tpu.memory_space<hbm>>
    tpu.enqueue_indirect_dma source(%dma_start3A_214 : memref<1000000x64xf32, #tpu.memory_space<hbm>>) target(%dma_start3A_208 : memref<128x64xf32, #tpu.memory_space<vmem>>) offsets(%dma_start3A_211 : memref<128xi32, #tpu.memory_space<vmem>>) semaphore(%arg7 : memref<!tpu.dma_semaphore, #tpu.memory_space<semaphore_mem>>)
    %dma_wait3A_215 = arith.constant 0 : i32
    %dma_wait3A_216 = arith.constant 3 : i32
    %dma_wait3A_217 = arith.constant 0 : i32
    %dma_wait3A_218 = arith.constant 0 : i32
    %dma_wait3A_219 = tpu.memref_slice %arg6[%dma_wait3A_216, %dma_wait3A_217, %dma_wait3A_218] : memref<8x128x64xf32, #tpu.memory_space<vmem>> -> memref<1x128x64xf32, #tpu.memory_space<vmem>>
    %dma_wait3A_220 = tpu.memref_squeeze %dma_wait3A_219 : memref<1x128x64xf32, #tpu.memory_space<vmem>> -> memref<128x64xf32, #tpu.memory_space<vmem>>
    %dma_wait3A_221 = arith.constant 0 : i32
    %dma_wait3A_222 = tpu.memref_slice %arg5[%dma_wait3A_215, %dma_wait3A_221] : memref<200x128xi32, #tpu.memory_space<vmem>> -> memref<1x128xi32, #tpu.memory_space<vmem>>
    %dma_wait3A_223 = tpu.memref_squeeze %dma_wait3A_222 : memref<1x128xi32, #tpu.memory_space<vmem>> -> memref<128xi32, #tpu.memory_space<vmem>>
    %dma_wait3A_224 = arith.constant 0 : i32
    %dma_wait3A_225 = arith.constant 0 : i32
    %dma_wait3A_226 = tpu.memref_slice %arg2[%dma_wait3A_224, %dma_wait3A_225] : memref<1000000x64xf32, #tpu.memory_space<hbm>> -> memref<1000000x64xf32, #tpu.memory_space<hbm>>
    tpu.wait_indirect_dma semaphore(%arg10 : memref<!tpu.dma_semaphore, #tpu.memory_space<semaphore_mem>>) src(%dma_wait3A_226 : memref<1000000x64xf32, #tpu.memory_space<hbm>>) dst(%dma_wait3A_220 : memref<128x64xf32, #tpu.memory_space<vmem>>)
    %dma_start3A_227 = arith.constant 3 : i32
    %dma_start3A_228 = arith.constant 3 : i32
    %dma_start3A_229 = arith.constant 0 : i32
    %dma_start3A_230 = arith.constant 0 : i32
    %dma_start3A_231 = tpu.memref_slice %arg6[%dma_start3A_227, %dma_start3A_229, %dma_start3A_230] : memref<8x128x64xf32, #tpu.memory_space<vmem>> -> memref<1x128x64xf32, #tpu.memory_space<vmem>>
    %dma_start3A_232 = tpu.memref_squeeze %dma_start3A_231 : memref<1x128x64xf32, #tpu.memory_space<vmem>> -> memref<128x64xf32, #tpu.memory_space<vmem>>
    %dma_start3A_233 = arith.constant 0 : i32
    %dma_start3A_234 = arith.constant 0 : i32
    %dma_start3A_235 = tpu.memref_slice %arg4[%add3A, %dma_start3A_228, %dma_start3A_233, %dma_start3A_234] : memref<32x200x128x64xf32, #tpu.memory_space<hbm>> -> memref<1x1x128x64xf32, #tpu.memory_space<hbm>>
    %dma_start3A_236 = tpu.memref_squeeze %dma_start3A_235 : memref<1x1x128x64xf32, #tpu.memory_space<hbm>> -> memref<128x64xf32, #tpu.memory_space<hbm>>
    %dma_start3A_237 = arith.constant 0 : i32
    %dma_start3A_238 = arith.constant 0 : i32
    %dma_start3A_239 = tpu.memref_slice %arg4[%add3A, %dma_start3A_228, %dma_start3A_237, %dma_start3A_238] : memref<32x200x128x64xf32, #tpu.memory_space<hbm>> -> memref<1x1x128x64xf32, #tpu.memory_space<hbm>>
    %dma_start3A_240 = tpu.memref_squeeze %dma_start3A_239 : memref<1x1x128x64xf32, #tpu.memory_space<hbm>> -> memref<128x64xf32, #tpu.memory_space<hbm>>
    %dma_start3A_241 = arith.constant 0 : i32
    %dma_start3A_242 = arith.constant 0 : i32
    %dma_start3A_243 = tpu.memref_slice %arg6[%dma_start3A_227, %dma_start3A_241, %dma_start3A_242] : memref<8x128x64xf32, #tpu.memory_space<vmem>> -> memref<1x128x64xf32, #tpu.memory_space<vmem>>
    %dma_start3A_244 = tpu.memref_squeeze %dma_start3A_243 : memref<1x128x64xf32, #tpu.memory_space<vmem>> -> memref<128x64xf32, #tpu.memory_space<vmem>>
    tpu.enqueue_dma source(%dma_start3A_244 : memref<128x64xf32, #tpu.memory_space<vmem>>) target(%dma_start3A_240 : memref<128x64xf32, #tpu.memory_space<hbm>>) target_semaphore(%arg18 : memref<!tpu.dma_semaphore, #tpu.memory_space<semaphore_mem>>)
    %dma_wait3A_245 = arith.constant 1 : i32
    %dma_wait3A_246 = arith.constant 0 : i32
    %dma_wait3A_247 = arith.constant 0 : i32
    %dma_wait3A_248 = arith.constant 0 : i32
    %dma_wait3A_249 = tpu.memref_slice %arg6[%dma_wait3A_245, %dma_wait3A_247, %dma_wait3A_248] : memref<8x128x64xf32, #tpu.memory_space<vmem>> -> memref<1x128x64xf32, #tpu.memory_space<vmem>>
    %dma_wait3A_250 = tpu.memref_squeeze %dma_wait3A_249 : memref<1x128x64xf32, #tpu.memory_space<vmem>> -> memref<128x64xf32, #tpu.memory_space<vmem>>
    %dma_wait3A_251 = arith.constant 0 : i32
    %dma_wait3A_252 = arith.constant 0 : i32
    %dma_wait3A_253 = tpu.memref_slice %arg4[%add3A, %dma_wait3A_246, %dma_wait3A_251, %dma_wait3A_252] : memref<32x200x128x64xf32, #tpu.memory_space<hbm>> -> memref<1x1x128x64xf32, #tpu.memory_space<hbm>>
    %dma_wait3A_254 = tpu.memref_squeeze %dma_wait3A_253 : memref<1x1x128x64xf32, #tpu.memory_space<hbm>> -> memref<128x64xf32, #tpu.memory_space<hbm>>
    %dma_wait3A_255 = arith.constant 0 : i32
    %dma_wait3A_256 = arith.constant 0 : i32
    %dma_wait3A_257 = tpu.memref_slice %arg4[%add3A, %dma_wait3A_246, %dma_wait3A_255, %dma_wait3A_256] : memref<32x200x128x64xf32, #tpu.memory_space<hbm>> -> memref<1x1x128x64xf32, #tpu.memory_space<hbm>>
    %dma_wait3A_258 = tpu.memref_squeeze %dma_wait3A_257 : memref<1x1x128x64xf32, #tpu.memory_space<hbm>> -> memref<128x64xf32, #tpu.memory_space<hbm>>
    %dma_wait3A_259 = arith.constant 0 : i32
    %dma_wait3A_260 = arith.constant 0 : i32
    %dma_wait3A_261 = tpu.memref_slice %arg6[%dma_wait3A_245, %dma_wait3A_259, %dma_wait3A_260] : memref<8x128x64xf32, #tpu.memory_space<vmem>> -> memref<1x128x64xf32, #tpu.memory_space<vmem>>
    %dma_wait3A_262 = tpu.memref_squeeze %dma_wait3A_261 : memref<1x128x64xf32, #tpu.memory_space<vmem>> -> memref<128x64xf32, #tpu.memory_space<vmem>>
    tpu.wait_dma2 semaphore(%arg16 : memref<!tpu.dma_semaphore, #tpu.memory_space<semaphore_mem>>) src(%dma_wait3A_262 : memref<128x64xf32, #tpu.memory_space<vmem>>) dst(%dma_wait3A_258 : memref<128x64xf32, #tpu.memory_space<hbm>>)
    %dma_start3A_263 = arith.constant 9 : i32
    %dma_start3A_264 = arith.constant 1 : i32
    %dma_start3A_265 = arith.constant 0 : i32
    %dma_start3A_266 = arith.constant 0 : i32
    %dma_start3A_267 = tpu.memref_slice %arg6[%dma_start3A_264, %dma_start3A_265, %dma_start3A_266] : memref<8x128x64xf32, #tpu.memory_space<vmem>> -> memref<1x128x64xf32, #tpu.memory_space<vmem>>
    %dma_start3A_268 = tpu.memref_squeeze %dma_start3A_267 : memref<1x128x64xf32, #tpu.memory_space<vmem>> -> memref<128x64xf32, #tpu.memory_space<vmem>>
    %dma_start3A_269 = arith.constant 0 : i32
    %dma_start3A_270 = tpu.memref_slice %arg5[%dma_start3A_263, %dma_start3A_269] : memref<200x128xi32, #tpu.memory_space<vmem>> -> memref<1x128xi32, #tpu.memory_space<vmem>>
    %dma_start3A_271 = tpu.memref_squeeze %dma_start3A_270 : memref<1x128xi32, #tpu.memory_space<vmem>> -> memref<128xi32, #tpu.memory_space<vmem>>
    %dma_start3A_272 = arith.constant 0 : i32
    %dma_start3A_273 = arith.constant 0 : i32
    %dma_start3A_274 = tpu.memref_slice %arg2[%dma_start3A_272, %dma_start3A_273] : memref<1000000x64xf32, #tpu.memory_space<hbm>> -> memref<1000000x64xf32, #tpu.memory_space<hbm>>
    tpu.enqueue_indirect_dma source(%dma_start3A_274 : memref<1000000x64xf32, #tpu.memory_space<hbm>>) target(%dma_start3A_268 : memref<128x64xf32, #tpu.memory_space<vmem>>) offsets(%dma_start3A_271 : memref<128xi32, #tpu.memory_space<vmem>>) semaphore(%arg8 : memref<!tpu.dma_semaphore, #tpu.memory_space<semaphore_mem>>)
    %dma_wait3A_275 = arith.constant 0 : i32
    %dma_wait3A_276 = arith.constant 4 : i32
    %dma_wait3A_277 = arith.constant 0 : i32
    %dma_wait3A_278 = arith.constant 0 : i32
    %dma_wait3A_279 = tpu.memref_slice %arg6[%dma_wait3A_276, %dma_wait3A_277, %dma_wait3A_278] : memref<8x128x64xf32, #tpu.memory_space<vmem>> -> memref<1x128x64xf32, #tpu.memory_space<vmem>>
    %dma_wait3A_280 = tpu.memref_squeeze %dma_wait3A_279 : memref<1x128x64xf32, #tpu.memory_space<vmem>> -> memref<128x64xf32, #tpu.memory_space<vmem>>
    %dma_wait3A_281 = arith.constant 0 : i32
    %dma_wait3A_282 = tpu.memref_slice %arg5[%dma_wait3A_275, %dma_wait3A_281] : memref<200x128xi32, #tpu.memory_space<vmem>> -> memref<1x128xi32, #tpu.memory_space<vmem>>
    %dma_wait3A_283 = tpu.memref_squeeze %dma_wait3A_282 : memref<1x128xi32, #tpu.memory_space<vmem>> -> memref<128xi32, #tpu.memory_space<vmem>>
    %dma_wait3A_284 = arith.constant 0 : i32
    %dma_wait3A_285 = arith.constant 0 : i32
    %dma_wait3A_286 = tpu.memref_slice %arg2[%dma_wait3A_284, %dma_wait3A_285] : memref<1000000x64xf32, #tpu.memory_space<hbm>> -> memref<1000000x64xf32, #tpu.memory_space<hbm>>
    tpu.wait_indirect_dma semaphore(%arg11 : memref<!tpu.dma_semaphore, #tpu.memory_space<semaphore_mem>>) src(%dma_wait3A_286 : memref<1000000x64xf32, #tpu.memory_space<hbm>>) dst(%dma_wait3A_280 : memref<128x64xf32, #tpu.memory_space<vmem>>)
    %dma_start3A_287 = arith.constant 4 : i32
    %dma_start3A_288 = arith.constant 4 : i32
    %dma_start3A_289 = arith.constant 0 : i32
    %dma_start3A_290 = arith.constant 0 : i32
    %dma_start3A_291 = tpu.memref_slice %arg6[%dma_start3A_287, %dma_start3A_289, %dma_start3A_290] : memref<8x128x64xf32, #tpu.memory_space<vmem>> -> memref<1x128x64xf32, #tpu.memory_space<vmem>>
    %dma_start3A_292 = tpu.memref_squeeze %dma_start3A_291 : memref<1x128x64xf32, #tpu.memory_space<vmem>> -> memref<128x64xf32, #tpu.memory_space<vmem>>
    %dma_start3A_293 = arith.constant 0 : i32
    %dma_start3A_294 = arith.constant 0 : i32
    %dma_start3A_295 = tpu.memref_slice %arg4[%add3A, %dma_start3A_288, %dma_start3A_293, %dma_start3A_294] : memref<32x200x128x64xf32, #tpu.memory_space<hbm>> -> memref<1x1x128x64xf32, #tpu.memory_space<hbm>>
    %dma_start3A_296 = tpu.memref_squeeze %dma_start3A_295 : memref<1x1x128x64xf32, #tpu.memory_space<hbm>> -> memref<128x64xf32, #tpu.memory_space<hbm>>
    %dma_start3A_297 = arith.constant 0 : i32
    %dma_start3A_298 = arith.constant 0 : i32
    %dma_start3A_299 = tpu.memref_slice %arg4[%add3A, %dma_start3A_288, %dma_start3A_297, %dma_start3A_298] : memref<32x200x128x64xf32, #tpu.memory_space<hbm>> -> memref<1x1x128x64xf32, #tpu.memory_space<hbm>>
    %dma_start3A_300 = tpu.memref_squeeze %dma_start3A_299 : memref<1x1x128x64xf32, #tpu.memory_space<hbm>> -> memref<128x64xf32, #tpu.memory_space<hbm>>
    %dma_start3A_301 = arith.constant 0 : i32
    %dma_start3A_302 = arith.constant 0 : i32
    %dma_start3A_303 = tpu.memref_slice %arg6[%dma_start3A_287, %dma_start3A_301, %dma_start3A_302] : memref<8x128x64xf32, #tpu.memory_space<vmem>> -> memref<1x128x64xf32, #tpu.memory_space<vmem>>
    %dma_start3A_304 = tpu.memref_squeeze %dma_start3A_303 : memref<1x128x64xf32, #tpu.memory_space<vmem>> -> memref<128x64xf32, #tpu.memory_space<vmem>>
    tpu.enqueue_dma source(%dma_start3A_304 : memref<128x64xf32, #tpu.memory_space<vmem>>) target(%dma_start3A_300 : memref<128x64xf32, #tpu.memory_space<hbm>>) target_semaphore(%arg19 : memref<!tpu.dma_semaphore, #tpu.memory_space<semaphore_mem>>)
    %dma_wait3A_305 = arith.constant 2 : i32
    %dma_wait3A_306 = arith.constant 0 : i32
    %dma_wait3A_307 = arith.constant 0 : i32
    %dma_wait3A_308 = arith.constant 0 : i32
    %dma_wait3A_309 = tpu.memref_slice %arg6[%dma_wait3A_305, %dma_wait3A_307, %dma_wait3A_308] : memref<8x128x64xf32, #tpu.memory_space<vmem>> -> memref<1x128x64xf32, #tpu.memory_space<vmem>>
    %dma_wait3A_310 = tpu.memref_squeeze %dma_wait3A_309 : memref<1x128x64xf32, #tpu.memory_space<vmem>> -> memref<128x64xf32, #tpu.memory_space<vmem>>
    %dma_wait3A_311 = arith.constant 0 : i32
    %dma_wait3A_312 = arith.constant 0 : i32
    %dma_wait3A_313 = tpu.memref_slice %arg4[%add3A, %dma_wait3A_306, %dma_wait3A_311, %dma_wait3A_312] : memref<32x200x128x64xf32, #tpu.memory_space<hbm>> -> memref<1x1x128x64xf32, #tpu.memory_space<hbm>>
    %dma_wait3A_314 = tpu.memref_squeeze %dma_wait3A_313 : memref<1x1x128x64xf32, #tpu.memory_space<hbm>> -> memref<128x64xf32, #tpu.memory_space<hbm>>
    %dma_wait3A_315 = arith.constant 0 : i32
    %dma_wait3A_316 = arith.constant 0 : i32
    %dma_wait3A_317 = tpu.memref_slice %arg4[%add3A, %dma_wait3A_306, %dma_wait3A_315, %dma_wait3A_316] : memref<32x200x128x64xf32, #tpu.memory_space<hbm>> -> memref<1x1x128x64xf32, #tpu.memory_space<hbm>>
    %dma_wait3A_318 = tpu.memref_squeeze %dma_wait3A_317 : memref<1x1x128x64xf32, #tpu.memory_space<hbm>> -> memref<128x64xf32, #tpu.memory_space<hbm>>
    %dma_wait3A_319 = arith.constant 0 : i32
    %dma_wait3A_320 = arith.constant 0 : i32
    %dma_wait3A_321 = tpu.memref_slice %arg6[%dma_wait3A_305, %dma_wait3A_319, %dma_wait3A_320] : memref<8x128x64xf32, #tpu.memory_space<vmem>> -> memref<1x128x64xf32, #tpu.memory_space<vmem>>
    %dma_wait3A_322 = tpu.memref_squeeze %dma_wait3A_321 : memref<1x128x64xf32, #tpu.memory_space<vmem>> -> memref<128x64xf32, #tpu.memory_space<vmem>>
    tpu.wait_dma2 semaphore(%arg17 : memref<!tpu.dma_semaphore, #tpu.memory_space<semaphore_mem>>) src(%dma_wait3A_322 : memref<128x64xf32, #tpu.memory_space<vmem>>) dst(%dma_wait3A_318 : memref<128x64xf32, #tpu.memory_space<hbm>>)
    %dma_start3A_323 = arith.constant 10 : i32
    %dma_start3A_324 = arith.constant 2 : i32
    %dma_start3A_325 = arith.constant 0 : i32
    %dma_start3A_326 = arith.constant 0 : i32
    %dma_start3A_327 = tpu.memref_slice %arg6[%dma_start3A_324, %dma_start3A_325, %dma_start3A_326] : memref<8x128x64xf32, #tpu.memory_space<vmem>> -> memref<1x128x64xf32, #tpu.memory_space<vmem>>
    %dma_start3A_328 = tpu.memref_squeeze %dma_start3A_327 : memref<1x128x64xf32, #tpu.memory_space<vmem>> -> memref<128x64xf32, #tpu.memory_space<vmem>>
    %dma_start3A_329 = arith.constant 0 : i32
    %dma_start3A_330 = tpu.memref_slice %arg5[%dma_start3A_323, %dma_start3A_329] : memref<200x128xi32, #tpu.memory_space<vmem>> -> memref<1x128xi32, #tpu.memory_space<vmem>>
    %dma_start3A_331 = tpu.memref_squeeze %dma_start3A_330 : memref<1x128xi32, #tpu.memory_space<vmem>> -> memref<128xi32, #tpu.memory_space<vmem>>
    %dma_start3A_332 = arith.constant 0 : i32
    %dma_start3A_333 = arith.constant 0 : i32
    %dma_start3A_334 = tpu.memref_slice %arg2[%dma_start3A_332, %dma_start3A_333] : memref<1000000x64xf32, #tpu.memory_space<hbm>> -> memref<1000000x64xf32, #tpu.memory_space<hbm>>
    tpu.enqueue_indirect_dma source(%dma_start3A_334 : memref<1000000x64xf32, #tpu.memory_space<hbm>>) target(%dma_start3A_328 : memref<128x64xf32, #tpu.memory_space<vmem>>) offsets(%dma_start3A_331 : memref<128xi32, #tpu.memory_space<vmem>>) semaphore(%arg9 : memref<!tpu.dma_semaphore, #tpu.memory_space<semaphore_mem>>)
    %dma_wait3A_335 = arith.constant 0 : i32
    %dma_wait3A_336 = arith.constant 5 : i32
    %dma_wait3A_337 = arith.constant 0 : i32
    %dma_wait3A_338 = arith.constant 0 : i32
    %dma_wait3A_339 = tpu.memref_slice %arg6[%dma_wait3A_336, %dma_wait3A_337, %dma_wait3A_338] : memref<8x128x64xf32, #tpu.memory_space<vmem>> -> memref<1x128x64xf32, #tpu.memory_space<vmem>>
    %dma_wait3A_340 = tpu.memref_squeeze %dma_wait3A_339 : memref<1x128x64xf32, #tpu.memory_space<vmem>> -> memref<128x64xf32, #tpu.memory_space<vmem>>
    %dma_wait3A_341 = arith.constant 0 : i32
    %dma_wait3A_342 = tpu.memref_slice %arg5[%dma_wait3A_335, %dma_wait3A_341] : memref<200x128xi32, #tpu.memory_space<vmem>> -> memref<1x128xi32, #tpu.memory_space<vmem>>
    %dma_wait3A_343 = tpu.memref_squeeze %dma_wait3A_342 : memref<1x128xi32, #tpu.memory_space<vmem>> -> memref<128xi32, #tpu.memory_space<vmem>>
    %dma_wait3A_344 = arith.constant 0 : i32
    %dma_wait3A_345 = arith.constant 0 : i32
    %dma_wait3A_346 = tpu.memref_slice %arg2[%dma_wait3A_344, %dma_wait3A_345] : memref<1000000x64xf32, #tpu.memory_space<hbm>> -> memref<1000000x64xf32, #tpu.memory_space<hbm>>
    tpu.wait_indirect_dma semaphore(%arg12 : memref<!tpu.dma_semaphore, #tpu.memory_space<semaphore_mem>>) src(%dma_wait3A_346 : memref<1000000x64xf32, #tpu.memory_space<hbm>>) dst(%dma_wait3A_340 : memref<128x64xf32, #tpu.memory_space<vmem>>)
    %dma_start3A_347 = arith.constant 5 : i32
    %dma_start3A_348 = arith.constant 5 : i32
    %dma_start3A_349 = arith.constant 0 : i32
    %dma_start3A_350 = arith.constant 0 : i32
    %dma_start3A_351 = tpu.memref_slice %arg6[%dma_start3A_347, %dma_start3A_349, %dma_start3A_350] : memref<8x128x64xf32, #tpu.memory_space<vmem>> -> memref<1x128x64xf32, #tpu.memory_space<vmem>>
    %dma_start3A_352 = tpu.memref_squeeze %dma_start3A_351 : memref<1x128x64xf32, #tpu.memory_space<vmem>> -> memref<128x64xf32, #tpu.memory_space<vmem>>
    %dma_start3A_353 = arith.constant 0 : i32
    %dma_start3A_354 = arith.constant 0 : i32
    %dma_start3A_355 = tpu.memref_slice %arg4[%add3A, %dma_start3A_348, %dma_start3A_353, %dma_start3A_354] : memref<32x200x128x64xf32, #tpu.memory_space<hbm>> -> memref<1x1x128x64xf32, #tpu.memory_space<hbm>>
    %dma_start3A_356 = tpu.memref_squeeze %dma_start3A_355 : memref<1x1x128x64xf32, #tpu.memory_space<hbm>> -> memref<128x64xf32, #tpu.memory_space<hbm>>
    %dma_start3A_357 = arith.constant 0 : i32
    %dma_start3A_358 = arith.constant 0 : i32
    %dma_start3A_359 = tpu.memref_slice %arg4[%add3A, %dma_start3A_348, %dma_start3A_357, %dma_start3A_358] : memref<32x200x128x64xf32, #tpu.memory_space<hbm>> -> memref<1x1x128x64xf32, #tpu.memory_space<hbm>>
    %dma_start3A_360 = tpu.memref_squeeze %dma_start3A_359 : memref<1x1x128x64xf32, #tpu.memory_space<hbm>> -> memref<128x64xf32, #tpu.memory_space<hbm>>
    %dma_start3A_361 = arith.constant 0 : i32
    %dma_start3A_362 = arith.constant 0 : i32
    %dma_start3A_363 = tpu.memref_slice %arg6[%dma_start3A_347, %dma_start3A_361, %dma_start3A_362] : memref<8x128x64xf32, #tpu.memory_space<vmem>> -> memref<1x128x64xf32, #tpu.memory_space<vmem>>
    %dma_start3A_364 = tpu.memref_squeeze %dma_start3A_363 : memref<1x128x64xf32, #tpu.memory_space<vmem>> -> memref<128x64xf32, #tpu.memory_space<vmem>>
    tpu.enqueue_dma source(%dma_start3A_364 : memref<128x64xf32, #tpu.memory_space<vmem>>) target(%dma_start3A_360 : memref<128x64xf32, #tpu.memory_space<hbm>>) target_semaphore(%arg20 : memref<!tpu.dma_semaphore, #tpu.memory_space<semaphore_mem>>)
    %dma_wait3A_365 = arith.constant 3 : i32
    %dma_wait3A_366 = arith.constant 0 : i32
    %dma_wait3A_367 = arith.constant 0 : i32
    %dma_wait3A_368 = arith.constant 0 : i32
    %dma_wait3A_369 = tpu.memref_slice %arg6[%dma_wait3A_365, %dma_wait3A_367, %dma_wait3A_368] : memref<8x128x64xf32, #tpu.memory_space<vmem>> -> memref<1x128x64xf32, #tpu.memory_space<vmem>>
    %dma_wait3A_370 = tpu.memref_squeeze %dma_wait3A_369 : memref<1x128x64xf32, #tpu.memory_space<vmem>> -> memref<128x64xf32, #tpu.memory_space<vmem>>
    %dma_wait3A_371 = arith.constant 0 : i32
    %dma_wait3A_372 = arith.constant 0 : i32
    %dma_wait3A_373 = tpu.memref_slice %arg4[%add3A, %dma_wait3A_366, %dma_wait3A_371, %dma_wait3A_372] : memref<32x200x128x64xf32, #tpu.memory_space<hbm>> -> memref<1x1x128x64xf32, #tpu.memory_space<hbm>>
    %dma_wait3A_374 = tpu.memref_squeeze %dma_wait3A_373 : memref<1x1x128x64xf32, #tpu.memory_space<hbm>> -> memref<128x64xf32, #tpu.memory_space<hbm>>
    %dma_wait3A_375 = arith.constant 0 : i32
    %dma_wait3A_376 = arith.constant 0 : i32
    %dma_wait3A_377 = tpu.memref_slice %arg4[%add3A, %dma_wait3A_366, %dma_wait3A_375, %dma_wait3A_376] : memref<32x200x128x64xf32, #tpu.memory_space<hbm>> -> memref<1x1x128x64xf32, #tpu.memory_space<hbm>>
    %dma_wait3A_378 = tpu.memref_squeeze %dma_wait3A_377 : memref<1x1x128x64xf32, #tpu.memory_space<hbm>> -> memref<128x64xf32, #tpu.memory_space<hbm>>
    %dma_wait3A_379 = arith.constant 0 : i32
    %dma_wait3A_380 = arith.constant 0 : i32
    %dma_wait3A_381 = tpu.memref_slice %arg6[%dma_wait3A_365, %dma_wait3A_379, %dma_wait3A_380] : memref<8x128x64xf32, #tpu.memory_space<vmem>> -> memref<1x128x64xf32, #tpu.memory_space<vmem>>
    %dma_wait3A_382 = tpu.memref_squeeze %dma_wait3A_381 : memref<1x128x64xf32, #tpu.memory_space<vmem>> -> memref<128x64xf32, #tpu.memory_space<vmem>>
    tpu.wait_dma2 semaphore(%arg18 : memref<!tpu.dma_semaphore, #tpu.memory_space<semaphore_mem>>) src(%dma_wait3A_382 : memref<128x64xf32, #tpu.memory_space<vmem>>) dst(%dma_wait3A_378 : memref<128x64xf32, #tpu.memory_space<hbm>>)
    %dma_start3A_383 = arith.constant 11 : i32
    %dma_start3A_384 = arith.constant 3 : i32
    %dma_start3A_385 = arith.constant 0 : i32
    %dma_start3A_386 = arith.constant 0 : i32
    %dma_start3A_387 = tpu.memref_slice %arg6[%dma_start3A_384, %dma_start3A_385, %dma_start3A_386] : memref<8x128x64xf32, #tpu.memory_space<vmem>> -> memref<1x128x64xf32, #tpu.memory_space<vmem>>
    %dma_start3A_388 = tpu.memref_squeeze %dma_start3A_387 : memref<1x128x64xf32, #tpu.memory_space<vmem>> -> memref<128x64xf32, #tpu.memory_space<vmem>>
    %dma_start3A_389 = arith.constant 0 : i32
    %dma_start3A_390 = tpu.memref_slice %arg5[%dma_start3A_383, %dma_start3A_389] : memref<200x128xi32, #tpu.memory_space<vmem>> -> memref<1x128xi32, #tpu.memory_space<vmem>>
    %dma_start3A_391 = tpu.memref_squeeze %dma_start3A_390 : memref<1x128xi32, #tpu.memory_space<vmem>> -> memref<128xi32, #tpu.memory_space<vmem>>
    %dma_start3A_392 = arith.constant 0 : i32
    %dma_start3A_393 = arith.constant 0 : i32
    %dma_start3A_394 = tpu.memref_slice %arg2[%dma_start3A_392, %dma_start3A_393] : memref<1000000x64xf32, #tpu.memory_space<hbm>> -> memref<1000000x64xf32, #tpu.memory_space<hbm>>
    tpu.enqueue_indirect_dma source(%dma_start3A_394 : memref<1000000x64xf32, #tpu.memory_space<hbm>>) target(%dma_start3A_388 : memref<128x64xf32, #tpu.memory_space<vmem>>) offsets(%dma_start3A_391 : memref<128xi32, #tpu.memory_space<vmem>>) semaphore(%arg10 : memref<!tpu.dma_semaphore, #tpu.memory_space<semaphore_mem>>)
    %dma_wait3A_395 = arith.constant 0 : i32
    %dma_wait3A_396 = arith.constant 6 : i32
    %dma_wait3A_397 = arith.constant 0 : i32
    %dma_wait3A_398 = arith.constant 0 : i32
    %dma_wait3A_399 = tpu.memref_slice %arg6[%dma_wait3A_396, %dma_wait3A_397, %dma_wait3A_398] : memref<8x128x64xf32, #tpu.memory_space<vmem>> -> memref<1x128x64xf32, #tpu.memory_space<vmem>>
    %dma_wait3A_400 = tpu.memref_squeeze %dma_wait3A_399 : memref<1x128x64xf32, #tpu.memory_space<vmem>> -> memref<128x64xf32, #tpu.memory_space<vmem>>
    %dma_wait3A_401 = arith.constant 0 : i32
    %dma_wait3A_402 = tpu.memref_slice %arg5[%dma_wait3A_395, %dma_wait3A_401] : memref<200x128xi32, #tpu.memory_space<vmem>> -> memref<1x128xi32, #tpu.memory_space<vmem>>
    %dma_wait3A_403 = tpu.memref_squeeze %dma_wait3A_402 : memref<1x128xi32, #tpu.memory_space<vmem>> -> memref<128xi32, #tpu.memory_space<vmem>>
    %dma_wait3A_404 = arith.constant 0 : i32
    %dma_wait3A_405 = arith.constant 0 : i32
    %dma_wait3A_406 = tpu.memref_slice %arg2[%dma_wait3A_404, %dma_wait3A_405] : memref<1000000x64xf32, #tpu.memory_space<hbm>> -> memref<1000000x64xf32, #tpu.memory_space<hbm>>
    tpu.wait_indirect_dma semaphore(%arg13 : memref<!tpu.dma_semaphore, #tpu.memory_space<semaphore_mem>>) src(%dma_wait3A_406 : memref<1000000x64xf32, #tpu.memory_space<hbm>>) dst(%dma_wait3A_400 : memref<128x64xf32, #tpu.memory_space<vmem>>)
    %dma_start3A_407 = arith.constant 6 : i32
    %dma_start3A_408 = arith.constant 6 : i32
    %dma_start3A_409 = arith.constant 0 : i32
    %dma_start3A_410 = arith.constant 0 : i32
    %dma_start3A_411 = tpu.memref_slice %arg6[%dma_start3A_407, %dma_start3A_409, %dma_start3A_410] : memref<8x128x64xf32, #tpu.memory_space<vmem>> -> memref<1x128x64xf32, #tpu.memory_space<vmem>>
    %dma_start3A_412 = tpu.memref_squeeze %dma_start3A_411 : memref<1x128x64xf32, #tpu.memory_space<vmem>> -> memref<128x64xf32, #tpu.memory_space<vmem>>
    %dma_start3A_413 = arith.constant 0 : i32
    %dma_start3A_414 = arith.constant 0 : i32
    %dma_start3A_415 = tpu.memref_slice %arg4[%add3A, %dma_start3A_408, %dma_start3A_413, %dma_start3A_414] : memref<32x200x128x64xf32, #tpu.memory_space<hbm>> -> memref<1x1x128x64xf32, #tpu.memory_space<hbm>>
    %dma_start3A_416 = tpu.memref_squeeze %dma_start3A_415 : memref<1x1x128x64xf32, #tpu.memory_space<hbm>> -> memref<128x64xf32, #tpu.memory_space<hbm>>
    %dma_start3A_417 = arith.constant 0 : i32
    %dma_start3A_418 = arith.constant 0 : i32
    %dma_start3A_419 = tpu.memref_slice %arg4[%add3A, %dma_start3A_408, %dma_start3A_417, %dma_start3A_418] : memref<32x200x128x64xf32, #tpu.memory_space<hbm>> -> memref<1x1x128x64xf32, #tpu.memory_space<hbm>>
    %dma_start3A_420 = tpu.memref_squeeze %dma_start3A_419 : memref<1x1x128x64xf32, #tpu.memory_space<hbm>> -> memref<128x64xf32, #tpu.memory_space<hbm>>
    %dma_start3A_421 = arith.constant 0 : i32
    %dma_start3A_422 = arith.constant 0 : i32
    %dma_start3A_423 = tpu.memref_slice %arg6[%dma_start3A_407, %dma_start3A_421, %dma_start3A_422] : memref<8x128x64xf32, #tpu.memory_space<vmem>> -> memref<1x128x64xf32, #tpu.memory_space<vmem>>
    %dma_start3A_424 = tpu.memref_squeeze %dma_start3A_423 : memref<1x128x64xf32, #tpu.memory_space<vmem>> -> memref<128x64xf32, #tpu.memory_space<vmem>>
    tpu.enqueue_dma source(%dma_start3A_424 : memref<128x64xf32, #tpu.memory_space<vmem>>) target(%dma_start3A_420 : memref<128x64xf32, #tpu.memory_space<hbm>>) target_semaphore(%arg21 : memref<!tpu.dma_semaphore, #tpu.memory_space<semaphore_mem>>)
    %dma_wait3A_425 = arith.constant 4 : i32
    %dma_wait3A_426 = arith.constant 0 : i32
    %dma_wait3A_427 = arith.constant 0 : i32
    %dma_wait3A_428 = arith.constant 0 : i32
    %dma_wait3A_429 = tpu.memref_slice %arg6[%dma_wait3A_425, %dma_wait3A_427, %dma_wait3A_428] : memref<8x128x64xf32, #tpu.memory_space<vmem>> -> memref<1x128x64xf32, #tpu.memory_space<vmem>>
    %dma_wait3A_430 = tpu.memref_squeeze %dma_wait3A_429 : memref<1x128x64xf32, #tpu.memory_space<vmem>> -> memref<128x64xf32, #tpu.memory_space<vmem>>
    %dma_wait3A_431 = arith.constant 0 : i32
    %dma_wait3A_432 = arith.constant 0 : i32
    %dma_wait3A_433 = tpu.memref_slice %arg4[%add3A, %dma_wait3A_426, %dma_wait3A_431, %dma_wait3A_432] : memref<32x200x128x64xf32, #tpu.memory_space<hbm>> -> memref<1x1x128x64xf32, #tpu.memory_space<hbm>>
    %dma_wait3A_434 = tpu.memref_squeeze %dma_wait3A_433 : memref<1x1x128x64xf32, #tpu.memory_space<hbm>> -> memref<128x64xf32, #tpu.memory_space<hbm>>
    %dma_wait3A_435 = arith.constant 0 : i32
    %dma_wait3A_436 = arith.constant 0 : i32
    %dma_wait3A_437 = tpu.memref_slice %arg4[%add3A, %dma_wait3A_426, %dma_wait3A_435, %dma_wait3A_436] : memref<32x200x128x64xf32, #tpu.memory_space<hbm>> -> memref<1x1x128x64xf32, #tpu.memory_space<hbm>>
    %dma_wait3A_438 = tpu.memref_squeeze %dma_wait3A_437 : memref<1x1x128x64xf32, #tpu.memory_space<hbm>> -> memref<128x64xf32, #tpu.memory_space<hbm>>
    %dma_wait3A_439 = arith.constant 0 : i32
    %dma_wait3A_440 = arith.constant 0 : i32
    %dma_wait3A_441 = tpu.memref_slice %arg6[%dma_wait3A_425, %dma_wait3A_439, %dma_wait3A_440] : memref<8x128x64xf32, #tpu.memory_space<vmem>> -> memref<1x128x64xf32, #tpu.memory_space<vmem>>
    %dma_wait3A_442 = tpu.memref_squeeze %dma_wait3A_441 : memref<1x128x64xf32, #tpu.memory_space<vmem>> -> memref<128x64xf32, #tpu.memory_space<vmem>>
    tpu.wait_dma2 semaphore(%arg19 : memref<!tpu.dma_semaphore, #tpu.memory_space<semaphore_mem>>) src(%dma_wait3A_442 : memref<128x64xf32, #tpu.memory_space<vmem>>) dst(%dma_wait3A_438 : memref<128x64xf32, #tpu.memory_space<hbm>>)
    %dma_start3A_443 = arith.constant 12 : i32
    %dma_start3A_444 = arith.constant 4 : i32
    %dma_start3A_445 = arith.constant 0 : i32
    %dma_start3A_446 = arith.constant 0 : i32
    %dma_start3A_447 = tpu.memref_slice %arg6[%dma_start3A_444, %dma_start3A_445, %dma_start3A_446] : memref<8x128x64xf32, #tpu.memory_space<vmem>> -> memref<1x128x64xf32, #tpu.memory_space<vmem>>
    %dma_start3A_448 = tpu.memref_squeeze %dma_start3A_447 : memref<1x128x64xf32, #tpu.memory_space<vmem>> -> memref<128x64xf32, #tpu.memory_space<vmem>>
    %dma_start3A_449 = arith.constant 0 : i32
    %dma_start3A_450 = tpu.memref_slice %arg5[%dma_start3A_443, %dma_start3A_449] : memref<200x128xi32, #tpu.memory_space<vmem>> -> memref<1x128xi32, #tpu.memory_space<vmem>>
    %dma_start3A_451 = tpu.memref_squeeze %dma_start3A_450 : memref<1x128xi32, #tpu.memory_space<vmem>> -> memref<128xi32, #tpu.memory_space<vmem>>
    %dma_start3A_452 = arith.constant 0 : i32
    %dma_start3A_453 = arith.constant 0 : i32
    %dma_start3A_454 = tpu.memref_slice %arg2[%dma_start3A_452, %dma_start3A_453] : memref<1000000x64xf32, #tpu.memory_space<hbm>> -> memref<1000000x64xf32, #tpu.memory_space<hbm>>
    tpu.enqueue_indirect_dma source(%dma_start3A_454 : memref<1000000x64xf32, #tpu.memory_space<hbm>>) target(%dma_start3A_448 : memref<128x64xf32, #tpu.memory_space<vmem>>) offsets(%dma_start3A_451 : memref<128xi32, #tpu.memory_space<vmem>>) semaphore(%arg11 : memref<!tpu.dma_semaphore, #tpu.memory_space<semaphore_mem>>)
    %dma_wait3A_455 = arith.constant 0 : i32
    %dma_wait3A_456 = arith.constant 7 : i32
    %dma_wait3A_457 = arith.constant 0 : i32
    %dma_wait3A_458 = arith.constant 0 : i32
    %dma_wait3A_459 = tpu.memref_slice %arg6[%dma_wait3A_456, %dma_wait3A_457, %dma_wait3A_458] : memref<8x128x64xf32, #tpu.memory_space<vmem>> -> memref<1x128x64xf32, #tpu.memory_space<vmem>>
    %dma_wait3A_460 = tpu.memref_squeeze %dma_wait3A_459 : memref<1x128x64xf32, #tpu.memory_space<vmem>> -> memref<128x64xf32, #tpu.memory_space<vmem>>
    %dma_wait3A_461 = arith.constant 0 : i32
    %dma_wait3A_462 = tpu.memref_slice %arg5[%dma_wait3A_455, %dma_wait3A_461] : memref<200x128xi32, #tpu.memory_space<vmem>> -> memref<1x128xi32, #tpu.memory_space<vmem>>
    %dma_wait3A_463 = tpu.memref_squeeze %dma_wait3A_462 : memref<1x128xi32, #tpu.memory_space<vmem>> -> memref<128xi32, #tpu.memory_space<vmem>>
    %dma_wait3A_464 = arith.constant 0 : i32
    %dma_wait3A_465 = arith.constant 0 : i32
    %dma_wait3A_466 = tpu.memref_slice %arg2[%dma_wait3A_464, %dma_wait3A_465] : memref<1000000x64xf32, #tpu.memory_space<hbm>> -> memref<1000000x64xf32, #tpu.memory_space<hbm>>
    tpu.wait_indirect_dma semaphore(%arg14 : memref<!tpu.dma_semaphore, #tpu.memory_space<semaphore_mem>>) src(%dma_wait3A_466 : memref<1000000x64xf32, #tpu.memory_space<hbm>>) dst(%dma_wait3A_460 : memref<128x64xf32, #tpu.memory_space<vmem>>)
    %dma_start3A_467 = arith.constant 7 : i32
    %dma_start3A_468 = arith.constant 7 : i32
    %dma_start3A_469 = arith.constant 0 : i32
    %dma_start3A_470 = arith.constant 0 : i32
    %dma_start3A_471 = tpu.memref_slice %arg6[%dma_start3A_467, %dma_start3A_469, %dma_start3A_470] : memref<8x128x64xf32, #tpu.memory_space<vmem>> -> memref<1x128x64xf32, #tpu.memory_space<vmem>>
    %dma_start3A_472 = tpu.memref_squeeze %dma_start3A_471 : memref<1x128x64xf32, #tpu.memory_space<vmem>> -> memref<128x64xf32, #tpu.memory_space<vmem>>
    %dma_start3A_473 = arith.constant 0 : i32
    %dma_start3A_474 = arith.constant 0 : i32
    %dma_start3A_475 = tpu.memref_slice %arg4[%add3A, %dma_start3A_468, %dma_start3A_473, %dma_start3A_474] : memref<32x200x128x64xf32, #tpu.memory_space<hbm>> -> memref<1x1x128x64xf32, #tpu.memory_space<hbm>>
    %dma_start3A_476 = tpu.memref_squeeze %dma_start3A_475 : memref<1x1x128x64xf32, #tpu.memory_space<hbm>> -> memref<128x64xf32, #tpu.memory_space<hbm>>
    %dma_start3A_477 = arith.constant 0 : i32
    %dma_start3A_478 = arith.constant 0 : i32
    %dma_start3A_479 = tpu.memref_slice %arg4[%add3A, %dma_start3A_468, %dma_start3A_477, %dma_start3A_478] : memref<32x200x128x64xf32, #tpu.memory_space<hbm>> -> memref<1x1x128x64xf32, #tpu.memory_space<hbm>>
    %dma_start3A_480 = tpu.memref_squeeze %dma_start3A_479 : memref<1x1x128x64xf32, #tpu.memory_space<hbm>> -> memref<128x64xf32, #tpu.memory_space<hbm>>
    %dma_start3A_481 = arith.constant 0 : i32
    %dma_start3A_482 = arith.constant 0 : i32
    %dma_start3A_483 = tpu.memref_slice %arg6[%dma_start3A_467, %dma_start3A_481, %dma_start3A_482] : memref<8x128x64xf32, #tpu.memory_space<vmem>> -> memref<1x128x64xf32, #tpu.memory_space<vmem>>
    %dma_start3A_484 = tpu.memref_squeeze %dma_start3A_483 : memref<1x128x64xf32, #tpu.memory_space<vmem>> -> memref<128x64xf32, #tpu.memory_space<vmem>>
    tpu.enqueue_dma source(%dma_start3A_484 : memref<128x64xf32, #tpu.memory_space<vmem>>) target(%dma_start3A_480 : memref<128x64xf32, #tpu.memory_space<hbm>>) target_semaphore(%arg22 : memref<!tpu.dma_semaphore, #tpu.memory_space<semaphore_mem>>)
    %dma_wait3A_485 = arith.constant 5 : i32
    %dma_wait3A_486 = arith.constant 0 : i32
    %dma_wait3A_487 = arith.constant 0 : i32
    %dma_wait3A_488 = arith.constant 0 : i32
    %dma_wait3A_489 = tpu.memref_slice %arg6[%dma_wait3A_485, %dma_wait3A_487, %dma_wait3A_488] : memref<8x128x64xf32, #tpu.memory_space<vmem>> -> memref<1x128x64xf32, #tpu.memory_space<vmem>>
    %dma_wait3A_490 = tpu.memref_squeeze %dma_wait3A_489 : memref<1x128x64xf32, #tpu.memory_space<vmem>> -> memref<128x64xf32, #tpu.memory_space<vmem>>
    %dma_wait3A_491 = arith.constant 0 : i32
    %dma_wait3A_492 = arith.constant 0 : i32
    %dma_wait3A_493 = tpu.memref_slice %arg4[%add3A, %dma_wait3A_486, %dma_wait3A_491, %dma_wait3A_492] : memref<32x200x128x64xf32, #tpu.memory_space<hbm>> -> memref<1x1x128x64xf32, #tpu.memory_space<hbm>>
    %dma_wait3A_494 = tpu.memref_squeeze %dma_wait3A_493 : memref<1x1x128x64xf32, #tpu.memory_space<hbm>> -> memref<128x64xf32, #tpu.memory_space<hbm>>
    %dma_wait3A_495 = arith.constant 0 : i32
    %dma_wait3A_496 = arith.constant 0 : i32
    %dma_wait3A_497 = tpu.memref_slice %arg4[%add3A, %dma_wait3A_486, %dma_wait3A_495, %dma_wait3A_496] : memref<32x200x128x64xf32, #tpu.memory_space<hbm>> -> memref<1x1x128x64xf32, #tpu.memory_space<hbm>>
    %dma_wait3A_498 = tpu.memref_squeeze %dma_wait3A_497 : memref<1x1x128x64xf32, #tpu.memory_space<hbm>> -> memref<128x64xf32, #tpu.memory_space<hbm>>
    %dma_wait3A_499 = arith.constant 0 : i32
    %dma_wait3A_500 = arith.constant 0 : i32
    %dma_wait3A_501 = tpu.memref_slice %arg6[%dma_wait3A_485, %dma_wait3A_499, %dma_wait3A_500] : memref<8x128x64xf32, #tpu.memory_space<vmem>> -> memref<1x128x64xf32, #tpu.memory_space<vmem>>
    %dma_wait3A_502 = tpu.memref_squeeze %dma_wait3A_501 : memref<1x128x64xf32, #tpu.memory_space<vmem>> -> memref<128x64xf32, #tpu.memory_space<vmem>>
    tpu.wait_dma2 semaphore(%arg20 : memref<!tpu.dma_semaphore, #tpu.memory_space<semaphore_mem>>) src(%dma_wait3A_502 : memref<128x64xf32, #tpu.memory_space<vmem>>) dst(%dma_wait3A_498 : memref<128x64xf32, #tpu.memory_space<hbm>>)
    %dma_start3A_503 = arith.constant 13 : i32
    %dma_start3A_504 = arith.constant 5 : i32
    %dma_start3A_505 = arith.constant 0 : i32
    %dma_start3A_506 = arith.constant 0 : i32
    %dma_start3A_507 = tpu.memref_slice %arg6[%dma_start3A_504, %dma_start3A_505, %dma_start3A_506] : memref<8x128x64xf32, #tpu.memory_space<vmem>> -> memref<1x128x64xf32, #tpu.memory_space<vmem>>
    %dma_start3A_508 = tpu.memref_squeeze %dma_start3A_507 : memref<1x128x64xf32, #tpu.memory_space<vmem>> -> memref<128x64xf32, #tpu.memory_space<vmem>>
    %dma_start3A_509 = arith.constant 0 : i32
    %dma_start3A_510 = tpu.memref_slice %arg5[%dma_start3A_503, %dma_start3A_509] : memref<200x128xi32, #tpu.memory_space<vmem>> -> memref<1x128xi32, #tpu.memory_space<vmem>>
    %dma_start3A_511 = tpu.memref_squeeze %dma_start3A_510 : memref<1x128xi32, #tpu.memory_space<vmem>> -> memref<128xi32, #tpu.memory_space<vmem>>
    %dma_start3A_512 = arith.constant 0 : i32
    %dma_start3A_513 = arith.constant 0 : i32
    %dma_start3A_514 = tpu.memref_slice %arg2[%dma_start3A_512, %dma_start3A_513] : memref<1000000x64xf32, #tpu.memory_space<hbm>> -> memref<1000000x64xf32, #tpu.memory_space<hbm>>
    tpu.enqueue_indirect_dma source(%dma_start3A_514 : memref<1000000x64xf32, #tpu.memory_space<hbm>>) target(%dma_start3A_508 : memref<128x64xf32, #tpu.memory_space<vmem>>) offsets(%dma_start3A_511 : memref<128xi32, #tpu.memory_space<vmem>>) semaphore(%arg12 : memref<!tpu.dma_semaphore, #tpu.memory_space<semaphore_mem>>)
    %scan3A = arith.constant 0 : i32
    %scan3A_515 = arith.constant 1 : i32
    %scan3A_516 = arith.constant 23 : i32
    %scan3A_517 = arith.addi %scan3A_515, %scan3A_516 : i32
    %scan3A_518 = arith.constant 1 : i32
    scf.for %scan3A_964 = %scan3A_515 to %scan3A_517 step %scan3A_518  : i32 {
      %mul3A_965 = arith.constant 8 : i32
      %mul3A_966 = arith.muli %scan3A_964, %mul3A_965 : i32
      %add3A_967 = arith.constant 0 : i32
      %add3A_968 = arith.addi %mul3A_966, %add3A_967 : i32
      %dma_wait3A_969 = arith.constant 0 : i32
      %dma_wait3A_970 = arith.constant 0 : i32
      %dma_wait3A_971 = arith.constant 0 : i32
      %dma_wait3A_972 = arith.constant 0 : i32
      %dma_wait3A_973 = tpu.memref_slice %arg6[%dma_wait3A_970, %dma_wait3A_971, %dma_wait3A_972] : memref<8x128x64xf32, #tpu.memory_space<vmem>> -> memref<1x128x64xf32, #tpu.memory_space<vmem>>
      %dma_wait3A_974 = tpu.memref_squeeze %dma_wait3A_973 : memref<1x128x64xf32, #tpu.memory_space<vmem>> -> memref<128x64xf32, #tpu.memory_space<vmem>>
      %dma_wait3A_975 = arith.constant 0 : i32
      %dma_wait3A_976 = tpu.memref_slice %arg5[%dma_wait3A_969, %dma_wait3A_975] : memref<200x128xi32, #tpu.memory_space<vmem>> -> memref<1x128xi32, #tpu.memory_space<vmem>>
      %dma_wait3A_977 = tpu.memref_squeeze %dma_wait3A_976 : memref<1x128xi32, #tpu.memory_space<vmem>> -> memref<128xi32, #tpu.memory_space<vmem>>
      %dma_wait3A_978 = arith.constant 0 : i32
      %dma_wait3A_979 = arith.constant 0 : i32
      %dma_wait3A_980 = tpu.memref_slice %arg2[%dma_wait3A_978, %dma_wait3A_979] : memref<1000000x64xf32, #tpu.memory_space<hbm>> -> memref<1000000x64xf32, #tpu.memory_space<hbm>>
      tpu.wait_indirect_dma semaphore(%arg7 : memref<!tpu.dma_semaphore, #tpu.memory_space<semaphore_mem>>) src(%dma_wait3A_980 : memref<1000000x64xf32, #tpu.memory_space<hbm>>) dst(%dma_wait3A_974 : memref<128x64xf32, #tpu.memory_space<vmem>>)
      %dma_start3A_981 = arith.constant 0 : i32
      %dma_start3A_982 = arith.constant 0 : i32
      %dma_start3A_983 = arith.constant 0 : i32
      %dma_start3A_984 = tpu.memref_slice %arg6[%dma_start3A_981, %dma_start3A_982, %dma_start3A_983] : memref<8x128x64xf32, #tpu.memory_space<vmem>> -> memref<1x128x64xf32, #tpu.memory_space<vmem>>
      %dma_start3A_985 = tpu.memref_squeeze %dma_start3A_984 : memref<1x128x64xf32, #tpu.memory_space<vmem>> -> memref<128x64xf32, #tpu.memory_space<vmem>>
      %dma_start3A_986 = arith.constant 0 : i32
      %dma_start3A_987 = arith.constant 0 : i32
      %dma_start3A_988 = tpu.memref_slice %arg4[%add3A, %add3A_968, %dma_start3A_986, %dma_start3A_987] : memref<32x200x128x64xf32, #tpu.memory_space<hbm>> -> memref<1x1x128x64xf32, #tpu.memory_space<hbm>>
      %dma_start3A_989 = tpu.memref_squeeze %dma_start3A_988 : memref<1x1x128x64xf32, #tpu.memory_space<hbm>> -> memref<128x64xf32, #tpu.memory_space<hbm>>
      %dma_start3A_990 = arith.constant 0 : i32
      %dma_start3A_991 = arith.constant 0 : i32
      %dma_start3A_992 = tpu.memref_slice %arg4[%add3A, %add3A_968, %dma_start3A_990, %dma_start3A_991] : memref<32x200x128x64xf32, #tpu.memory_space<hbm>> -> memref<1x1x128x64xf32, #tpu.memory_space<hbm>>
      %dma_start3A_993 = tpu.memref_squeeze %dma_start3A_992 : memref<1x1x128x64xf32, #tpu.memory_space<hbm>> -> memref<128x64xf32, #tpu.memory_space<hbm>>
      %dma_start3A_994 = arith.constant 0 : i32
      %dma_start3A_995 = arith.constant 0 : i32
      %dma_start3A_996 = tpu.memref_slice %arg6[%dma_start3A_981, %dma_start3A_994, %dma_start3A_995] : memref<8x128x64xf32, #tpu.memory_space<vmem>> -> memref<1x128x64xf32, #tpu.memory_space<vmem>>
      %dma_start3A_997 = tpu.memref_squeeze %dma_start3A_996 : memref<1x128x64xf32, #tpu.memory_space<vmem>> -> memref<128x64xf32, #tpu.memory_space<vmem>>
      tpu.enqueue_dma source(%dma_start3A_997 : memref<128x64xf32, #tpu.memory_space<vmem>>) target(%dma_start3A_993 : memref<128x64xf32, #tpu.memory_space<hbm>>) target_semaphore(%arg15 : memref<!tpu.dma_semaphore, #tpu.memory_space<semaphore_mem>>)
      %dma_wait3A_998 = arith.constant 6 : i32
      %dma_wait3A_999 = arith.constant 0 : i32
      %dma_wait3A_1000 = arith.constant 0 : i32
      %dma_wait3A_1001 = arith.constant 0 : i32
      %dma_wait3A_1002 = tpu.memref_slice %arg6[%dma_wait3A_998, %dma_wait3A_1000, %dma_wait3A_1001] : memref<8x128x64xf32, #tpu.memory_space<vmem>> -> memref<1x128x64xf32, #tpu.memory_space<vmem>>
      %dma_wait3A_1003 = tpu.memref_squeeze %dma_wait3A_1002 : memref<1x128x64xf32, #tpu.memory_space<vmem>> -> memref<128x64xf32, #tpu.memory_space<vmem>>
      %dma_wait3A_1004 = arith.constant 0 : i32
      %dma_wait3A_1005 = arith.constant 0 : i32
      %dma_wait3A_1006 = tpu.memref_slice %arg4[%add3A, %dma_wait3A_999, %dma_wait3A_1004, %dma_wait3A_1005] : memref<32x200x128x64xf32, #tpu.memory_space<hbm>> -> memref<1x1x128x64xf32, #tpu.memory_space<hbm>>
      %dma_wait3A_1007 = tpu.memref_squeeze %dma_wait3A_1006 : memref<1x1x128x64xf32, #tpu.memory_space<hbm>> -> memref<128x64xf32, #tpu.memory_space<hbm>>
      %dma_wait3A_1008 = arith.constant 0 : i32
      %dma_wait3A_1009 = arith.constant 0 : i32
      %dma_wait3A_1010 = tpu.memref_slice %arg4[%add3A, %dma_wait3A_999, %dma_wait3A_1008, %dma_wait3A_1009] : memref<32x200x128x64xf32, #tpu.memory_space<hbm>> -> memref<1x1x128x64xf32, #tpu.memory_space<hbm>>
      %dma_wait3A_1011 = tpu.memref_squeeze %dma_wait3A_1010 : memref<1x1x128x64xf32, #tpu.memory_space<hbm>> -> memref<128x64xf32, #tpu.memory_space<hbm>>
      %dma_wait3A_1012 = arith.constant 0 : i32
      %dma_wait3A_1013 = arith.constant 0 : i32
      %dma_wait3A_1014 = tpu.memref_slice %arg6[%dma_wait3A_998, %dma_wait3A_1012, %dma_wait3A_1013] : memref<8x128x64xf32, #tpu.memory_space<vmem>> -> memref<1x128x64xf32, #tpu.memory_space<vmem>>
      %dma_wait3A_1015 = tpu.memref_squeeze %dma_wait3A_1014 : memref<1x128x64xf32, #tpu.memory_space<vmem>> -> memref<128x64xf32, #tpu.memory_space<vmem>>
      tpu.wait_dma2 semaphore(%arg21 : memref<!tpu.dma_semaphore, #tpu.memory_space<semaphore_mem>>) src(%dma_wait3A_1015 : memref<128x64xf32, #tpu.memory_space<vmem>>) dst(%dma_wait3A_1011 : memref<128x64xf32, #tpu.memory_space<hbm>>)
      %add3A_1016 = arith.constant 6 : i32
      %add3A_1017 = arith.addi %add3A_968, %add3A_1016 : i32
      %dma_start3A_1018 = arith.constant 6 : i32
      %dma_start3A_1019 = arith.constant 0 : i32
      %dma_start3A_1020 = arith.constant 0 : i32
      %dma_start3A_1021 = tpu.memref_slice %arg6[%dma_start3A_1018, %dma_start3A_1019, %dma_start3A_1020] : memref<8x128x64xf32, #tpu.memory_space<vmem>> -> memref<1x128x64xf32, #tpu.memory_space<vmem>>
      %dma_start3A_1022 = tpu.memref_squeeze %dma_start3A_1021 : memref<1x128x64xf32, #tpu.memory_space<vmem>> -> memref<128x64xf32, #tpu.memory_space<vmem>>
      %dma_start3A_1023 = arith.constant 0 : i32
      %dma_start3A_1024 = tpu.memref_slice %arg5[%add3A_1017, %dma_start3A_1023] : memref<200x128xi32, #tpu.memory_space<vmem>> -> memref<1x128xi32, #tpu.memory_space<vmem>>
      %dma_start3A_1025 = tpu.memref_squeeze %dma_start3A_1024 : memref<1x128xi32, #tpu.memory_space<vmem>> -> memref<128xi32, #tpu.memory_space<vmem>>
      %dma_start3A_1026 = arith.constant 0 : i32
      %dma_start3A_1027 = arith.constant 0 : i32
      %dma_start3A_1028 = tpu.memref_slice %arg2[%dma_start3A_1026, %dma_start3A_1027] : memref<1000000x64xf32, #tpu.memory_space<hbm>> -> memref<1000000x64xf32, #tpu.memory_space<hbm>>
      tpu.enqueue_indirect_dma source(%dma_start3A_1028 : memref<1000000x64xf32, #tpu.memory_space<hbm>>) target(%dma_start3A_1022 : memref<128x64xf32, #tpu.memory_space<vmem>>) offsets(%dma_start3A_1025 : memref<128xi32, #tpu.memory_space<vmem>>) semaphore(%arg13 : memref<!tpu.dma_semaphore, #tpu.memory_space<semaphore_mem>>)
      %mul3A_1029 = arith.constant 8 : i32
      %mul3A_1030 = arith.muli %scan3A_964, %mul3A_1029 : i32
      %add3A_1031 = arith.constant 1 : i32
      %add3A_1032 = arith.addi %mul3A_1030, %add3A_1031 : i32
      %dma_wait3A_1033 = arith.constant 0 : i32
      %dma_wait3A_1034 = arith.constant 1 : i32
      %dma_wait3A_1035 = arith.constant 0 : i32
      %dma_wait3A_1036 = arith.constant 0 : i32
      %dma_wait3A_1037 = tpu.memref_slice %arg6[%dma_wait3A_1034, %dma_wait3A_1035, %dma_wait3A_1036] : memref<8x128x64xf32, #tpu.memory_space<vmem>> -> memref<1x128x64xf32, #tpu.memory_space<vmem>>
      %dma_wait3A_1038 = tpu.memref_squeeze %dma_wait3A_1037 : memref<1x128x64xf32, #tpu.memory_space<vmem>> -> memref<128x64xf32, #tpu.memory_space<vmem>>
      %dma_wait3A_1039 = arith.constant 0 : i32
      %dma_wait3A_1040 = tpu.memref_slice %arg5[%dma_wait3A_1033, %dma_wait3A_1039] : memref<200x128xi32, #tpu.memory_space<vmem>> -> memref<1x128xi32, #tpu.memory_space<vmem>>
      %dma_wait3A_1041 = tpu.memref_squeeze %dma_wait3A_1040 : memref<1x128xi32, #tpu.memory_space<vmem>> -> memref<128xi32, #tpu.memory_space<vmem>>
      %dma_wait3A_1042 = arith.constant 0 : i32
      %dma_wait3A_1043 = arith.constant 0 : i32
      %dma_wait3A_1044 = tpu.memref_slice %arg2[%dma_wait3A_1042, %dma_wait3A_1043] : memref<1000000x64xf32, #tpu.memory_space<hbm>> -> memref<1000000x64xf32, #tpu.memory_space<hbm>>
      tpu.wait_indirect_dma semaphore(%arg8 : memref<!tpu.dma_semaphore, #tpu.memory_space<semaphore_mem>>) src(%dma_wait3A_1044 : memref<1000000x64xf32, #tpu.memory_space<hbm>>) dst(%dma_wait3A_1038 : memref<128x64xf32, #tpu.memory_space<vmem>>)
      %dma_start3A_1045 = arith.constant 1 : i32
      %dma_start3A_1046 = arith.constant 0 : i32
      %dma_start3A_1047 = arith.constant 0 : i32
      %dma_start3A_1048 = tpu.memref_slice %arg6[%dma_start3A_1045, %dma_start3A_1046, %dma_start3A_1047] : memref<8x128x64xf32, #tpu.memory_space<vmem>> -> memref<1x128x64xf32, #tpu.memory_space<vmem>>
      %dma_start3A_1049 = tpu.memref_squeeze %dma_start3A_1048 : memref<1x128x64xf32, #tpu.memory_space<vmem>> -> memref<128x64xf32, #tpu.memory_space<vmem>>
      %dma_start3A_1050 = arith.constant 0 : i32
      %dma_start3A_1051 = arith.constant 0 : i32
      %dma_start3A_1052 = tpu.memref_slice %arg4[%add3A, %add3A_1032, %dma_start3A_1050, %dma_start3A_1051] : memref<32x200x128x64xf32, #tpu.memory_space<hbm>> -> memref<1x1x128x64xf32, #tpu.memory_space<hbm>>
      %dma_start3A_1053 = tpu.memref_squeeze %dma_start3A_1052 : memref<1x1x128x64xf32, #tpu.memory_space<hbm>> -> memref<128x64xf32, #tpu.memory_space<hbm>>
      %dma_start3A_1054 = arith.constant 0 : i32
      %dma_start3A_1055 = arith.constant 0 : i32
      %dma_start3A_1056 = tpu.memref_slice %arg4[%add3A, %add3A_1032, %dma_start3A_1054, %dma_start3A_1055] : memref<32x200x128x64xf32, #tpu.memory_space<hbm>> -> memref<1x1x128x64xf32, #tpu.memory_space<hbm>>
      %dma_start3A_1057 = tpu.memref_squeeze %dma_start3A_1056 : memref<1x1x128x64xf32, #tpu.memory_space<hbm>> -> memref<128x64xf32, #tpu.memory_space<hbm>>
      %dma_start3A_1058 = arith.constant 0 : i32
      %dma_start3A_1059 = arith.constant 0 : i32
      %dma_start3A_1060 = tpu.memref_slice %arg6[%dma_start3A_1045, %dma_start3A_1058, %dma_start3A_1059] : memref<8x128x64xf32, #tpu.memory_space<vmem>> -> memref<1x128x64xf32, #tpu.memory_space<vmem>>
      %dma_start3A_1061 = tpu.memref_squeeze %dma_start3A_1060 : memref<1x128x64xf32, #tpu.memory_space<vmem>> -> memref<128x64xf32, #tpu.memory_space<vmem>>
      tpu.enqueue_dma source(%dma_start3A_1061 : memref<128x64xf32, #tpu.memory_space<vmem>>) target(%dma_start3A_1057 : memref<128x64xf32, #tpu.memory_space<hbm>>) target_semaphore(%arg16 : memref<!tpu.dma_semaphore, #tpu.memory_space<semaphore_mem>>)
      %dma_wait3A_1062 = arith.constant 7 : i32
      %dma_wait3A_1063 = arith.constant 0 : i32
      %dma_wait3A_1064 = arith.constant 0 : i32
      %dma_wait3A_1065 = arith.constant 0 : i32
      %dma_wait3A_1066 = tpu.memref_slice %arg6[%dma_wait3A_1062, %dma_wait3A_1064, %dma_wait3A_1065] : memref<8x128x64xf32, #tpu.memory_space<vmem>> -> memref<1x128x64xf32, #tpu.memory_space<vmem>>
      %dma_wait3A_1067 = tpu.memref_squeeze %dma_wait3A_1066 : memref<1x128x64xf32, #tpu.memory_space<vmem>> -> memref<128x64xf32, #tpu.memory_space<vmem>>
      %dma_wait3A_1068 = arith.constant 0 : i32
      %dma_wait3A_1069 = arith.constant 0 : i32
      %dma_wait3A_1070 = tpu.memref_slice %arg4[%add3A, %dma_wait3A_1063, %dma_wait3A_1068, %dma_wait3A_1069] : memref<32x200x128x64xf32, #tpu.memory_space<hbm>> -> memref<1x1x128x64xf32, #tpu.memory_space<hbm>>
      %dma_wait3A_1071 = tpu.memref_squeeze %dma_wait3A_1070 : memref<1x1x128x64xf32, #tpu.memory_space<hbm>> -> memref<128x64xf32, #tpu.memory_space<hbm>>
      %dma_wait3A_1072 = arith.constant 0 : i32
      %dma_wait3A_1073 = arith.constant 0 : i32
      %dma_wait3A_1074 = tpu.memref_slice %arg4[%add3A, %dma_wait3A_1063, %dma_wait3A_1072, %dma_wait3A_1073] : memref<32x200x128x64xf32, #tpu.memory_space<hbm>> -> memref<1x1x128x64xf32, #tpu.memory_space<hbm>>
      %dma_wait3A_1075 = tpu.memref_squeeze %dma_wait3A_1074 : memref<1x1x128x64xf32, #tpu.memory_space<hbm>> -> memref<128x64xf32, #tpu.memory_space<hbm>>
      %dma_wait3A_1076 = arith.constant 0 : i32
      %dma_wait3A_1077 = arith.constant 0 : i32
      %dma_wait3A_1078 = tpu.memref_slice %arg6[%dma_wait3A_1062, %dma_wait3A_1076, %dma_wait3A_1077] : memref<8x128x64xf32, #tpu.memory_space<vmem>> -> memref<1x128x64xf32, #tpu.memory_space<vmem>>
      %dma_wait3A_1079 = tpu.memref_squeeze %dma_wait3A_1078 : memref<1x128x64xf32, #tpu.memory_space<vmem>> -> memref<128x64xf32, #tpu.memory_space<vmem>>
      tpu.wait_dma2 semaphore(%arg22 : memref<!tpu.dma_semaphore, #tpu.memory_space<semaphore_mem>>) src(%dma_wait3A_1079 : memref<128x64xf32, #tpu.memory_space<vmem>>) dst(%dma_wait3A_1075 : memref<128x64xf32, #tpu.memory_space<hbm>>)
      %add3A_1080 = arith.constant 6 : i32
      %add3A_1081 = arith.addi %add3A_1032, %add3A_1080 : i32
      %dma_start3A_1082 = arith.constant 7 : i32
      %dma_start3A_1083 = arith.constant 0 : i32
      %dma_start3A_1084 = arith.constant 0 : i32
      %dma_start3A_1085 = tpu.memref_slice %arg6[%dma_start3A_1082, %dma_start3A_1083, %dma_start3A_1084] : memref<8x128x64xf32, #tpu.memory_space<vmem>> -> memref<1x128x64xf32, #tpu.memory_space<vmem>>
      %dma_start3A_1086 = tpu.memref_squeeze %dma_start3A_1085 : memref<1x128x64xf32, #tpu.memory_space<vmem>> -> memref<128x64xf32, #tpu.memory_space<vmem>>
      %dma_start3A_1087 = arith.constant 0 : i32
      %dma_start3A_1088 = tpu.memref_slice %arg5[%add3A_1081, %dma_start3A_1087] : memref<200x128xi32, #tpu.memory_space<vmem>> -> memref<1x128xi32, #tpu.memory_space<vmem>>
      %dma_start3A_1089 = tpu.memref_squeeze %dma_start3A_1088 : memref<1x128xi32, #tpu.memory_space<vmem>> -> memref<128xi32, #tpu.memory_space<vmem>>
      %dma_start3A_1090 = arith.constant 0 : i32
      %dma_start3A_1091 = arith.constant 0 : i32
      %dma_start3A_1092 = tpu.memref_slice %arg2[%dma_start3A_1090, %dma_start3A_1091] : memref<1000000x64xf32, #tpu.memory_space<hbm>> -> memref<1000000x64xf32, #tpu.memory_space<hbm>>
      tpu.enqueue_indirect_dma source(%dma_start3A_1092 : memref<1000000x64xf32, #tpu.memory_space<hbm>>) target(%dma_start3A_1086 : memref<128x64xf32, #tpu.memory_space<vmem>>) offsets(%dma_start3A_1089 : memref<128xi32, #tpu.memory_space<vmem>>) semaphore(%arg14 : memref<!tpu.dma_semaphore, #tpu.memory_space<semaphore_mem>>)
      %mul3A_1093 = arith.constant 8 : i32
      %mul3A_1094 = arith.muli %scan3A_964, %mul3A_1093 : i32
      %add3A_1095 = arith.constant 2 : i32
      %add3A_1096 = arith.addi %mul3A_1094, %add3A_1095 : i32
      %dma_wait3A_1097 = arith.constant 0 : i32
      %dma_wait3A_1098 = arith.constant 2 : i32
      %dma_wait3A_1099 = arith.constant 0 : i32
      %dma_wait3A_1100 = arith.constant 0 : i32
      %dma_wait3A_1101 = tpu.memref_slice %arg6[%dma_wait3A_1098, %dma_wait3A_1099, %dma_wait3A_1100] : memref<8x128x64xf32, #tpu.memory_space<vmem>> -> memref<1x128x64xf32, #tpu.memory_space<vmem>>
      %dma_wait3A_1102 = tpu.memref_squeeze %dma_wait3A_1101 : memref<1x128x64xf32, #tpu.memory_space<vmem>> -> memref<128x64xf32, #tpu.memory_space<vmem>>
      %dma_wait3A_1103 = arith.constant 0 : i32
      %dma_wait3A_1104 = tpu.memref_slice %arg5[%dma_wait3A_1097, %dma_wait3A_1103] : memref<200x128xi32, #tpu.memory_space<vmem>> -> memref<1x128xi32, #tpu.memory_space<vmem>>
      %dma_wait3A_1105 = tpu.memref_squeeze %dma_wait3A_1104 : memref<1x128xi32, #tpu.memory_space<vmem>> -> memref<128xi32, #tpu.memory_space<vmem>>
      %dma_wait3A_1106 = arith.constant 0 : i32
      %dma_wait3A_1107 = arith.constant 0 : i32
      %dma_wait3A_1108 = tpu.memref_slice %arg2[%dma_wait3A_1106, %dma_wait3A_1107] : memref<1000000x64xf32, #tpu.memory_space<hbm>> -> memref<1000000x64xf32, #tpu.memory_space<hbm>>
      tpu.wait_indirect_dma semaphore(%arg9 : memref<!tpu.dma_semaphore, #tpu.memory_space<semaphore_mem>>) src(%dma_wait3A_1108 : memref<1000000x64xf32, #tpu.memory_space<hbm>>) dst(%dma_wait3A_1102 : memref<128x64xf32, #tpu.memory_space<vmem>>)
      %dma_start3A_1109 = arith.constant 2 : i32
      %dma_start3A_1110 = arith.constant 0 : i32
      %dma_start3A_1111 = arith.constant 0 : i32
      %dma_start3A_1112 = tpu.memref_slice %arg6[%dma_start3A_1109, %dma_start3A_1110, %dma_start3A_1111] : memref<8x128x64xf32, #tpu.memory_space<vmem>> -> memref<1x128x64xf32, #tpu.memory_space<vmem>>
      %dma_start3A_1113 = tpu.memref_squeeze %dma_start3A_1112 : memref<1x128x64xf32, #tpu.memory_space<vmem>> -> memref<128x64xf32, #tpu.memory_space<vmem>>
      %dma_start3A_1114 = arith.constant 0 : i32
      %dma_start3A_1115 = arith.constant 0 : i32
      %dma_start3A_1116 = tpu.memref_slice %arg4[%add3A, %add3A_1096, %dma_start3A_1114, %dma_start3A_1115] : memref<32x200x128x64xf32, #tpu.memory_space<hbm>> -> memref<1x1x128x64xf32, #tpu.memory_space<hbm>>
      %dma_start3A_1117 = tpu.memref_squeeze %dma_start3A_1116 : memref<1x1x128x64xf32, #tpu.memory_space<hbm>> -> memref<128x64xf32, #tpu.memory_space<hbm>>
      %dma_start3A_1118 = arith.constant 0 : i32
      %dma_start3A_1119 = arith.constant 0 : i32
      %dma_start3A_1120 = tpu.memref_slice %arg4[%add3A, %add3A_1096, %dma_start3A_1118, %dma_start3A_1119] : memref<32x200x128x64xf32, #tpu.memory_space<hbm>> -> memref<1x1x128x64xf32, #tpu.memory_space<hbm>>
      %dma_start3A_1121 = tpu.memref_squeeze %dma_start3A_1120 : memref<1x1x128x64xf32, #tpu.memory_space<hbm>> -> memref<128x64xf32, #tpu.memory_space<hbm>>
      %dma_start3A_1122 = arith.constant 0 : i32
      %dma_start3A_1123 = arith.constant 0 : i32
      %dma_start3A_1124 = tpu.memref_slice %arg6[%dma_start3A_1109, %dma_start3A_1122, %dma_start3A_1123] : memref<8x128x64xf32, #tpu.memory_space<vmem>> -> memref<1x128x64xf32, #tpu.memory_space<vmem>>
      %dma_start3A_1125 = tpu.memref_squeeze %dma_start3A_1124 : memref<1x128x64xf32, #tpu.memory_space<vmem>> -> memref<128x64xf32, #tpu.memory_space<vmem>>
      tpu.enqueue_dma source(%dma_start3A_1125 : memref<128x64xf32, #tpu.memory_space<vmem>>) target(%dma_start3A_1121 : memref<128x64xf32, #tpu.memory_space<hbm>>) target_semaphore(%arg17 : memref<!tpu.dma_semaphore, #tpu.memory_space<semaphore_mem>>)
      %dma_wait3A_1126 = arith.constant 0 : i32
      %dma_wait3A_1127 = arith.constant 0 : i32
      %dma_wait3A_1128 = arith.constant 0 : i32
      %dma_wait3A_1129 = arith.constant 0 : i32
      %dma_wait3A_1130 = tpu.memref_slice %arg6[%dma_wait3A_1126, %dma_wait3A_1128, %dma_wait3A_1129] : memref<8x128x64xf32, #tpu.memory_space<vmem>> -> memref<1x128x64xf32, #tpu.memory_space<vmem>>
      %dma_wait3A_1131 = tpu.memref_squeeze %dma_wait3A_1130 : memref<1x128x64xf32, #tpu.memory_space<vmem>> -> memref<128x64xf32, #tpu.memory_space<vmem>>
      %dma_wait3A_1132 = arith.constant 0 : i32
      %dma_wait3A_1133 = arith.constant 0 : i32
      %dma_wait3A_1134 = tpu.memref_slice %arg4[%add3A, %dma_wait3A_1127, %dma_wait3A_1132, %dma_wait3A_1133] : memref<32x200x128x64xf32, #tpu.memory_space<hbm>> -> memref<1x1x128x64xf32, #tpu.memory_space<hbm>>
      %dma_wait3A_1135 = tpu.memref_squeeze %dma_wait3A_1134 : memref<1x1x128x64xf32, #tpu.memory_space<hbm>> -> memref<128x64xf32, #tpu.memory_space<hbm>>
      %dma_wait3A_1136 = arith.constant 0 : i32
      %dma_wait3A_1137 = arith.constant 0 : i32
      %dma_wait3A_1138 = tpu.memref_slice %arg4[%add3A, %dma_wait3A_1127, %dma_wait3A_1136, %dma_wait3A_1137] : memref<32x200x128x64xf32, #tpu.memory_space<hbm>> -> memref<1x1x128x64xf32, #tpu.memory_space<hbm>>
      %dma_wait3A_1139 = tpu.memref_squeeze %dma_wait3A_1138 : memref<1x1x128x64xf32, #tpu.memory_space<hbm>> -> memref<128x64xf32, #tpu.memory_space<hbm>>
      %dma_wait3A_1140 = arith.constant 0 : i32
      %dma_wait3A_1141 = arith.constant 0 : i32
      %dma_wait3A_1142 = tpu.memref_slice %arg6[%dma_wait3A_1126, %dma_wait3A_1140, %dma_wait3A_1141] : memref<8x128x64xf32, #tpu.memory_space<vmem>> -> memref<1x128x64xf32, #tpu.memory_space<vmem>>
      %dma_wait3A_1143 = tpu.memref_squeeze %dma_wait3A_1142 : memref<1x128x64xf32, #tpu.memory_space<vmem>> -> memref<128x64xf32, #tpu.memory_space<vmem>>
      tpu.wait_dma2 semaphore(%arg15 : memref<!tpu.dma_semaphore, #tpu.memory_space<semaphore_mem>>) src(%dma_wait3A_1143 : memref<128x64xf32, #tpu.memory_space<vmem>>) dst(%dma_wait3A_1139 : memref<128x64xf32, #tpu.memory_space<hbm>>)
      %add3A_1144 = arith.constant 6 : i32
      %add3A_1145 = arith.addi %add3A_1096, %add3A_1144 : i32
      %dma_start3A_1146 = arith.constant 0 : i32
      %dma_start3A_1147 = arith.constant 0 : i32
      %dma_start3A_1148 = arith.constant 0 : i32
      %dma_start3A_1149 = tpu.memref_slice %arg6[%dma_start3A_1146, %dma_start3A_1147, %dma_start3A_1148] : memref<8x128x64xf32, #tpu.memory_space<vmem>> -> memref<1x128x64xf32, #tpu.memory_space<vmem>>
      %dma_start3A_1150 = tpu.memref_squeeze %dma_start3A_1149 : memref<1x128x64xf32, #tpu.memory_space<vmem>> -> memref<128x64xf32, #tpu.memory_space<vmem>>
      %dma_start3A_1151 = arith.constant 0 : i32
      %dma_start3A_1152 = tpu.memref_slice %arg5[%add3A_1145, %dma_start3A_1151] : memref<200x128xi32, #tpu.memory_space<vmem>> -> memref<1x128xi32, #tpu.memory_space<vmem>>
      %dma_start3A_1153 = tpu.memref_squeeze %dma_start3A_1152 : memref<1x128xi32, #tpu.memory_space<vmem>> -> memref<128xi32, #tpu.memory_space<vmem>>
      %dma_start3A_1154 = arith.constant 0 : i32
      %dma_start3A_1155 = arith.constant 0 : i32
      %dma_start3A_1156 = tpu.memref_slice %arg2[%dma_start3A_1154, %dma_start3A_1155] : memref<1000000x64xf32, #tpu.memory_space<hbm>> -> memref<1000000x64xf32, #tpu.memory_space<hbm>>
      tpu.enqueue_indirect_dma source(%dma_start3A_1156 : memref<1000000x64xf32, #tpu.memory_space<hbm>>) target(%dma_start3A_1150 : memref<128x64xf32, #tpu.memory_space<vmem>>) offsets(%dma_start3A_1153 : memref<128xi32, #tpu.memory_space<vmem>>) semaphore(%arg7 : memref<!tpu.dma_semaphore, #tpu.memory_space<semaphore_mem>>)
      %mul3A_1157 = arith.constant 8 : i32
      %mul3A_1158 = arith.muli %scan3A_964, %mul3A_1157 : i32
      %add3A_1159 = arith.constant 3 : i32
      %add3A_1160 = arith.addi %mul3A_1158, %add3A_1159 : i32
      %dma_wait3A_1161 = arith.constant 0 : i32
      %dma_wait3A_1162 = arith.constant 3 : i32
      %dma_wait3A_1163 = arith.constant 0 : i32
      %dma_wait3A_1164 = arith.constant 0 : i32
      %dma_wait3A_1165 = tpu.memref_slice %arg6[%dma_wait3A_1162, %dma_wait3A_1163, %dma_wait3A_1164] : memref<8x128x64xf32, #tpu.memory_space<vmem>> -> memref<1x128x64xf32, #tpu.memory_space<vmem>>
      %dma_wait3A_1166 = tpu.memref_squeeze %dma_wait3A_1165 : memref<1x128x64xf32, #tpu.memory_space<vmem>> -> memref<128x64xf32, #tpu.memory_space<vmem>>
      %dma_wait3A_1167 = arith.constant 0 : i32
      %dma_wait3A_1168 = tpu.memref_slice %arg5[%dma_wait3A_1161, %dma_wait3A_1167] : memref<200x128xi32, #tpu.memory_space<vmem>> -> memref<1x128xi32, #tpu.memory_space<vmem>>
      %dma_wait3A_1169 = tpu.memref_squeeze %dma_wait3A_1168 : memref<1x128xi32, #tpu.memory_space<vmem>> -> memref<128xi32, #tpu.memory_space<vmem>>
      %dma_wait3A_1170 = arith.constant 0 : i32
      %dma_wait3A_1171 = arith.constant 0 : i32
      %dma_wait3A_1172 = tpu.memref_slice %arg2[%dma_wait3A_1170, %dma_wait3A_1171] : memref<1000000x64xf32, #tpu.memory_space<hbm>> -> memref<1000000x64xf32, #tpu.memory_space<hbm>>
      tpu.wait_indirect_dma semaphore(%arg10 : memref<!tpu.dma_semaphore, #tpu.memory_space<semaphore_mem>>) src(%dma_wait3A_1172 : memref<1000000x64xf32, #tpu.memory_space<hbm>>) dst(%dma_wait3A_1166 : memref<128x64xf32, #tpu.memory_space<vmem>>)
      %dma_start3A_1173 = arith.constant 3 : i32
      %dma_start3A_1174 = arith.constant 0 : i32
      %dma_start3A_1175 = arith.constant 0 : i32
      %dma_start3A_1176 = tpu.memref_slice %arg6[%dma_start3A_1173, %dma_start3A_1174, %dma_start3A_1175] : memref<8x128x64xf32, #tpu.memory_space<vmem>> -> memref<1x128x64xf32, #tpu.memory_space<vmem>>
      %dma_start3A_1177 = tpu.memref_squeeze %dma_start3A_1176 : memref<1x128x64xf32, #tpu.memory_space<vmem>> -> memref<128x64xf32, #tpu.memory_space<vmem>>
      %dma_start3A_1178 = arith.constant 0 : i32
      %dma_start3A_1179 = arith.constant 0 : i32
      %dma_start3A_1180 = tpu.memref_slice %arg4[%add3A, %add3A_1160, %dma_start3A_1178, %dma_start3A_1179] : memref<32x200x128x64xf32, #tpu.memory_space<hbm>> -> memref<1x1x128x64xf32, #tpu.memory_space<hbm>>
      %dma_start3A_1181 = tpu.memref_squeeze %dma_start3A_1180 : memref<1x1x128x64xf32, #tpu.memory_space<hbm>> -> memref<128x64xf32, #tpu.memory_space<hbm>>
      %dma_start3A_1182 = arith.constant 0 : i32
      %dma_start3A_1183 = arith.constant 0 : i32
      %dma_start3A_1184 = tpu.memref_slice %arg4[%add3A, %add3A_1160, %dma_start3A_1182, %dma_start3A_1183] : memref<32x200x128x64xf32, #tpu.memory_space<hbm>> -> memref<1x1x128x64xf32, #tpu.memory_space<hbm>>
      %dma_start3A_1185 = tpu.memref_squeeze %dma_start3A_1184 : memref<1x1x128x64xf32, #tpu.memory_space<hbm>> -> memref<128x64xf32, #tpu.memory_space<hbm>>
      %dma_start3A_1186 = arith.constant 0 : i32
      %dma_start3A_1187 = arith.constant 0 : i32
      %dma_start3A_1188 = tpu.memref_slice %arg6[%dma_start3A_1173, %dma_start3A_1186, %dma_start3A_1187] : memref<8x128x64xf32, #tpu.memory_space<vmem>> -> memref<1x128x64xf32, #tpu.memory_space<vmem>>
      %dma_start3A_1189 = tpu.memref_squeeze %dma_start3A_1188 : memref<1x128x64xf32, #tpu.memory_space<vmem>> -> memref<128x64xf32, #tpu.memory_space<vmem>>
      tpu.enqueue_dma source(%dma_start3A_1189 : memref<128x64xf32, #tpu.memory_space<vmem>>) target(%dma_start3A_1185 : memref<128x64xf32, #tpu.memory_space<hbm>>) target_semaphore(%arg18 : memref<!tpu.dma_semaphore, #tpu.memory_space<semaphore_mem>>)
      %dma_wait3A_1190 = arith.constant 1 : i32
      %dma_wait3A_1191 = arith.constant 0 : i32
      %dma_wait3A_1192 = arith.constant 0 : i32
      %dma_wait3A_1193 = arith.constant 0 : i32
      %dma_wait3A_1194 = tpu.memref_slice %arg6[%dma_wait3A_1190, %dma_wait3A_1192, %dma_wait3A_1193] : memref<8x128x64xf32, #tpu.memory_space<vmem>> -> memref<1x128x64xf32, #tpu.memory_space<vmem>>
      %dma_wait3A_1195 = tpu.memref_squeeze %dma_wait3A_1194 : memref<1x128x64xf32, #tpu.memory_space<vmem>> -> memref<128x64xf32, #tpu.memory_space<vmem>>
      %dma_wait3A_1196 = arith.constant 0 : i32
      %dma_wait3A_1197 = arith.constant 0 : i32
      %dma_wait3A_1198 = tpu.memref_slice %arg4[%add3A, %dma_wait3A_1191, %dma_wait3A_1196, %dma_wait3A_1197] : memref<32x200x128x64xf32, #tpu.memory_space<hbm>> -> memref<1x1x128x64xf32, #tpu.memory_space<hbm>>
      %dma_wait3A_1199 = tpu.memref_squeeze %dma_wait3A_1198 : memref<1x1x128x64xf32, #tpu.memory_space<hbm>> -> memref<128x64xf32, #tpu.memory_space<hbm>>
      %dma_wait3A_1200 = arith.constant 0 : i32
      %dma_wait3A_1201 = arith.constant 0 : i32
      %dma_wait3A_1202 = tpu.memref_slice %arg4[%add3A, %dma_wait3A_1191, %dma_wait3A_1200, %dma_wait3A_1201] : memref<32x200x128x64xf32, #tpu.memory_space<hbm>> -> memref<1x1x128x64xf32, #tpu.memory_space<hbm>>
      %dma_wait3A_1203 = tpu.memref_squeeze %dma_wait3A_1202 : memref<1x1x128x64xf32, #tpu.memory_space<hbm>> -> memref<128x64xf32, #tpu.memory_space<hbm>>
      %dma_wait3A_1204 = arith.constant 0 : i32
      %dma_wait3A_1205 = arith.constant 0 : i32
      %dma_wait3A_1206 = tpu.memref_slice %arg6[%dma_wait3A_1190, %dma_wait3A_1204, %dma_wait3A_1205] : memref<8x128x64xf32, #tpu.memory_space<vmem>> -> memref<1x128x64xf32, #tpu.memory_space<vmem>>
      %dma_wait3A_1207 = tpu.memref_squeeze %dma_wait3A_1206 : memref<1x128x64xf32, #tpu.memory_space<vmem>> -> memref<128x64xf32, #tpu.memory_space<vmem>>
      tpu.wait_dma2 semaphore(%arg16 : memref<!tpu.dma_semaphore, #tpu.memory_space<semaphore_mem>>) src(%dma_wait3A_1207 : memref<128x64xf32, #tpu.memory_space<vmem>>) dst(%dma_wait3A_1203 : memref<128x64xf32, #tpu.memory_space<hbm>>)
      %add3A_1208 = arith.constant 6 : i32
      %add3A_1209 = arith.addi %add3A_1160, %add3A_1208 : i32
      %dma_start3A_1210 = arith.constant 1 : i32
      %dma_start3A_1211 = arith.constant 0 : i32
      %dma_start3A_1212 = arith.constant 0 : i32
      %dma_start3A_1213 = tpu.memref_slice %arg6[%dma_start3A_1210, %dma_start3A_1211, %dma_start3A_1212] : memref<8x128x64xf32, #tpu.memory_space<vmem>> -> memref<1x128x64xf32, #tpu.memory_space<vmem>>
      %dma_start3A_1214 = tpu.memref_squeeze %dma_start3A_1213 : memref<1x128x64xf32, #tpu.memory_space<vmem>> -> memref<128x64xf32, #tpu.memory_space<vmem>>
      %dma_start3A_1215 = arith.constant 0 : i32
      %dma_start3A_1216 = tpu.memref_slice %arg5[%add3A_1209, %dma_start3A_1215] : memref<200x128xi32, #tpu.memory_space<vmem>> -> memref<1x128xi32, #tpu.memory_space<vmem>>
      %dma_start3A_1217 = tpu.memref_squeeze %dma_start3A_1216 : memref<1x128xi32, #tpu.memory_space<vmem>> -> memref<128xi32, #tpu.memory_space<vmem>>
      %dma_start3A_1218 = arith.constant 0 : i32
      %dma_start3A_1219 = arith.constant 0 : i32
      %dma_start3A_1220 = tpu.memref_slice %arg2[%dma_start3A_1218, %dma_start3A_1219] : memref<1000000x64xf32, #tpu.memory_space<hbm>> -> memref<1000000x64xf32, #tpu.memory_space<hbm>>
      tpu.enqueue_indirect_dma source(%dma_start3A_1220 : memref<1000000x64xf32, #tpu.memory_space<hbm>>) target(%dma_start3A_1214 : memref<128x64xf32, #tpu.memory_space<vmem>>) offsets(%dma_start3A_1217 : memref<128xi32, #tpu.memory_space<vmem>>) semaphore(%arg8 : memref<!tpu.dma_semaphore, #tpu.memory_space<semaphore_mem>>)
      %mul3A_1221 = arith.constant 8 : i32
      %mul3A_1222 = arith.muli %scan3A_964, %mul3A_1221 : i32
      %add3A_1223 = arith.constant 4 : i32
      %add3A_1224 = arith.addi %mul3A_1222, %add3A_1223 : i32
      %dma_wait3A_1225 = arith.constant 0 : i32
      %dma_wait3A_1226 = arith.constant 4 : i32
      %dma_wait3A_1227 = arith.constant 0 : i32
      %dma_wait3A_1228 = arith.constant 0 : i32
      %dma_wait3A_1229 = tpu.memref_slice %arg6[%dma_wait3A_1226, %dma_wait3A_1227, %dma_wait3A_1228] : memref<8x128x64xf32, #tpu.memory_space<vmem>> -> memref<1x128x64xf32, #tpu.memory_space<vmem>>
      %dma_wait3A_1230 = tpu.memref_squeeze %dma_wait3A_1229 : memref<1x128x64xf32, #tpu.memory_space<vmem>> -> memref<128x64xf32, #tpu.memory_space<vmem>>
      %dma_wait3A_1231 = arith.constant 0 : i32
      %dma_wait3A_1232 = tpu.memref_slice %arg5[%dma_wait3A_1225, %dma_wait3A_1231] : memref<200x128xi32, #tpu.memory_space<vmem>> -> memref<1x128xi32, #tpu.memory_space<vmem>>
      %dma_wait3A_1233 = tpu.memref_squeeze %dma_wait3A_1232 : memref<1x128xi32, #tpu.memory_space<vmem>> -> memref<128xi32, #tpu.memory_space<vmem>>
      %dma_wait3A_1234 = arith.constant 0 : i32
      %dma_wait3A_1235 = arith.constant 0 : i32
      %dma_wait3A_1236 = tpu.memref_slice %arg2[%dma_wait3A_1234, %dma_wait3A_1235] : memref<1000000x64xf32, #tpu.memory_space<hbm>> -> memref<1000000x64xf32, #tpu.memory_space<hbm>>
      tpu.wait_indirect_dma semaphore(%arg11 : memref<!tpu.dma_semaphore, #tpu.memory_space<semaphore_mem>>) src(%dma_wait3A_1236 : memref<1000000x64xf32, #tpu.memory_space<hbm>>) dst(%dma_wait3A_1230 : memref<128x64xf32, #tpu.memory_space<vmem>>)
      %dma_start3A_1237 = arith.constant 4 : i32
      %dma_start3A_1238 = arith.constant 0 : i32
      %dma_start3A_1239 = arith.constant 0 : i32
      %dma_start3A_1240 = tpu.memref_slice %arg6[%dma_start3A_1237, %dma_start3A_1238, %dma_start3A_1239] : memref<8x128x64xf32, #tpu.memory_space<vmem>> -> memref<1x128x64xf32, #tpu.memory_space<vmem>>
      %dma_start3A_1241 = tpu.memref_squeeze %dma_start3A_1240 : memref<1x128x64xf32, #tpu.memory_space<vmem>> -> memref<128x64xf32, #tpu.memory_space<vmem>>
      %dma_start3A_1242 = arith.constant 0 : i32
      %dma_start3A_1243 = arith.constant 0 : i32
      %dma_start3A_1244 = tpu.memref_slice %arg4[%add3A, %add3A_1224, %dma_start3A_1242, %dma_start3A_1243] : memref<32x200x128x64xf32, #tpu.memory_space<hbm>> -> memref<1x1x128x64xf32, #tpu.memory_space<hbm>>
      %dma_start3A_1245 = tpu.memref_squeeze %dma_start3A_1244 : memref<1x1x128x64xf32, #tpu.memory_space<hbm>> -> memref<128x64xf32, #tpu.memory_space<hbm>>
      %dma_start3A_1246 = arith.constant 0 : i32
      %dma_start3A_1247 = arith.constant 0 : i32
      %dma_start3A_1248 = tpu.memref_slice %arg4[%add3A, %add3A_1224, %dma_start3A_1246, %dma_start3A_1247] : memref<32x200x128x64xf32, #tpu.memory_space<hbm>> -> memref<1x1x128x64xf32, #tpu.memory_space<hbm>>
      %dma_start3A_1249 = tpu.memref_squeeze %dma_start3A_1248 : memref<1x1x128x64xf32, #tpu.memory_space<hbm>> -> memref<128x64xf32, #tpu.memory_space<hbm>>
      %dma_start3A_1250 = arith.constant 0 : i32
      %dma_start3A_1251 = arith.constant 0 : i32
      %dma_start3A_1252 = tpu.memref_slice %arg6[%dma_start3A_1237, %dma_start3A_1250, %dma_start3A_1251] : memref<8x128x64xf32, #tpu.memory_space<vmem>> -> memref<1x128x64xf32, #tpu.memory_space<vmem>>
      %dma_start3A_1253 = tpu.memref_squeeze %dma_start3A_1252 : memref<1x128x64xf32, #tpu.memory_space<vmem>> -> memref<128x64xf32, #tpu.memory_space<vmem>>
      tpu.enqueue_dma source(%dma_start3A_1253 : memref<128x64xf32, #tpu.memory_space<vmem>>) target(%dma_start3A_1249 : memref<128x64xf32, #tpu.memory_space<hbm>>) target_semaphore(%arg19 : memref<!tpu.dma_semaphore, #tpu.memory_space<semaphore_mem>>)
      %dma_wait3A_1254 = arith.constant 2 : i32
      %dma_wait3A_1255 = arith.constant 0 : i32
      %dma_wait3A_1256 = arith.constant 0 : i32
      %dma_wait3A_1257 = arith.constant 0 : i32
      %dma_wait3A_1258 = tpu.memref_slice %arg6[%dma_wait3A_1254, %dma_wait3A_1256, %dma_wait3A_1257] : memref<8x128x64xf32, #tpu.memory_space<vmem>> -> memref<1x128x64xf32, #tpu.memory_space<vmem>>
      %dma_wait3A_1259 = tpu.memref_squeeze %dma_wait3A_1258 : memref<1x128x64xf32, #tpu.memory_space<vmem>> -> memref<128x64xf32, #tpu.memory_space<vmem>>
      %dma_wait3A_1260 = arith.constant 0 : i32
      %dma_wait3A_1261 = arith.constant 0 : i32
      %dma_wait3A_1262 = tpu.memref_slice %arg4[%add3A, %dma_wait3A_1255, %dma_wait3A_1260, %dma_wait3A_1261] : memref<32x200x128x64xf32, #tpu.memory_space<hbm>> -> memref<1x1x128x64xf32, #tpu.memory_space<hbm>>
      %dma_wait3A_1263 = tpu.memref_squeeze %dma_wait3A_1262 : memref<1x1x128x64xf32, #tpu.memory_space<hbm>> -> memref<128x64xf32, #tpu.memory_space<hbm>>
      %dma_wait3A_1264 = arith.constant 0 : i32
      %dma_wait3A_1265 = arith.constant 0 : i32
      %dma_wait3A_1266 = tpu.memref_slice %arg4[%add3A, %dma_wait3A_1255, %dma_wait3A_1264, %dma_wait3A_1265] : memref<32x200x128x64xf32, #tpu.memory_space<hbm>> -> memref<1x1x128x64xf32, #tpu.memory_space<hbm>>
      %dma_wait3A_1267 = tpu.memref_squeeze %dma_wait3A_1266 : memref<1x1x128x64xf32, #tpu.memory_space<hbm>> -> memref<128x64xf32, #tpu.memory_space<hbm>>
      %dma_wait3A_1268 = arith.constant 0 : i32
      %dma_wait3A_1269 = arith.constant 0 : i32
      %dma_wait3A_1270 = tpu.memref_slice %arg6[%dma_wait3A_1254, %dma_wait3A_1268, %dma_wait3A_1269] : memref<8x128x64xf32, #tpu.memory_space<vmem>> -> memref<1x128x64xf32, #tpu.memory_space<vmem>>
      %dma_wait3A_1271 = tpu.memref_squeeze %dma_wait3A_1270 : memref<1x128x64xf32, #tpu.memory_space<vmem>> -> memref<128x64xf32, #tpu.memory_space<vmem>>
      tpu.wait_dma2 semaphore(%arg17 : memref<!tpu.dma_semaphore, #tpu.memory_space<semaphore_mem>>) src(%dma_wait3A_1271 : memref<128x64xf32, #tpu.memory_space<vmem>>) dst(%dma_wait3A_1267 : memref<128x64xf32, #tpu.memory_space<hbm>>)
      %add3A_1272 = arith.constant 6 : i32
      %add3A_1273 = arith.addi %add3A_1224, %add3A_1272 : i32
      %dma_start3A_1274 = arith.constant 2 : i32
      %dma_start3A_1275 = arith.constant 0 : i32
      %dma_start3A_1276 = arith.constant 0 : i32
      %dma_start3A_1277 = tpu.memref_slice %arg6[%dma_start3A_1274, %dma_start3A_1275, %dma_start3A_1276] : memref<8x128x64xf32, #tpu.memory_space<vmem>> -> memref<1x128x64xf32, #tpu.memory_space<vmem>>
      %dma_start3A_1278 = tpu.memref_squeeze %dma_start3A_1277 : memref<1x128x64xf32, #tpu.memory_space<vmem>> -> memref<128x64xf32, #tpu.memory_space<vmem>>
      %dma_start3A_1279 = arith.constant 0 : i32
      %dma_start3A_1280 = tpu.memref_slice %arg5[%add3A_1273, %dma_start3A_1279] : memref<200x128xi32, #tpu.memory_space<vmem>> -> memref<1x128xi32, #tpu.memory_space<vmem>>
      %dma_start3A_1281 = tpu.memref_squeeze %dma_start3A_1280 : memref<1x128xi32, #tpu.memory_space<vmem>> -> memref<128xi32, #tpu.memory_space<vmem>>
      %dma_start3A_1282 = arith.constant 0 : i32
      %dma_start3A_1283 = arith.constant 0 : i32
      %dma_start3A_1284 = tpu.memref_slice %arg2[%dma_start3A_1282, %dma_start3A_1283] : memref<1000000x64xf32, #tpu.memory_space<hbm>> -> memref<1000000x64xf32, #tpu.memory_space<hbm>>
      tpu.enqueue_indirect_dma source(%dma_start3A_1284 : memref<1000000x64xf32, #tpu.memory_space<hbm>>) target(%dma_start3A_1278 : memref<128x64xf32, #tpu.memory_space<vmem>>) offsets(%dma_start3A_1281 : memref<128xi32, #tpu.memory_space<vmem>>) semaphore(%arg9 : memref<!tpu.dma_semaphore, #tpu.memory_space<semaphore_mem>>)
      %mul3A_1285 = arith.constant 8 : i32
      %mul3A_1286 = arith.muli %scan3A_964, %mul3A_1285 : i32
      %add3A_1287 = arith.constant 5 : i32
      %add3A_1288 = arith.addi %mul3A_1286, %add3A_1287 : i32
      %dma_wait3A_1289 = arith.constant 0 : i32
      %dma_wait3A_1290 = arith.constant 5 : i32
      %dma_wait3A_1291 = arith.constant 0 : i32
      %dma_wait3A_1292 = arith.constant 0 : i32
      %dma_wait3A_1293 = tpu.memref_slice %arg6[%dma_wait3A_1290, %dma_wait3A_1291, %dma_wait3A_1292] : memref<8x128x64xf32, #tpu.memory_space<vmem>> -> memref<1x128x64xf32, #tpu.memory_space<vmem>>
      %dma_wait3A_1294 = tpu.memref_squeeze %dma_wait3A_1293 : memref<1x128x64xf32, #tpu.memory_space<vmem>> -> memref<128x64xf32, #tpu.memory_space<vmem>>
      %dma_wait3A_1295 = arith.constant 0 : i32
      %dma_wait3A_1296 = tpu.memref_slice %arg5[%dma_wait3A_1289, %dma_wait3A_1295] : memref<200x128xi32, #tpu.memory_space<vmem>> -> memref<1x128xi32, #tpu.memory_space<vmem>>
      %dma_wait3A_1297 = tpu.memref_squeeze %dma_wait3A_1296 : memref<1x128xi32, #tpu.memory_space<vmem>> -> memref<128xi32, #tpu.memory_space<vmem>>
      %dma_wait3A_1298 = arith.constant 0 : i32
      %dma_wait3A_1299 = arith.constant 0 : i32
      %dma_wait3A_1300 = tpu.memref_slice %arg2[%dma_wait3A_1298, %dma_wait3A_1299] : memref<1000000x64xf32, #tpu.memory_space<hbm>> -> memref<1000000x64xf32, #tpu.memory_space<hbm>>
      tpu.wait_indirect_dma semaphore(%arg12 : memref<!tpu.dma_semaphore, #tpu.memory_space<semaphore_mem>>) src(%dma_wait3A_1300 : memref<1000000x64xf32, #tpu.memory_space<hbm>>) dst(%dma_wait3A_1294 : memref<128x64xf32, #tpu.memory_space<vmem>>)
      %dma_start3A_1301 = arith.constant 5 : i32
      %dma_start3A_1302 = arith.constant 0 : i32
      %dma_start3A_1303 = arith.constant 0 : i32
      %dma_start3A_1304 = tpu.memref_slice %arg6[%dma_start3A_1301, %dma_start3A_1302, %dma_start3A_1303] : memref<8x128x64xf32, #tpu.memory_space<vmem>> -> memref<1x128x64xf32, #tpu.memory_space<vmem>>
      %dma_start3A_1305 = tpu.memref_squeeze %dma_start3A_1304 : memref<1x128x64xf32, #tpu.memory_space<vmem>> -> memref<128x64xf32, #tpu.memory_space<vmem>>
      %dma_start3A_1306 = arith.constant 0 : i32
      %dma_start3A_1307 = arith.constant 0 : i32
      %dma_start3A_1308 = tpu.memref_slice %arg4[%add3A, %add3A_1288, %dma_start3A_1306, %dma_start3A_1307] : memref<32x200x128x64xf32, #tpu.memory_space<hbm>> -> memref<1x1x128x64xf32, #tpu.memory_space<hbm>>
      %dma_start3A_1309 = tpu.memref_squeeze %dma_start3A_1308 : memref<1x1x128x64xf32, #tpu.memory_space<hbm>> -> memref<128x64xf32, #tpu.memory_space<hbm>>
      %dma_start3A_1310 = arith.constant 0 : i32
      %dma_start3A_1311 = arith.constant 0 : i32
      %dma_start3A_1312 = tpu.memref_slice %arg4[%add3A, %add3A_1288, %dma_start3A_1310, %dma_start3A_1311] : memref<32x200x128x64xf32, #tpu.memory_space<hbm>> -> memref<1x1x128x64xf32, #tpu.memory_space<hbm>>
      %dma_start3A_1313 = tpu.memref_squeeze %dma_start3A_1312 : memref<1x1x128x64xf32, #tpu.memory_space<hbm>> -> memref<128x64xf32, #tpu.memory_space<hbm>>
      %dma_start3A_1314 = arith.constant 0 : i32
      %dma_start3A_1315 = arith.constant 0 : i32
      %dma_start3A_1316 = tpu.memref_slice %arg6[%dma_start3A_1301, %dma_start3A_1314, %dma_start3A_1315] : memref<8x128x64xf32, #tpu.memory_space<vmem>> -> memref<1x128x64xf32, #tpu.memory_space<vmem>>
      %dma_start3A_1317 = tpu.memref_squeeze %dma_start3A_1316 : memref<1x128x64xf32, #tpu.memory_space<vmem>> -> memref<128x64xf32, #tpu.memory_space<vmem>>
      tpu.enqueue_dma source(%dma_start3A_1317 : memref<128x64xf32, #tpu.memory_space<vmem>>) target(%dma_start3A_1313 : memref<128x64xf32, #tpu.memory_space<hbm>>) target_semaphore(%arg20 : memref<!tpu.dma_semaphore, #tpu.memory_space<semaphore_mem>>)
      %dma_wait3A_1318 = arith.constant 3 : i32
      %dma_wait3A_1319 = arith.constant 0 : i32
      %dma_wait3A_1320 = arith.constant 0 : i32
      %dma_wait3A_1321 = arith.constant 0 : i32
      %dma_wait3A_1322 = tpu.memref_slice %arg6[%dma_wait3A_1318, %dma_wait3A_1320, %dma_wait3A_1321] : memref<8x128x64xf32, #tpu.memory_space<vmem>> -> memref<1x128x64xf32, #tpu.memory_space<vmem>>
      %dma_wait3A_1323 = tpu.memref_squeeze %dma_wait3A_1322 : memref<1x128x64xf32, #tpu.memory_space<vmem>> -> memref<128x64xf32, #tpu.memory_space<vmem>>
      %dma_wait3A_1324 = arith.constant 0 : i32
      %dma_wait3A_1325 = arith.constant 0 : i32
      %dma_wait3A_1326 = tpu.memref_slice %arg4[%add3A, %dma_wait3A_1319, %dma_wait3A_1324, %dma_wait3A_1325] : memref<32x200x128x64xf32, #tpu.memory_space<hbm>> -> memref<1x1x128x64xf32, #tpu.memory_space<hbm>>
      %dma_wait3A_1327 = tpu.memref_squeeze %dma_wait3A_1326 : memref<1x1x128x64xf32, #tpu.memory_space<hbm>> -> memref<128x64xf32, #tpu.memory_space<hbm>>
      %dma_wait3A_1328 = arith.constant 0 : i32
      %dma_wait3A_1329 = arith.constant 0 : i32
      %dma_wait3A_1330 = tpu.memref_slice %arg4[%add3A, %dma_wait3A_1319, %dma_wait3A_1328, %dma_wait3A_1329] : memref<32x200x128x64xf32, #tpu.memory_space<hbm>> -> memref<1x1x128x64xf32, #tpu.memory_space<hbm>>
      %dma_wait3A_1331 = tpu.memref_squeeze %dma_wait3A_1330 : memref<1x1x128x64xf32, #tpu.memory_space<hbm>> -> memref<128x64xf32, #tpu.memory_space<hbm>>
      %dma_wait3A_1332 = arith.constant 0 : i32
      %dma_wait3A_1333 = arith.constant 0 : i32
      %dma_wait3A_1334 = tpu.memref_slice %arg6[%dma_wait3A_1318, %dma_wait3A_1332, %dma_wait3A_1333] : memref<8x128x64xf32, #tpu.memory_space<vmem>> -> memref<1x128x64xf32, #tpu.memory_space<vmem>>
      %dma_wait3A_1335 = tpu.memref_squeeze %dma_wait3A_1334 : memref<1x128x64xf32, #tpu.memory_space<vmem>> -> memref<128x64xf32, #tpu.memory_space<vmem>>
      tpu.wait_dma2 semaphore(%arg18 : memref<!tpu.dma_semaphore, #tpu.memory_space<semaphore_mem>>) src(%dma_wait3A_1335 : memref<128x64xf32, #tpu.memory_space<vmem>>) dst(%dma_wait3A_1331 : memref<128x64xf32, #tpu.memory_space<hbm>>)
      %add3A_1336 = arith.constant 6 : i32
      %add3A_1337 = arith.addi %add3A_1288, %add3A_1336 : i32
      %dma_start3A_1338 = arith.constant 3 : i32
      %dma_start3A_1339 = arith.constant 0 : i32
      %dma_start3A_1340 = arith.constant 0 : i32
      %dma_start3A_1341 = tpu.memref_slice %arg6[%dma_start3A_1338, %dma_start3A_1339, %dma_start3A_1340] : memref<8x128x64xf32, #tpu.memory_space<vmem>> -> memref<1x128x64xf32, #tpu.memory_space<vmem>>
      %dma_start3A_1342 = tpu.memref_squeeze %dma_start3A_1341 : memref<1x128x64xf32, #tpu.memory_space<vmem>> -> memref<128x64xf32, #tpu.memory_space<vmem>>
      %dma_start3A_1343 = arith.constant 0 : i32
      %dma_start3A_1344 = tpu.memref_slice %arg5[%add3A_1337, %dma_start3A_1343] : memref<200x128xi32, #tpu.memory_space<vmem>> -> memref<1x128xi32, #tpu.memory_space<vmem>>
      %dma_start3A_1345 = tpu.memref_squeeze %dma_start3A_1344 : memref<1x128xi32, #tpu.memory_space<vmem>> -> memref<128xi32, #tpu.memory_space<vmem>>
      %dma_start3A_1346 = arith.constant 0 : i32
      %dma_start3A_1347 = arith.constant 0 : i32
      %dma_start3A_1348 = tpu.memref_slice %arg2[%dma_start3A_1346, %dma_start3A_1347] : memref<1000000x64xf32, #tpu.memory_space<hbm>> -> memref<1000000x64xf32, #tpu.memory_space<hbm>>
      tpu.enqueue_indirect_dma source(%dma_start3A_1348 : memref<1000000x64xf32, #tpu.memory_space<hbm>>) target(%dma_start3A_1342 : memref<128x64xf32, #tpu.memory_space<vmem>>) offsets(%dma_start3A_1345 : memref<128xi32, #tpu.memory_space<vmem>>) semaphore(%arg10 : memref<!tpu.dma_semaphore, #tpu.memory_space<semaphore_mem>>)
      %mul3A_1349 = arith.constant 8 : i32
      %mul3A_1350 = arith.muli %scan3A_964, %mul3A_1349 : i32
      %add3A_1351 = arith.constant 6 : i32
      %add3A_1352 = arith.addi %mul3A_1350, %add3A_1351 : i32
      %dma_wait3A_1353 = arith.constant 0 : i32
      %dma_wait3A_1354 = arith.constant 6 : i32
      %dma_wait3A_1355 = arith.constant 0 : i32
      %dma_wait3A_1356 = arith.constant 0 : i32
      %dma_wait3A_1357 = tpu.memref_slice %arg6[%dma_wait3A_1354, %dma_wait3A_1355, %dma_wait3A_1356] : memref<8x128x64xf32, #tpu.memory_space<vmem>> -> memref<1x128x64xf32, #tpu.memory_space<vmem>>
      %dma_wait3A_1358 = tpu.memref_squeeze %dma_wait3A_1357 : memref<1x128x64xf32, #tpu.memory_space<vmem>> -> memref<128x64xf32, #tpu.memory_space<vmem>>
      %dma_wait3A_1359 = arith.constant 0 : i32
      %dma_wait3A_1360 = tpu.memref_slice %arg5[%dma_wait3A_1353, %dma_wait3A_1359] : memref<200x128xi32, #tpu.memory_space<vmem>> -> memref<1x128xi32, #tpu.memory_space<vmem>>
      %dma_wait3A_1361 = tpu.memref_squeeze %dma_wait3A_1360 : memref<1x128xi32, #tpu.memory_space<vmem>> -> memref<128xi32, #tpu.memory_space<vmem>>
      %dma_wait3A_1362 = arith.constant 0 : i32
      %dma_wait3A_1363 = arith.constant 0 : i32
      %dma_wait3A_1364 = tpu.memref_slice %arg2[%dma_wait3A_1362, %dma_wait3A_1363] : memref<1000000x64xf32, #tpu.memory_space<hbm>> -> memref<1000000x64xf32, #tpu.memory_space<hbm>>
      tpu.wait_indirect_dma semaphore(%arg13 : memref<!tpu.dma_semaphore, #tpu.memory_space<semaphore_mem>>) src(%dma_wait3A_1364 : memref<1000000x64xf32, #tpu.memory_space<hbm>>) dst(%dma_wait3A_1358 : memref<128x64xf32, #tpu.memory_space<vmem>>)
      %dma_start3A_1365 = arith.constant 6 : i32
      %dma_start3A_1366 = arith.constant 0 : i32
      %dma_start3A_1367 = arith.constant 0 : i32
      %dma_start3A_1368 = tpu.memref_slice %arg6[%dma_start3A_1365, %dma_start3A_1366, %dma_start3A_1367] : memref<8x128x64xf32, #tpu.memory_space<vmem>> -> memref<1x128x64xf32, #tpu.memory_space<vmem>>
      %dma_start3A_1369 = tpu.memref_squeeze %dma_start3A_1368 : memref<1x128x64xf32, #tpu.memory_space<vmem>> -> memref<128x64xf32, #tpu.memory_space<vmem>>
      %dma_start3A_1370 = arith.constant 0 : i32
      %dma_start3A_1371 = arith.constant 0 : i32
      %dma_start3A_1372 = tpu.memref_slice %arg4[%add3A, %add3A_1352, %dma_start3A_1370, %dma_start3A_1371] : memref<32x200x128x64xf32, #tpu.memory_space<hbm>> -> memref<1x1x128x64xf32, #tpu.memory_space<hbm>>
      %dma_start3A_1373 = tpu.memref_squeeze %dma_start3A_1372 : memref<1x1x128x64xf32, #tpu.memory_space<hbm>> -> memref<128x64xf32, #tpu.memory_space<hbm>>
      %dma_start3A_1374 = arith.constant 0 : i32
      %dma_start3A_1375 = arith.constant 0 : i32
      %dma_start3A_1376 = tpu.memref_slice %arg4[%add3A, %add3A_1352, %dma_start3A_1374, %dma_start3A_1375] : memref<32x200x128x64xf32, #tpu.memory_space<hbm>> -> memref<1x1x128x64xf32, #tpu.memory_space<hbm>>
      %dma_start3A_1377 = tpu.memref_squeeze %dma_start3A_1376 : memref<1x1x128x64xf32, #tpu.memory_space<hbm>> -> memref<128x64xf32, #tpu.memory_space<hbm>>
      %dma_start3A_1378 = arith.constant 0 : i32
      %dma_start3A_1379 = arith.constant 0 : i32
      %dma_start3A_1380 = tpu.memref_slice %arg6[%dma_start3A_1365, %dma_start3A_1378, %dma_start3A_1379] : memref<8x128x64xf32, #tpu.memory_space<vmem>> -> memref<1x128x64xf32, #tpu.memory_space<vmem>>
      %dma_start3A_1381 = tpu.memref_squeeze %dma_start3A_1380 : memref<1x128x64xf32, #tpu.memory_space<vmem>> -> memref<128x64xf32, #tpu.memory_space<vmem>>
      tpu.enqueue_dma source(%dma_start3A_1381 : memref<128x64xf32, #tpu.memory_space<vmem>>) target(%dma_start3A_1377 : memref<128x64xf32, #tpu.memory_space<hbm>>) target_semaphore(%arg21 : memref<!tpu.dma_semaphore, #tpu.memory_space<semaphore_mem>>)
      %dma_wait3A_1382 = arith.constant 4 : i32
      %dma_wait3A_1383 = arith.constant 0 : i32
      %dma_wait3A_1384 = arith.constant 0 : i32
      %dma_wait3A_1385 = arith.constant 0 : i32
      %dma_wait3A_1386 = tpu.memref_slice %arg6[%dma_wait3A_1382, %dma_wait3A_1384, %dma_wait3A_1385] : memref<8x128x64xf32, #tpu.memory_space<vmem>> -> memref<1x128x64xf32, #tpu.memory_space<vmem>>
      %dma_wait3A_1387 = tpu.memref_squeeze %dma_wait3A_1386 : memref<1x128x64xf32, #tpu.memory_space<vmem>> -> memref<128x64xf32, #tpu.memory_space<vmem>>
      %dma_wait3A_1388 = arith.constant 0 : i32
      %dma_wait3A_1389 = arith.constant 0 : i32
      %dma_wait3A_1390 = tpu.memref_slice %arg4[%add3A, %dma_wait3A_1383, %dma_wait3A_1388, %dma_wait3A_1389] : memref<32x200x128x64xf32, #tpu.memory_space<hbm>> -> memref<1x1x128x64xf32, #tpu.memory_space<hbm>>
      %dma_wait3A_1391 = tpu.memref_squeeze %dma_wait3A_1390 : memref<1x1x128x64xf32, #tpu.memory_space<hbm>> -> memref<128x64xf32, #tpu.memory_space<hbm>>
      %dma_wait3A_1392 = arith.constant 0 : i32
      %dma_wait3A_1393 = arith.constant 0 : i32
      %dma_wait3A_1394 = tpu.memref_slice %arg4[%add3A, %dma_wait3A_1383, %dma_wait3A_1392, %dma_wait3A_1393] : memref<32x200x128x64xf32, #tpu.memory_space<hbm>> -> memref<1x1x128x64xf32, #tpu.memory_space<hbm>>
      %dma_wait3A_1395 = tpu.memref_squeeze %dma_wait3A_1394 : memref<1x1x128x64xf32, #tpu.memory_space<hbm>> -> memref<128x64xf32, #tpu.memory_space<hbm>>
      %dma_wait3A_1396 = arith.constant 0 : i32
      %dma_wait3A_1397 = arith.constant 0 : i32
      %dma_wait3A_1398 = tpu.memref_slice %arg6[%dma_wait3A_1382, %dma_wait3A_1396, %dma_wait3A_1397] : memref<8x128x64xf32, #tpu.memory_space<vmem>> -> memref<1x128x64xf32, #tpu.memory_space<vmem>>
      %dma_wait3A_1399 = tpu.memref_squeeze %dma_wait3A_1398 : memref<1x128x64xf32, #tpu.memory_space<vmem>> -> memref<128x64xf32, #tpu.memory_space<vmem>>
      tpu.wait_dma2 semaphore(%arg19 : memref<!tpu.dma_semaphore, #tpu.memory_space<semaphore_mem>>) src(%dma_wait3A_1399 : memref<128x64xf32, #tpu.memory_space<vmem>>) dst(%dma_wait3A_1395 : memref<128x64xf32, #tpu.memory_space<hbm>>)
      %add3A_1400 = arith.constant 6 : i32
      %add3A_1401 = arith.addi %add3A_1352, %add3A_1400 : i32
      %dma_start3A_1402 = arith.constant 4 : i32
      %dma_start3A_1403 = arith.constant 0 : i32
      %dma_start3A_1404 = arith.constant 0 : i32
      %dma_start3A_1405 = tpu.memref_slice %arg6[%dma_start3A_1402, %dma_start3A_1403, %dma_start3A_1404] : memref<8x128x64xf32, #tpu.memory_space<vmem>> -> memref<1x128x64xf32, #tpu.memory_space<vmem>>
      %dma_start3A_1406 = tpu.memref_squeeze %dma_start3A_1405 : memref<1x128x64xf32, #tpu.memory_space<vmem>> -> memref<128x64xf32, #tpu.memory_space<vmem>>
      %dma_start3A_1407 = arith.constant 0 : i32
      %dma_start3A_1408 = tpu.memref_slice %arg5[%add3A_1401, %dma_start3A_1407] : memref<200x128xi32, #tpu.memory_space<vmem>> -> memref<1x128xi32, #tpu.memory_space<vmem>>
      %dma_start3A_1409 = tpu.memref_squeeze %dma_start3A_1408 : memref<1x128xi32, #tpu.memory_space<vmem>> -> memref<128xi32, #tpu.memory_space<vmem>>
      %dma_start3A_1410 = arith.constant 0 : i32
      %dma_start3A_1411 = arith.constant 0 : i32
      %dma_start3A_1412 = tpu.memref_slice %arg2[%dma_start3A_1410, %dma_start3A_1411] : memref<1000000x64xf32, #tpu.memory_space<hbm>> -> memref<1000000x64xf32, #tpu.memory_space<hbm>>
      tpu.enqueue_indirect_dma source(%dma_start3A_1412 : memref<1000000x64xf32, #tpu.memory_space<hbm>>) target(%dma_start3A_1406 : memref<128x64xf32, #tpu.memory_space<vmem>>) offsets(%dma_start3A_1409 : memref<128xi32, #tpu.memory_space<vmem>>) semaphore(%arg11 : memref<!tpu.dma_semaphore, #tpu.memory_space<semaphore_mem>>)
      %mul3A_1413 = arith.constant 8 : i32
      %mul3A_1414 = arith.muli %scan3A_964, %mul3A_1413 : i32
      %add3A_1415 = arith.constant 7 : i32
      %add3A_1416 = arith.addi %mul3A_1414, %add3A_1415 : i32
      %dma_wait3A_1417 = arith.constant 0 : i32
      %dma_wait3A_1418 = arith.constant 7 : i32
      %dma_wait3A_1419 = arith.constant 0 : i32
      %dma_wait3A_1420 = arith.constant 0 : i32
      %dma_wait3A_1421 = tpu.memref_slice %arg6[%dma_wait3A_1418, %dma_wait3A_1419, %dma_wait3A_1420] : memref<8x128x64xf32, #tpu.memory_space<vmem>> -> memref<1x128x64xf32, #tpu.memory_space<vmem>>
      %dma_wait3A_1422 = tpu.memref_squeeze %dma_wait3A_1421 : memref<1x128x64xf32, #tpu.memory_space<vmem>> -> memref<128x64xf32, #tpu.memory_space<vmem>>
      %dma_wait3A_1423 = arith.constant 0 : i32
      %dma_wait3A_1424 = tpu.memref_slice %arg5[%dma_wait3A_1417, %dma_wait3A_1423] : memref<200x128xi32, #tpu.memory_space<vmem>> -> memref<1x128xi32, #tpu.memory_space<vmem>>
      %dma_wait3A_1425 = tpu.memref_squeeze %dma_wait3A_1424 : memref<1x128xi32, #tpu.memory_space<vmem>> -> memref<128xi32, #tpu.memory_space<vmem>>
      %dma_wait3A_1426 = arith.constant 0 : i32
      %dma_wait3A_1427 = arith.constant 0 : i32
      %dma_wait3A_1428 = tpu.memref_slice %arg2[%dma_wait3A_1426, %dma_wait3A_1427] : memref<1000000x64xf32, #tpu.memory_space<hbm>> -> memref<1000000x64xf32, #tpu.memory_space<hbm>>
      tpu.wait_indirect_dma semaphore(%arg14 : memref<!tpu.dma_semaphore, #tpu.memory_space<semaphore_mem>>) src(%dma_wait3A_1428 : memref<1000000x64xf32, #tpu.memory_space<hbm>>) dst(%dma_wait3A_1422 : memref<128x64xf32, #tpu.memory_space<vmem>>)
      %dma_start3A_1429 = arith.constant 7 : i32
      %dma_start3A_1430 = arith.constant 0 : i32
      %dma_start3A_1431 = arith.constant 0 : i32
      %dma_start3A_1432 = tpu.memref_slice %arg6[%dma_start3A_1429, %dma_start3A_1430, %dma_start3A_1431] : memref<8x128x64xf32, #tpu.memory_space<vmem>> -> memref<1x128x64xf32, #tpu.memory_space<vmem>>
      %dma_start3A_1433 = tpu.memref_squeeze %dma_start3A_1432 : memref<1x128x64xf32, #tpu.memory_space<vmem>> -> memref<128x64xf32, #tpu.memory_space<vmem>>
      %dma_start3A_1434 = arith.constant 0 : i32
      %dma_start3A_1435 = arith.constant 0 : i32
      %dma_start3A_1436 = tpu.memref_slice %arg4[%add3A, %add3A_1416, %dma_start3A_1434, %dma_start3A_1435] : memref<32x200x128x64xf32, #tpu.memory_space<hbm>> -> memref<1x1x128x64xf32, #tpu.memory_space<hbm>>
      %dma_start3A_1437 = tpu.memref_squeeze %dma_start3A_1436 : memref<1x1x128x64xf32, #tpu.memory_space<hbm>> -> memref<128x64xf32, #tpu.memory_space<hbm>>
      %dma_start3A_1438 = arith.constant 0 : i32
      %dma_start3A_1439 = arith.constant 0 : i32
      %dma_start3A_1440 = tpu.memref_slice %arg4[%add3A, %add3A_1416, %dma_start3A_1438, %dma_start3A_1439] : memref<32x200x128x64xf32, #tpu.memory_space<hbm>> -> memref<1x1x128x64xf32, #tpu.memory_space<hbm>>
      %dma_start3A_1441 = tpu.memref_squeeze %dma_start3A_1440 : memref<1x1x128x64xf32, #tpu.memory_space<hbm>> -> memref<128x64xf32, #tpu.memory_space<hbm>>
      %dma_start3A_1442 = arith.constant 0 : i32
      %dma_start3A_1443 = arith.constant 0 : i32
      %dma_start3A_1444 = tpu.memref_slice %arg6[%dma_start3A_1429, %dma_start3A_1442, %dma_start3A_1443] : memref<8x128x64xf32, #tpu.memory_space<vmem>> -> memref<1x128x64xf32, #tpu.memory_space<vmem>>
      %dma_start3A_1445 = tpu.memref_squeeze %dma_start3A_1444 : memref<1x128x64xf32, #tpu.memory_space<vmem>> -> memref<128x64xf32, #tpu.memory_space<vmem>>
      tpu.enqueue_dma source(%dma_start3A_1445 : memref<128x64xf32, #tpu.memory_space<vmem>>) target(%dma_start3A_1441 : memref<128x64xf32, #tpu.memory_space<hbm>>) target_semaphore(%arg22 : memref<!tpu.dma_semaphore, #tpu.memory_space<semaphore_mem>>)
      %dma_wait3A_1446 = arith.constant 5 : i32
      %dma_wait3A_1447 = arith.constant 0 : i32
      %dma_wait3A_1448 = arith.constant 0 : i32
      %dma_wait3A_1449 = arith.constant 0 : i32
      %dma_wait3A_1450 = tpu.memref_slice %arg6[%dma_wait3A_1446, %dma_wait3A_1448, %dma_wait3A_1449] : memref<8x128x64xf32, #tpu.memory_space<vmem>> -> memref<1x128x64xf32, #tpu.memory_space<vmem>>
      %dma_wait3A_1451 = tpu.memref_squeeze %dma_wait3A_1450 : memref<1x128x64xf32, #tpu.memory_space<vmem>> -> memref<128x64xf32, #tpu.memory_space<vmem>>
      %dma_wait3A_1452 = arith.constant 0 : i32
      %dma_wait3A_1453 = arith.constant 0 : i32
      %dma_wait3A_1454 = tpu.memref_slice %arg4[%add3A, %dma_wait3A_1447, %dma_wait3A_1452, %dma_wait3A_1453] : memref<32x200x128x64xf32, #tpu.memory_space<hbm>> -> memref<1x1x128x64xf32, #tpu.memory_space<hbm>>
      %dma_wait3A_1455 = tpu.memref_squeeze %dma_wait3A_1454 : memref<1x1x128x64xf32, #tpu.memory_space<hbm>> -> memref<128x64xf32, #tpu.memory_space<hbm>>
      %dma_wait3A_1456 = arith.constant 0 : i32
      %dma_wait3A_1457 = arith.constant 0 : i32
      %dma_wait3A_1458 = tpu.memref_slice %arg4[%add3A, %dma_wait3A_1447, %dma_wait3A_1456, %dma_wait3A_1457] : memref<32x200x128x64xf32, #tpu.memory_space<hbm>> -> memref<1x1x128x64xf32, #tpu.memory_space<hbm>>
      %dma_wait3A_1459 = tpu.memref_squeeze %dma_wait3A_1458 : memref<1x1x128x64xf32, #tpu.memory_space<hbm>> -> memref<128x64xf32, #tpu.memory_space<hbm>>
      %dma_wait3A_1460 = arith.constant 0 : i32
      %dma_wait3A_1461 = arith.constant 0 : i32
      %dma_wait3A_1462 = tpu.memref_slice %arg6[%dma_wait3A_1446, %dma_wait3A_1460, %dma_wait3A_1461] : memref<8x128x64xf32, #tpu.memory_space<vmem>> -> memref<1x128x64xf32, #tpu.memory_space<vmem>>
      %dma_wait3A_1463 = tpu.memref_squeeze %dma_wait3A_1462 : memref<1x128x64xf32, #tpu.memory_space<vmem>> -> memref<128x64xf32, #tpu.memory_space<vmem>>
      tpu.wait_dma2 semaphore(%arg20 : memref<!tpu.dma_semaphore, #tpu.memory_space<semaphore_mem>>) src(%dma_wait3A_1463 : memref<128x64xf32, #tpu.memory_space<vmem>>) dst(%dma_wait3A_1459 : memref<128x64xf32, #tpu.memory_space<hbm>>)
      %add3A_1464 = arith.constant 6 : i32
      %add3A_1465 = arith.addi %add3A_1416, %add3A_1464 : i32
      %dma_start3A_1466 = arith.constant 5 : i32
      %dma_start3A_1467 = arith.constant 0 : i32
      %dma_start3A_1468 = arith.constant 0 : i32
      %dma_start3A_1469 = tpu.memref_slice %arg6[%dma_start3A_1466, %dma_start3A_1467, %dma_start3A_1468] : memref<8x128x64xf32, #tpu.memory_space<vmem>> -> memref<1x128x64xf32, #tpu.memory_space<vmem>>
      %dma_start3A_1470 = tpu.memref_squeeze %dma_start3A_1469 : memref<1x128x64xf32, #tpu.memory_space<vmem>> -> memref<128x64xf32, #tpu.memory_space<vmem>>
      %dma_start3A_1471 = arith.constant 0 : i32
      %dma_start3A_1472 = tpu.memref_slice %arg5[%add3A_1465, %dma_start3A_1471] : memref<200x128xi32, #tpu.memory_space<vmem>> -> memref<1x128xi32, #tpu.memory_space<vmem>>
      %dma_start3A_1473 = tpu.memref_squeeze %dma_start3A_1472 : memref<1x128xi32, #tpu.memory_space<vmem>> -> memref<128xi32, #tpu.memory_space<vmem>>
      %dma_start3A_1474 = arith.constant 0 : i32
      %dma_start3A_1475 = arith.constant 0 : i32
      %dma_start3A_1476 = tpu.memref_slice %arg2[%dma_start3A_1474, %dma_start3A_1475] : memref<1000000x64xf32, #tpu.memory_space<hbm>> -> memref<1000000x64xf32, #tpu.memory_space<hbm>>
      tpu.enqueue_indirect_dma source(%dma_start3A_1476 : memref<1000000x64xf32, #tpu.memory_space<hbm>>) target(%dma_start3A_1470 : memref<128x64xf32, #tpu.memory_space<vmem>>) offsets(%dma_start3A_1473 : memref<128xi32, #tpu.memory_space<vmem>>) semaphore(%arg12 : memref<!tpu.dma_semaphore, #tpu.memory_space<semaphore_mem>>)
    }
    %scan3A_519 = arith.constant 23 : i32
    %dma_wait3A_520 = arith.constant 0 : i32
    %dma_wait3A_521 = arith.constant 0 : i32
    %dma_wait3A_522 = arith.constant 0 : i32
    %dma_wait3A_523 = arith.constant 0 : i32
    %dma_wait3A_524 = tpu.memref_slice %arg6[%dma_wait3A_521, %dma_wait3A_522, %dma_wait3A_523] : memref<8x128x64xf32, #tpu.memory_space<vmem>> -> memref<1x128x64xf32, #tpu.memory_space<vmem>>
    %dma_wait3A_525 = tpu.memref_squeeze %dma_wait3A_524 : memref<1x128x64xf32, #tpu.memory_space<vmem>> -> memref<128x64xf32, #tpu.memory_space<vmem>>
    %dma_wait3A_526 = arith.constant 0 : i32
    %dma_wait3A_527 = tpu.memref_slice %arg5[%dma_wait3A_520, %dma_wait3A_526] : memref<200x128xi32, #tpu.memory_space<vmem>> -> memref<1x128xi32, #tpu.memory_space<vmem>>
    %dma_wait3A_528 = tpu.memref_squeeze %dma_wait3A_527 : memref<1x128xi32, #tpu.memory_space<vmem>> -> memref<128xi32, #tpu.memory_space<vmem>>
    %dma_wait3A_529 = arith.constant 0 : i32
    %dma_wait3A_530 = arith.constant 0 : i32
    %dma_wait3A_531 = tpu.memref_slice %arg2[%dma_wait3A_529, %dma_wait3A_530] : memref<1000000x64xf32, #tpu.memory_space<hbm>> -> memref<1000000x64xf32, #tpu.memory_space<hbm>>
    tpu.wait_indirect_dma semaphore(%arg7 : memref<!tpu.dma_semaphore, #tpu.memory_space<semaphore_mem>>) src(%dma_wait3A_531 : memref<1000000x64xf32, #tpu.memory_space<hbm>>) dst(%dma_wait3A_525 : memref<128x64xf32, #tpu.memory_space<vmem>>)
    %dma_start3A_532 = arith.constant 0 : i32
    %dma_start3A_533 = arith.constant 192 : i32
    %dma_start3A_534 = arith.constant 0 : i32
    %dma_start3A_535 = arith.constant 0 : i32
    %dma_start3A_536 = tpu.memref_slice %arg6[%dma_start3A_532, %dma_start3A_534, %dma_start3A_535] : memref<8x128x64xf32, #tpu.memory_space<vmem>> -> memref<1x128x64xf32, #tpu.memory_space<vmem>>
    %dma_start3A_537 = tpu.memref_squeeze %dma_start3A_536 : memref<1x128x64xf32, #tpu.memory_space<vmem>> -> memref<128x64xf32, #tpu.memory_space<vmem>>
    %dma_start3A_538 = arith.constant 0 : i32
    %dma_start3A_539 = arith.constant 0 : i32
    %dma_start3A_540 = tpu.memref_slice %arg4[%add3A, %dma_start3A_533, %dma_start3A_538, %dma_start3A_539] : memref<32x200x128x64xf32, #tpu.memory_space<hbm>> -> memref<1x1x128x64xf32, #tpu.memory_space<hbm>>
    %dma_start3A_541 = tpu.memref_squeeze %dma_start3A_540 : memref<1x1x128x64xf32, #tpu.memory_space<hbm>> -> memref<128x64xf32, #tpu.memory_space<hbm>>
    %dma_start3A_542 = arith.constant 0 : i32
    %dma_start3A_543 = arith.constant 0 : i32
    %dma_start3A_544 = tpu.memref_slice %arg4[%add3A, %dma_start3A_533, %dma_start3A_542, %dma_start3A_543] : memref<32x200x128x64xf32, #tpu.memory_space<hbm>> -> memref<1x1x128x64xf32, #tpu.memory_space<hbm>>
    %dma_start3A_545 = tpu.memref_squeeze %dma_start3A_544 : memref<1x1x128x64xf32, #tpu.memory_space<hbm>> -> memref<128x64xf32, #tpu.memory_space<hbm>>
    %dma_start3A_546 = arith.constant 0 : i32
    %dma_start3A_547 = arith.constant 0 : i32
    %dma_start3A_548 = tpu.memref_slice %arg6[%dma_start3A_532, %dma_start3A_546, %dma_start3A_547] : memref<8x128x64xf32, #tpu.memory_space<vmem>> -> memref<1x128x64xf32, #tpu.memory_space<vmem>>
    %dma_start3A_549 = tpu.memref_squeeze %dma_start3A_548 : memref<1x128x64xf32, #tpu.memory_space<vmem>> -> memref<128x64xf32, #tpu.memory_space<vmem>>
    tpu.enqueue_dma source(%dma_start3A_549 : memref<128x64xf32, #tpu.memory_space<vmem>>) target(%dma_start3A_545 : memref<128x64xf32, #tpu.memory_space<hbm>>) target_semaphore(%arg15 : memref<!tpu.dma_semaphore, #tpu.memory_space<semaphore_mem>>)
    %dma_wait3A_550 = arith.constant 6 : i32
    %dma_wait3A_551 = arith.constant 0 : i32
    %dma_wait3A_552 = arith.constant 0 : i32
    %dma_wait3A_553 = arith.constant 0 : i32
    %dma_wait3A_554 = tpu.memref_slice %arg6[%dma_wait3A_550, %dma_wait3A_552, %dma_wait3A_553] : memref<8x128x64xf32, #tpu.memory_space<vmem>> -> memref<1x128x64xf32, #tpu.memory_space<vmem>>
    %dma_wait3A_555 = tpu.memref_squeeze %dma_wait3A_554 : memref<1x128x64xf32, #tpu.memory_space<vmem>> -> memref<128x64xf32, #tpu.memory_space<vmem>>
    %dma_wait3A_556 = arith.constant 0 : i32
    %dma_wait3A_557 = arith.constant 0 : i32
    %dma_wait3A_558 = tpu.memref_slice %arg4[%add3A, %dma_wait3A_551, %dma_wait3A_556, %dma_wait3A_557] : memref<32x200x128x64xf32, #tpu.memory_space<hbm>> -> memref<1x1x128x64xf32, #tpu.memory_space<hbm>>
    %dma_wait3A_559 = tpu.memref_squeeze %dma_wait3A_558 : memref<1x1x128x64xf32, #tpu.memory_space<hbm>> -> memref<128x64xf32, #tpu.memory_space<hbm>>
    %dma_wait3A_560 = arith.constant 0 : i32
    %dma_wait3A_561 = arith.constant 0 : i32
    %dma_wait3A_562 = tpu.memref_slice %arg4[%add3A, %dma_wait3A_551, %dma_wait3A_560, %dma_wait3A_561] : memref<32x200x128x64xf32, #tpu.memory_space<hbm>> -> memref<1x1x128x64xf32, #tpu.memory_space<hbm>>
    %dma_wait3A_563 = tpu.memref_squeeze %dma_wait3A_562 : memref<1x1x128x64xf32, #tpu.memory_space<hbm>> -> memref<128x64xf32, #tpu.memory_space<hbm>>
    %dma_wait3A_564 = arith.constant 0 : i32
    %dma_wait3A_565 = arith.constant 0 : i32
    %dma_wait3A_566 = tpu.memref_slice %arg6[%dma_wait3A_550, %dma_wait3A_564, %dma_wait3A_565] : memref<8x128x64xf32, #tpu.memory_space<vmem>> -> memref<1x128x64xf32, #tpu.memory_space<vmem>>
    %dma_wait3A_567 = tpu.memref_squeeze %dma_wait3A_566 : memref<1x128x64xf32, #tpu.memory_space<vmem>> -> memref<128x64xf32, #tpu.memory_space<vmem>>
    tpu.wait_dma2 semaphore(%arg21 : memref<!tpu.dma_semaphore, #tpu.memory_space<semaphore_mem>>) src(%dma_wait3A_567 : memref<128x64xf32, #tpu.memory_space<vmem>>) dst(%dma_wait3A_563 : memref<128x64xf32, #tpu.memory_space<hbm>>)
    %dma_start3A_568 = arith.constant 198 : i32
    %dma_start3A_569 = arith.constant 6 : i32
    %dma_start3A_570 = arith.constant 0 : i32
    %dma_start3A_571 = arith.constant 0 : i32
    %dma_start3A_572 = tpu.memref_slice %arg6[%dma_start3A_569, %dma_start3A_570, %dma_start3A_571] : memref<8x128x64xf32, #tpu.memory_space<vmem>> -> memref<1x128x64xf32, #tpu.memory_space<vmem>>
    %dma_start3A_573 = tpu.memref_squeeze %dma_start3A_572 : memref<1x128x64xf32, #tpu.memory_space<vmem>> -> memref<128x64xf32, #tpu.memory_space<vmem>>
    %dma_start3A_574 = arith.constant 0 : i32
    %dma_start3A_575 = tpu.memref_slice %arg5[%dma_start3A_568, %dma_start3A_574] : memref<200x128xi32, #tpu.memory_space<vmem>> -> memref<1x128xi32, #tpu.memory_space<vmem>>
    %dma_start3A_576 = tpu.memref_squeeze %dma_start3A_575 : memref<1x128xi32, #tpu.memory_space<vmem>> -> memref<128xi32, #tpu.memory_space<vmem>>
    %dma_start3A_577 = arith.constant 0 : i32
    %dma_start3A_578 = arith.constant 0 : i32
    %dma_start3A_579 = tpu.memref_slice %arg2[%dma_start3A_577, %dma_start3A_578] : memref<1000000x64xf32, #tpu.memory_space<hbm>> -> memref<1000000x64xf32, #tpu.memory_space<hbm>>
    tpu.enqueue_indirect_dma source(%dma_start3A_579 : memref<1000000x64xf32, #tpu.memory_space<hbm>>) target(%dma_start3A_573 : memref<128x64xf32, #tpu.memory_space<vmem>>) offsets(%dma_start3A_576 : memref<128xi32, #tpu.memory_space<vmem>>) semaphore(%arg13 : memref<!tpu.dma_semaphore, #tpu.memory_space<semaphore_mem>>)
    %dma_wait3A_580 = arith.constant 0 : i32
    %dma_wait3A_581 = arith.constant 1 : i32
    %dma_wait3A_582 = arith.constant 0 : i32
    %dma_wait3A_583 = arith.constant 0 : i32
    %dma_wait3A_584 = tpu.memref_slice %arg6[%dma_wait3A_581, %dma_wait3A_582, %dma_wait3A_583] : memref<8x128x64xf32, #tpu.memory_space<vmem>> -> memref<1x128x64xf32, #tpu.memory_space<vmem>>
    %dma_wait3A_585 = tpu.memref_squeeze %dma_wait3A_584 : memref<1x128x64xf32, #tpu.memory_space<vmem>> -> memref<128x64xf32, #tpu.memory_space<vmem>>
    %dma_wait3A_586 = arith.constant 0 : i32
    %dma_wait3A_587 = tpu.memref_slice %arg5[%dma_wait3A_580, %dma_wait3A_586] : memref<200x128xi32, #tpu.memory_space<vmem>> -> memref<1x128xi32, #tpu.memory_space<vmem>>
    %dma_wait3A_588 = tpu.memref_squeeze %dma_wait3A_587 : memref<1x128xi32, #tpu.memory_space<vmem>> -> memref<128xi32, #tpu.memory_space<vmem>>
    %dma_wait3A_589 = arith.constant 0 : i32
    %dma_wait3A_590 = arith.constant 0 : i32
    %dma_wait3A_591 = tpu.memref_slice %arg2[%dma_wait3A_589, %dma_wait3A_590] : memref<1000000x64xf32, #tpu.memory_space<hbm>> -> memref<1000000x64xf32, #tpu.memory_space<hbm>>
    tpu.wait_indirect_dma semaphore(%arg8 : memref<!tpu.dma_semaphore, #tpu.memory_space<semaphore_mem>>) src(%dma_wait3A_591 : memref<1000000x64xf32, #tpu.memory_space<hbm>>) dst(%dma_wait3A_585 : memref<128x64xf32, #tpu.memory_space<vmem>>)
    %dma_start3A_592 = arith.constant 1 : i32
    %dma_start3A_593 = arith.constant 193 : i32
    %dma_start3A_594 = arith.constant 0 : i32
    %dma_start3A_595 = arith.constant 0 : i32
    %dma_start3A_596 = tpu.memref_slice %arg6[%dma_start3A_592, %dma_start3A_594, %dma_start3A_595] : memref<8x128x64xf32, #tpu.memory_space<vmem>> -> memref<1x128x64xf32, #tpu.memory_space<vmem>>
    %dma_start3A_597 = tpu.memref_squeeze %dma_start3A_596 : memref<1x128x64xf32, #tpu.memory_space<vmem>> -> memref<128x64xf32, #tpu.memory_space<vmem>>
    %dma_start3A_598 = arith.constant 0 : i32
    %dma_start3A_599 = arith.constant 0 : i32
    %dma_start3A_600 = tpu.memref_slice %arg4[%add3A, %dma_start3A_593, %dma_start3A_598, %dma_start3A_599] : memref<32x200x128x64xf32, #tpu.memory_space<hbm>> -> memref<1x1x128x64xf32, #tpu.memory_space<hbm>>
    %dma_start3A_601 = tpu.memref_squeeze %dma_start3A_600 : memref<1x1x128x64xf32, #tpu.memory_space<hbm>> -> memref<128x64xf32, #tpu.memory_space<hbm>>
    %dma_start3A_602 = arith.constant 0 : i32
    %dma_start3A_603 = arith.constant 0 : i32
    %dma_start3A_604 = tpu.memref_slice %arg4[%add3A, %dma_start3A_593, %dma_start3A_602, %dma_start3A_603] : memref<32x200x128x64xf32, #tpu.memory_space<hbm>> -> memref<1x1x128x64xf32, #tpu.memory_space<hbm>>
    %dma_start3A_605 = tpu.memref_squeeze %dma_start3A_604 : memref<1x1x128x64xf32, #tpu.memory_space<hbm>> -> memref<128x64xf32, #tpu.memory_space<hbm>>
    %dma_start3A_606 = arith.constant 0 : i32
    %dma_start3A_607 = arith.constant 0 : i32
    %dma_start3A_608 = tpu.memref_slice %arg6[%dma_start3A_592, %dma_start3A_606, %dma_start3A_607] : memref<8x128x64xf32, #tpu.memory_space<vmem>> -> memref<1x128x64xf32, #tpu.memory_space<vmem>>
    %dma_start3A_609 = tpu.memref_squeeze %dma_start3A_608 : memref<1x128x64xf32, #tpu.memory_space<vmem>> -> memref<128x64xf32, #tpu.memory_space<vmem>>
    tpu.enqueue_dma source(%dma_start3A_609 : memref<128x64xf32, #tpu.memory_space<vmem>>) target(%dma_start3A_605 : memref<128x64xf32, #tpu.memory_space<hbm>>) target_semaphore(%arg16 : memref<!tpu.dma_semaphore, #tpu.memory_space<semaphore_mem>>)
    %dma_wait3A_610 = arith.constant 7 : i32
    %dma_wait3A_611 = arith.constant 0 : i32
    %dma_wait3A_612 = arith.constant 0 : i32
    %dma_wait3A_613 = arith.constant 0 : i32
    %dma_wait3A_614 = tpu.memref_slice %arg6[%dma_wait3A_610, %dma_wait3A_612, %dma_wait3A_613] : memref<8x128x64xf32, #tpu.memory_space<vmem>> -> memref<1x128x64xf32, #tpu.memory_space<vmem>>
    %dma_wait3A_615 = tpu.memref_squeeze %dma_wait3A_614 : memref<1x128x64xf32, #tpu.memory_space<vmem>> -> memref<128x64xf32, #tpu.memory_space<vmem>>
    %dma_wait3A_616 = arith.constant 0 : i32
    %dma_wait3A_617 = arith.constant 0 : i32
    %dma_wait3A_618 = tpu.memref_slice %arg4[%add3A, %dma_wait3A_611, %dma_wait3A_616, %dma_wait3A_617] : memref<32x200x128x64xf32, #tpu.memory_space<hbm>> -> memref<1x1x128x64xf32, #tpu.memory_space<hbm>>
    %dma_wait3A_619 = tpu.memref_squeeze %dma_wait3A_618 : memref<1x1x128x64xf32, #tpu.memory_space<hbm>> -> memref<128x64xf32, #tpu.memory_space<hbm>>
    %dma_wait3A_620 = arith.constant 0 : i32
    %dma_wait3A_621 = arith.constant 0 : i32
    %dma_wait3A_622 = tpu.memref_slice %arg4[%add3A, %dma_wait3A_611, %dma_wait3A_620, %dma_wait3A_621] : memref<32x200x128x64xf32, #tpu.memory_space<hbm>> -> memref<1x1x128x64xf32, #tpu.memory_space<hbm>>
    %dma_wait3A_623 = tpu.memref_squeeze %dma_wait3A_622 : memref<1x1x128x64xf32, #tpu.memory_space<hbm>> -> memref<128x64xf32, #tpu.memory_space<hbm>>
    %dma_wait3A_624 = arith.constant 0 : i32
    %dma_wait3A_625 = arith.constant 0 : i32
    %dma_wait3A_626 = tpu.memref_slice %arg6[%dma_wait3A_610, %dma_wait3A_624, %dma_wait3A_625] : memref<8x128x64xf32, #tpu.memory_space<vmem>> -> memref<1x128x64xf32, #tpu.memory_space<vmem>>
    %dma_wait3A_627 = tpu.memref_squeeze %dma_wait3A_626 : memref<1x128x64xf32, #tpu.memory_space<vmem>> -> memref<128x64xf32, #tpu.memory_space<vmem>>
    tpu.wait_dma2 semaphore(%arg22 : memref<!tpu.dma_semaphore, #tpu.memory_space<semaphore_mem>>) src(%dma_wait3A_627 : memref<128x64xf32, #tpu.memory_space<vmem>>) dst(%dma_wait3A_623 : memref<128x64xf32, #tpu.memory_space<hbm>>)
    %dma_start3A_628 = arith.constant 199 : i32
    %dma_start3A_629 = arith.constant 7 : i32
    %dma_start3A_630 = arith.constant 0 : i32
    %dma_start3A_631 = arith.constant 0 : i32
    %dma_start3A_632 = tpu.memref_slice %arg6[%dma_start3A_629, %dma_start3A_630, %dma_start3A_631] : memref<8x128x64xf32, #tpu.memory_space<vmem>> -> memref<1x128x64xf32, #tpu.memory_space<vmem>>
    %dma_start3A_633 = tpu.memref_squeeze %dma_start3A_632 : memref<1x128x64xf32, #tpu.memory_space<vmem>> -> memref<128x64xf32, #tpu.memory_space<vmem>>
    %dma_start3A_634 = arith.constant 0 : i32
    %dma_start3A_635 = tpu.memref_slice %arg5[%dma_start3A_628, %dma_start3A_634] : memref<200x128xi32, #tpu.memory_space<vmem>> -> memref<1x128xi32, #tpu.memory_space<vmem>>
    %dma_start3A_636 = tpu.memref_squeeze %dma_start3A_635 : memref<1x128xi32, #tpu.memory_space<vmem>> -> memref<128xi32, #tpu.memory_space<vmem>>
    %dma_start3A_637 = arith.constant 0 : i32
    %dma_start3A_638 = arith.constant 0 : i32
    %dma_start3A_639 = tpu.memref_slice %arg2[%dma_start3A_637, %dma_start3A_638] : memref<1000000x64xf32, #tpu.memory_space<hbm>> -> memref<1000000x64xf32, #tpu.memory_space<hbm>>
    tpu.enqueue_indirect_dma source(%dma_start3A_639 : memref<1000000x64xf32, #tpu.memory_space<hbm>>) target(%dma_start3A_633 : memref<128x64xf32, #tpu.memory_space<vmem>>) offsets(%dma_start3A_636 : memref<128xi32, #tpu.memory_space<vmem>>) semaphore(%arg14 : memref<!tpu.dma_semaphore, #tpu.memory_space<semaphore_mem>>)
    %dma_wait3A_640 = arith.constant 0 : i32
    %dma_wait3A_641 = arith.constant 2 : i32
    %dma_wait3A_642 = arith.constant 0 : i32
    %dma_wait3A_643 = arith.constant 0 : i32
    %dma_wait3A_644 = tpu.memref_slice %arg6[%dma_wait3A_641, %dma_wait3A_642, %dma_wait3A_643] : memref<8x128x64xf32, #tpu.memory_space<vmem>> -> memref<1x128x64xf32, #tpu.memory_space<vmem>>
    %dma_wait3A_645 = tpu.memref_squeeze %dma_wait3A_644 : memref<1x128x64xf32, #tpu.memory_space<vmem>> -> memref<128x64xf32, #tpu.memory_space<vmem>>
    %dma_wait3A_646 = arith.constant 0 : i32
    %dma_wait3A_647 = tpu.memref_slice %arg5[%dma_wait3A_640, %dma_wait3A_646] : memref<200x128xi32, #tpu.memory_space<vmem>> -> memref<1x128xi32, #tpu.memory_space<vmem>>
    %dma_wait3A_648 = tpu.memref_squeeze %dma_wait3A_647 : memref<1x128xi32, #tpu.memory_space<vmem>> -> memref<128xi32, #tpu.memory_space<vmem>>
    %dma_wait3A_649 = arith.constant 0 : i32
    %dma_wait3A_650 = arith.constant 0 : i32
    %dma_wait3A_651 = tpu.memref_slice %arg2[%dma_wait3A_649, %dma_wait3A_650] : memref<1000000x64xf32, #tpu.memory_space<hbm>> -> memref<1000000x64xf32, #tpu.memory_space<hbm>>
    tpu.wait_indirect_dma semaphore(%arg9 : memref<!tpu.dma_semaphore, #tpu.memory_space<semaphore_mem>>) src(%dma_wait3A_651 : memref<1000000x64xf32, #tpu.memory_space<hbm>>) dst(%dma_wait3A_645 : memref<128x64xf32, #tpu.memory_space<vmem>>)
    %dma_start3A_652 = arith.constant 2 : i32
    %dma_start3A_653 = arith.constant 194 : i32
    %dma_start3A_654 = arith.constant 0 : i32
    %dma_start3A_655 = arith.constant 0 : i32
    %dma_start3A_656 = tpu.memref_slice %arg6[%dma_start3A_652, %dma_start3A_654, %dma_start3A_655] : memref<8x128x64xf32, #tpu.memory_space<vmem>> -> memref<1x128x64xf32, #tpu.memory_space<vmem>>
    %dma_start3A_657 = tpu.memref_squeeze %dma_start3A_656 : memref<1x128x64xf32, #tpu.memory_space<vmem>> -> memref<128x64xf32, #tpu.memory_space<vmem>>
    %dma_start3A_658 = arith.constant 0 : i32
    %dma_start3A_659 = arith.constant 0 : i32
    %dma_start3A_660 = tpu.memref_slice %arg4[%add3A, %dma_start3A_653, %dma_start3A_658, %dma_start3A_659] : memref<32x200x128x64xf32, #tpu.memory_space<hbm>> -> memref<1x1x128x64xf32, #tpu.memory_space<hbm>>
    %dma_start3A_661 = tpu.memref_squeeze %dma_start3A_660 : memref<1x1x128x64xf32, #tpu.memory_space<hbm>> -> memref<128x64xf32, #tpu.memory_space<hbm>>
    %dma_start3A_662 = arith.constant 0 : i32
    %dma_start3A_663 = arith.constant 0 : i32
    %dma_start3A_664 = tpu.memref_slice %arg4[%add3A, %dma_start3A_653, %dma_start3A_662, %dma_start3A_663] : memref<32x200x128x64xf32, #tpu.memory_space<hbm>> -> memref<1x1x128x64xf32, #tpu.memory_space<hbm>>
    %dma_start3A_665 = tpu.memref_squeeze %dma_start3A_664 : memref<1x1x128x64xf32, #tpu.memory_space<hbm>> -> memref<128x64xf32, #tpu.memory_space<hbm>>
    %dma_start3A_666 = arith.constant 0 : i32
    %dma_start3A_667 = arith.constant 0 : i32
    %dma_start3A_668 = tpu.memref_slice %arg6[%dma_start3A_652, %dma_start3A_666, %dma_start3A_667] : memref<8x128x64xf32, #tpu.memory_space<vmem>> -> memref<1x128x64xf32, #tpu.memory_space<vmem>>
    %dma_start3A_669 = tpu.memref_squeeze %dma_start3A_668 : memref<1x128x64xf32, #tpu.memory_space<vmem>> -> memref<128x64xf32, #tpu.memory_space<vmem>>
    tpu.enqueue_dma source(%dma_start3A_669 : memref<128x64xf32, #tpu.memory_space<vmem>>) target(%dma_start3A_665 : memref<128x64xf32, #tpu.memory_space<hbm>>) target_semaphore(%arg17 : memref<!tpu.dma_semaphore, #tpu.memory_space<semaphore_mem>>)
    %dma_wait3A_670 = arith.constant 0 : i32
    %dma_wait3A_671 = arith.constant 0 : i32
    %dma_wait3A_672 = arith.constant 0 : i32
    %dma_wait3A_673 = arith.constant 0 : i32
    %dma_wait3A_674 = tpu.memref_slice %arg6[%dma_wait3A_670, %dma_wait3A_672, %dma_wait3A_673] : memref<8x128x64xf32, #tpu.memory_space<vmem>> -> memref<1x128x64xf32, #tpu.memory_space<vmem>>
    %dma_wait3A_675 = tpu.memref_squeeze %dma_wait3A_674 : memref<1x128x64xf32, #tpu.memory_space<vmem>> -> memref<128x64xf32, #tpu.memory_space<vmem>>
    %dma_wait3A_676 = arith.constant 0 : i32
    %dma_wait3A_677 = arith.constant 0 : i32
    %dma_wait3A_678 = tpu.memref_slice %arg4[%add3A, %dma_wait3A_671, %dma_wait3A_676, %dma_wait3A_677] : memref<32x200x128x64xf32, #tpu.memory_space<hbm>> -> memref<1x1x128x64xf32, #tpu.memory_space<hbm>>
    %dma_wait3A_679 = tpu.memref_squeeze %dma_wait3A_678 : memref<1x1x128x64xf32, #tpu.memory_space<hbm>> -> memref<128x64xf32, #tpu.memory_space<hbm>>
    %dma_wait3A_680 = arith.constant 0 : i32
    %dma_wait3A_681 = arith.constant 0 : i32
    %dma_wait3A_682 = tpu.memref_slice %arg4[%add3A, %dma_wait3A_671, %dma_wait3A_680, %dma_wait3A_681] : memref<32x200x128x64xf32, #tpu.memory_space<hbm>> -> memref<1x1x128x64xf32, #tpu.memory_space<hbm>>
    %dma_wait3A_683 = tpu.memref_squeeze %dma_wait3A_682 : memref<1x1x128x64xf32, #tpu.memory_space<hbm>> -> memref<128x64xf32, #tpu.memory_space<hbm>>
    %dma_wait3A_684 = arith.constant 0 : i32
    %dma_wait3A_685 = arith.constant 0 : i32
    %dma_wait3A_686 = tpu.memref_slice %arg6[%dma_wait3A_670, %dma_wait3A_684, %dma_wait3A_685] : memref<8x128x64xf32, #tpu.memory_space<vmem>> -> memref<1x128x64xf32, #tpu.memory_space<vmem>>
    %dma_wait3A_687 = tpu.memref_squeeze %dma_wait3A_686 : memref<1x128x64xf32, #tpu.memory_space<vmem>> -> memref<128x64xf32, #tpu.memory_space<vmem>>
    tpu.wait_dma2 semaphore(%arg15 : memref<!tpu.dma_semaphore, #tpu.memory_space<semaphore_mem>>) src(%dma_wait3A_687 : memref<128x64xf32, #tpu.memory_space<vmem>>) dst(%dma_wait3A_683 : memref<128x64xf32, #tpu.memory_space<hbm>>)
    %dma_wait3A_688 = arith.constant 0 : i32
    %dma_wait3A_689 = arith.constant 3 : i32
    %dma_wait3A_690 = arith.constant 0 : i32
    %dma_wait3A_691 = arith.constant 0 : i32
    %dma_wait3A_692 = tpu.memref_slice %arg6[%dma_wait3A_689, %dma_wait3A_690, %dma_wait3A_691] : memref<8x128x64xf32, #tpu.memory_space<vmem>> -> memref<1x128x64xf32, #tpu.memory_space<vmem>>
    %dma_wait3A_693 = tpu.memref_squeeze %dma_wait3A_692 : memref<1x128x64xf32, #tpu.memory_space<vmem>> -> memref<128x64xf32, #tpu.memory_space<vmem>>
    %dma_wait3A_694 = arith.constant 0 : i32
    %dma_wait3A_695 = tpu.memref_slice %arg5[%dma_wait3A_688, %dma_wait3A_694] : memref<200x128xi32, #tpu.memory_space<vmem>> -> memref<1x128xi32, #tpu.memory_space<vmem>>
    %dma_wait3A_696 = tpu.memref_squeeze %dma_wait3A_695 : memref<1x128xi32, #tpu.memory_space<vmem>> -> memref<128xi32, #tpu.memory_space<vmem>>
    %dma_wait3A_697 = arith.constant 0 : i32
    %dma_wait3A_698 = arith.constant 0 : i32
    %dma_wait3A_699 = tpu.memref_slice %arg2[%dma_wait3A_697, %dma_wait3A_698] : memref<1000000x64xf32, #tpu.memory_space<hbm>> -> memref<1000000x64xf32, #tpu.memory_space<hbm>>
    tpu.wait_indirect_dma semaphore(%arg10 : memref<!tpu.dma_semaphore, #tpu.memory_space<semaphore_mem>>) src(%dma_wait3A_699 : memref<1000000x64xf32, #tpu.memory_space<hbm>>) dst(%dma_wait3A_693 : memref<128x64xf32, #tpu.memory_space<vmem>>)
    %dma_start3A_700 = arith.constant 3 : i32
    %dma_start3A_701 = arith.constant 195 : i32
    %dma_start3A_702 = arith.constant 0 : i32
    %dma_start3A_703 = arith.constant 0 : i32
    %dma_start3A_704 = tpu.memref_slice %arg6[%dma_start3A_700, %dma_start3A_702, %dma_start3A_703] : memref<8x128x64xf32, #tpu.memory_space<vmem>> -> memref<1x128x64xf32, #tpu.memory_space<vmem>>
    %dma_start3A_705 = tpu.memref_squeeze %dma_start3A_704 : memref<1x128x64xf32, #tpu.memory_space<vmem>> -> memref<128x64xf32, #tpu.memory_space<vmem>>
    %dma_start3A_706 = arith.constant 0 : i32
    %dma_start3A_707 = arith.constant 0 : i32
    %dma_start3A_708 = tpu.memref_slice %arg4[%add3A, %dma_start3A_701, %dma_start3A_706, %dma_start3A_707] : memref<32x200x128x64xf32, #tpu.memory_space<hbm>> -> memref<1x1x128x64xf32, #tpu.memory_space<hbm>>
    %dma_start3A_709 = tpu.memref_squeeze %dma_start3A_708 : memref<1x1x128x64xf32, #tpu.memory_space<hbm>> -> memref<128x64xf32, #tpu.memory_space<hbm>>
    %dma_start3A_710 = arith.constant 0 : i32
    %dma_start3A_711 = arith.constant 0 : i32
    %dma_start3A_712 = tpu.memref_slice %arg4[%add3A, %dma_start3A_701, %dma_start3A_710, %dma_start3A_711] : memref<32x200x128x64xf32, #tpu.memory_space<hbm>> -> memref<1x1x128x64xf32, #tpu.memory_space<hbm>>
    %dma_start3A_713 = tpu.memref_squeeze %dma_start3A_712 : memref<1x1x128x64xf32, #tpu.memory_space<hbm>> -> memref<128x64xf32, #tpu.memory_space<hbm>>
    %dma_start3A_714 = arith.constant 0 : i32
    %dma_start3A_715 = arith.constant 0 : i32
    %dma_start3A_716 = tpu.memref_slice %arg6[%dma_start3A_700, %dma_start3A_714, %dma_start3A_715] : memref<8x128x64xf32, #tpu.memory_space<vmem>> -> memref<1x128x64xf32, #tpu.memory_space<vmem>>
    %dma_start3A_717 = tpu.memref_squeeze %dma_start3A_716 : memref<1x128x64xf32, #tpu.memory_space<vmem>> -> memref<128x64xf32, #tpu.memory_space<vmem>>
    tpu.enqueue_dma source(%dma_start3A_717 : memref<128x64xf32, #tpu.memory_space<vmem>>) target(%dma_start3A_713 : memref<128x64xf32, #tpu.memory_space<hbm>>) target_semaphore(%arg18 : memref<!tpu.dma_semaphore, #tpu.memory_space<semaphore_mem>>)
    %dma_wait3A_718 = arith.constant 1 : i32
    %dma_wait3A_719 = arith.constant 0 : i32
    %dma_wait3A_720 = arith.constant 0 : i32
    %dma_wait3A_721 = arith.constant 0 : i32
    %dma_wait3A_722 = tpu.memref_slice %arg6[%dma_wait3A_718, %dma_wait3A_720, %dma_wait3A_721] : memref<8x128x64xf32, #tpu.memory_space<vmem>> -> memref<1x128x64xf32, #tpu.memory_space<vmem>>
    %dma_wait3A_723 = tpu.memref_squeeze %dma_wait3A_722 : memref<1x128x64xf32, #tpu.memory_space<vmem>> -> memref<128x64xf32, #tpu.memory_space<vmem>>
    %dma_wait3A_724 = arith.constant 0 : i32
    %dma_wait3A_725 = arith.constant 0 : i32
    %dma_wait3A_726 = tpu.memref_slice %arg4[%add3A, %dma_wait3A_719, %dma_wait3A_724, %dma_wait3A_725] : memref<32x200x128x64xf32, #tpu.memory_space<hbm>> -> memref<1x1x128x64xf32, #tpu.memory_space<hbm>>
    %dma_wait3A_727 = tpu.memref_squeeze %dma_wait3A_726 : memref<1x1x128x64xf32, #tpu.memory_space<hbm>> -> memref<128x64xf32, #tpu.memory_space<hbm>>
    %dma_wait3A_728 = arith.constant 0 : i32
    %dma_wait3A_729 = arith.constant 0 : i32
    %dma_wait3A_730 = tpu.memref_slice %arg4[%add3A, %dma_wait3A_719, %dma_wait3A_728, %dma_wait3A_729] : memref<32x200x128x64xf32, #tpu.memory_space<hbm>> -> memref<1x1x128x64xf32, #tpu.memory_space<hbm>>
    %dma_wait3A_731 = tpu.memref_squeeze %dma_wait3A_730 : memref<1x1x128x64xf32, #tpu.memory_space<hbm>> -> memref<128x64xf32, #tpu.memory_space<hbm>>
    %dma_wait3A_732 = arith.constant 0 : i32
    %dma_wait3A_733 = arith.constant 0 : i32
    %dma_wait3A_734 = tpu.memref_slice %arg6[%dma_wait3A_718, %dma_wait3A_732, %dma_wait3A_733] : memref<8x128x64xf32, #tpu.memory_space<vmem>> -> memref<1x128x64xf32, #tpu.memory_space<vmem>>
    %dma_wait3A_735 = tpu.memref_squeeze %dma_wait3A_734 : memref<1x128x64xf32, #tpu.memory_space<vmem>> -> memref<128x64xf32, #tpu.memory_space<vmem>>
    tpu.wait_dma2 semaphore(%arg16 : memref<!tpu.dma_semaphore, #tpu.memory_space<semaphore_mem>>) src(%dma_wait3A_735 : memref<128x64xf32, #tpu.memory_space<vmem>>) dst(%dma_wait3A_731 : memref<128x64xf32, #tpu.memory_space<hbm>>)
    %dma_wait3A_736 = arith.constant 0 : i32
    %dma_wait3A_737 = arith.constant 4 : i32
    %dma_wait3A_738 = arith.constant 0 : i32
    %dma_wait3A_739 = arith.constant 0 : i32
    %dma_wait3A_740 = tpu.memref_slice %arg6[%dma_wait3A_737, %dma_wait3A_738, %dma_wait3A_739] : memref<8x128x64xf32, #tpu.memory_space<vmem>> -> memref<1x128x64xf32, #tpu.memory_space<vmem>>
    %dma_wait3A_741 = tpu.memref_squeeze %dma_wait3A_740 : memref<1x128x64xf32, #tpu.memory_space<vmem>> -> memref<128x64xf32, #tpu.memory_space<vmem>>
    %dma_wait3A_742 = arith.constant 0 : i32
    %dma_wait3A_743 = tpu.memref_slice %arg5[%dma_wait3A_736, %dma_wait3A_742] : memref<200x128xi32, #tpu.memory_space<vmem>> -> memref<1x128xi32, #tpu.memory_space<vmem>>
    %dma_wait3A_744 = tpu.memref_squeeze %dma_wait3A_743 : memref<1x128xi32, #tpu.memory_space<vmem>> -> memref<128xi32, #tpu.memory_space<vmem>>
    %dma_wait3A_745 = arith.constant 0 : i32
    %dma_wait3A_746 = arith.constant 0 : i32
    %dma_wait3A_747 = tpu.memref_slice %arg2[%dma_wait3A_745, %dma_wait3A_746] : memref<1000000x64xf32, #tpu.memory_space<hbm>> -> memref<1000000x64xf32, #tpu.memory_space<hbm>>
    tpu.wait_indirect_dma semaphore(%arg11 : memref<!tpu.dma_semaphore, #tpu.memory_space<semaphore_mem>>) src(%dma_wait3A_747 : memref<1000000x64xf32, #tpu.memory_space<hbm>>) dst(%dma_wait3A_741 : memref<128x64xf32, #tpu.memory_space<vmem>>)
    %dma_start3A_748 = arith.constant 4 : i32
    %dma_start3A_749 = arith.constant 196 : i32
    %dma_start3A_750 = arith.constant 0 : i32
    %dma_start3A_751 = arith.constant 0 : i32
    %dma_start3A_752 = tpu.memref_slice %arg6[%dma_start3A_748, %dma_start3A_750, %dma_start3A_751] : memref<8x128x64xf32, #tpu.memory_space<vmem>> -> memref<1x128x64xf32, #tpu.memory_space<vmem>>
    %dma_start3A_753 = tpu.memref_squeeze %dma_start3A_752 : memref<1x128x64xf32, #tpu.memory_space<vmem>> -> memref<128x64xf32, #tpu.memory_space<vmem>>
    %dma_start3A_754 = arith.constant 0 : i32
    %dma_start3A_755 = arith.constant 0 : i32
    %dma_start3A_756 = tpu.memref_slice %arg4[%add3A, %dma_start3A_749, %dma_start3A_754, %dma_start3A_755] : memref<32x200x128x64xf32, #tpu.memory_space<hbm>> -> memref<1x1x128x64xf32, #tpu.memory_space<hbm>>
    %dma_start3A_757 = tpu.memref_squeeze %dma_start3A_756 : memref<1x1x128x64xf32, #tpu.memory_space<hbm>> -> memref<128x64xf32, #tpu.memory_space<hbm>>
    %dma_start3A_758 = arith.constant 0 : i32
    %dma_start3A_759 = arith.constant 0 : i32
    %dma_start3A_760 = tpu.memref_slice %arg4[%add3A, %dma_start3A_749, %dma_start3A_758, %dma_start3A_759] : memref<32x200x128x64xf32, #tpu.memory_space<hbm>> -> memref<1x1x128x64xf32, #tpu.memory_space<hbm>>
    %dma_start3A_761 = tpu.memref_squeeze %dma_start3A_760 : memref<1x1x128x64xf32, #tpu.memory_space<hbm>> -> memref<128x64xf32, #tpu.memory_space<hbm>>
    %dma_start3A_762 = arith.constant 0 : i32
    %dma_start3A_763 = arith.constant 0 : i32
    %dma_start3A_764 = tpu.memref_slice %arg6[%dma_start3A_748, %dma_start3A_762, %dma_start3A_763] : memref<8x128x64xf32, #tpu.memory_space<vmem>> -> memref<1x128x64xf32, #tpu.memory_space<vmem>>
    %dma_start3A_765 = tpu.memref_squeeze %dma_start3A_764 : memref<1x128x64xf32, #tpu.memory_space<vmem>> -> memref<128x64xf32, #tpu.memory_space<vmem>>
    tpu.enqueue_dma source(%dma_start3A_765 : memref<128x64xf32, #tpu.memory_space<vmem>>) target(%dma_start3A_761 : memref<128x64xf32, #tpu.memory_space<hbm>>) target_semaphore(%arg19 : memref<!tpu.dma_semaphore, #tpu.memory_space<semaphore_mem>>)
    %dma_wait3A_766 = arith.constant 2 : i32
    %dma_wait3A_767 = arith.constant 0 : i32
    %dma_wait3A_768 = arith.constant 0 : i32
    %dma_wait3A_769 = arith.constant 0 : i32
    %dma_wait3A_770 = tpu.memref_slice %arg6[%dma_wait3A_766, %dma_wait3A_768, %dma_wait3A_769] : memref<8x128x64xf32, #tpu.memory_space<vmem>> -> memref<1x128x64xf32, #tpu.memory_space<vmem>>
    %dma_wait3A_771 = tpu.memref_squeeze %dma_wait3A_770 : memref<1x128x64xf32, #tpu.memory_space<vmem>> -> memref<128x64xf32, #tpu.memory_space<vmem>>
    %dma_wait3A_772 = arith.constant 0 : i32
    %dma_wait3A_773 = arith.constant 0 : i32
    %dma_wait3A_774 = tpu.memref_slice %arg4[%add3A, %dma_wait3A_767, %dma_wait3A_772, %dma_wait3A_773] : memref<32x200x128x64xf32, #tpu.memory_space<hbm>> -> memref<1x1x128x64xf32, #tpu.memory_space<hbm>>
    %dma_wait3A_775 = tpu.memref_squeeze %dma_wait3A_774 : memref<1x1x128x64xf32, #tpu.memory_space<hbm>> -> memref<128x64xf32, #tpu.memory_space<hbm>>
    %dma_wait3A_776 = arith.constant 0 : i32
    %dma_wait3A_777 = arith.constant 0 : i32
    %dma_wait3A_778 = tpu.memref_slice %arg4[%add3A, %dma_wait3A_767, %dma_wait3A_776, %dma_wait3A_777] : memref<32x200x128x64xf32, #tpu.memory_space<hbm>> -> memref<1x1x128x64xf32, #tpu.memory_space<hbm>>
    %dma_wait3A_779 = tpu.memref_squeeze %dma_wait3A_778 : memref<1x1x128x64xf32, #tpu.memory_space<hbm>> -> memref<128x64xf32, #tpu.memory_space<hbm>>
    %dma_wait3A_780 = arith.constant 0 : i32
    %dma_wait3A_781 = arith.constant 0 : i32
    %dma_wait3A_782 = tpu.memref_slice %arg6[%dma_wait3A_766, %dma_wait3A_780, %dma_wait3A_781] : memref<8x128x64xf32, #tpu.memory_space<vmem>> -> memref<1x128x64xf32, #tpu.memory_space<vmem>>
    %dma_wait3A_783 = tpu.memref_squeeze %dma_wait3A_782 : memref<1x128x64xf32, #tpu.memory_space<vmem>> -> memref<128x64xf32, #tpu.memory_space<vmem>>
    tpu.wait_dma2 semaphore(%arg17 : memref<!tpu.dma_semaphore, #tpu.memory_space<semaphore_mem>>) src(%dma_wait3A_783 : memref<128x64xf32, #tpu.memory_space<vmem>>) dst(%dma_wait3A_779 : memref<128x64xf32, #tpu.memory_space<hbm>>)
    %dma_wait3A_784 = arith.constant 0 : i32
    %dma_wait3A_785 = arith.constant 5 : i32
    %dma_wait3A_786 = arith.constant 0 : i32
    %dma_wait3A_787 = arith.constant 0 : i32
    %dma_wait3A_788 = tpu.memref_slice %arg6[%dma_wait3A_785, %dma_wait3A_786, %dma_wait3A_787] : memref<8x128x64xf32, #tpu.memory_space<vmem>> -> memref<1x128x64xf32, #tpu.memory_space<vmem>>
    %dma_wait3A_789 = tpu.memref_squeeze %dma_wait3A_788 : memref<1x128x64xf32, #tpu.memory_space<vmem>> -> memref<128x64xf32, #tpu.memory_space<vmem>>
    %dma_wait3A_790 = arith.constant 0 : i32
    %dma_wait3A_791 = tpu.memref_slice %arg5[%dma_wait3A_784, %dma_wait3A_790] : memref<200x128xi32, #tpu.memory_space<vmem>> -> memref<1x128xi32, #tpu.memory_space<vmem>>
    %dma_wait3A_792 = tpu.memref_squeeze %dma_wait3A_791 : memref<1x128xi32, #tpu.memory_space<vmem>> -> memref<128xi32, #tpu.memory_space<vmem>>
    %dma_wait3A_793 = arith.constant 0 : i32
    %dma_wait3A_794 = arith.constant 0 : i32
    %dma_wait3A_795 = tpu.memref_slice %arg2[%dma_wait3A_793, %dma_wait3A_794] : memref<1000000x64xf32, #tpu.memory_space<hbm>> -> memref<1000000x64xf32, #tpu.memory_space<hbm>>
    tpu.wait_indirect_dma semaphore(%arg12 : memref<!tpu.dma_semaphore, #tpu.memory_space<semaphore_mem>>) src(%dma_wait3A_795 : memref<1000000x64xf32, #tpu.memory_space<hbm>>) dst(%dma_wait3A_789 : memref<128x64xf32, #tpu.memory_space<vmem>>)
    %dma_start3A_796 = arith.constant 5 : i32
    %dma_start3A_797 = arith.constant 197 : i32
    %dma_start3A_798 = arith.constant 0 : i32
    %dma_start3A_799 = arith.constant 0 : i32
    %dma_start3A_800 = tpu.memref_slice %arg6[%dma_start3A_796, %dma_start3A_798, %dma_start3A_799] : memref<8x128x64xf32, #tpu.memory_space<vmem>> -> memref<1x128x64xf32, #tpu.memory_space<vmem>>
    %dma_start3A_801 = tpu.memref_squeeze %dma_start3A_800 : memref<1x128x64xf32, #tpu.memory_space<vmem>> -> memref<128x64xf32, #tpu.memory_space<vmem>>
    %dma_start3A_802 = arith.constant 0 : i32
    %dma_start3A_803 = arith.constant 0 : i32
    %dma_start3A_804 = tpu.memref_slice %arg4[%add3A, %dma_start3A_797, %dma_start3A_802, %dma_start3A_803] : memref<32x200x128x64xf32, #tpu.memory_space<hbm>> -> memref<1x1x128x64xf32, #tpu.memory_space<hbm>>
    %dma_start3A_805 = tpu.memref_squeeze %dma_start3A_804 : memref<1x1x128x64xf32, #tpu.memory_space<hbm>> -> memref<128x64xf32, #tpu.memory_space<hbm>>
    %dma_start3A_806 = arith.constant 0 : i32
    %dma_start3A_807 = arith.constant 0 : i32
    %dma_start3A_808 = tpu.memref_slice %arg4[%add3A, %dma_start3A_797, %dma_start3A_806, %dma_start3A_807] : memref<32x200x128x64xf32, #tpu.memory_space<hbm>> -> memref<1x1x128x64xf32, #tpu.memory_space<hbm>>
    %dma_start3A_809 = tpu.memref_squeeze %dma_start3A_808 : memref<1x1x128x64xf32, #tpu.memory_space<hbm>> -> memref<128x64xf32, #tpu.memory_space<hbm>>
    %dma_start3A_810 = arith.constant 0 : i32
    %dma_start3A_811 = arith.constant 0 : i32
    %dma_start3A_812 = tpu.memref_slice %arg6[%dma_start3A_796, %dma_start3A_810, %dma_start3A_811] : memref<8x128x64xf32, #tpu.memory_space<vmem>> -> memref<1x128x64xf32, #tpu.memory_space<vmem>>
    %dma_start3A_813 = tpu.memref_squeeze %dma_start3A_812 : memref<1x128x64xf32, #tpu.memory_space<vmem>> -> memref<128x64xf32, #tpu.memory_space<vmem>>
    tpu.enqueue_dma source(%dma_start3A_813 : memref<128x64xf32, #tpu.memory_space<vmem>>) target(%dma_start3A_809 : memref<128x64xf32, #tpu.memory_space<hbm>>) target_semaphore(%arg20 : memref<!tpu.dma_semaphore, #tpu.memory_space<semaphore_mem>>)
    %dma_wait3A_814 = arith.constant 3 : i32
    %dma_wait3A_815 = arith.constant 0 : i32
    %dma_wait3A_816 = arith.constant 0 : i32
    %dma_wait3A_817 = arith.constant 0 : i32
    %dma_wait3A_818 = tpu.memref_slice %arg6[%dma_wait3A_814, %dma_wait3A_816, %dma_wait3A_817] : memref<8x128x64xf32, #tpu.memory_space<vmem>> -> memref<1x128x64xf32, #tpu.memory_space<vmem>>
    %dma_wait3A_819 = tpu.memref_squeeze %dma_wait3A_818 : memref<1x128x64xf32, #tpu.memory_space<vmem>> -> memref<128x64xf32, #tpu.memory_space<vmem>>
    %dma_wait3A_820 = arith.constant 0 : i32
    %dma_wait3A_821 = arith.constant 0 : i32
    %dma_wait3A_822 = tpu.memref_slice %arg4[%add3A, %dma_wait3A_815, %dma_wait3A_820, %dma_wait3A_821] : memref<32x200x128x64xf32, #tpu.memory_space<hbm>> -> memref<1x1x128x64xf32, #tpu.memory_space<hbm>>
    %dma_wait3A_823 = tpu.memref_squeeze %dma_wait3A_822 : memref<1x1x128x64xf32, #tpu.memory_space<hbm>> -> memref<128x64xf32, #tpu.memory_space<hbm>>
    %dma_wait3A_824 = arith.constant 0 : i32
    %dma_wait3A_825 = arith.constant 0 : i32
    %dma_wait3A_826 = tpu.memref_slice %arg4[%add3A, %dma_wait3A_815, %dma_wait3A_824, %dma_wait3A_825] : memref<32x200x128x64xf32, #tpu.memory_space<hbm>> -> memref<1x1x128x64xf32, #tpu.memory_space<hbm>>
    %dma_wait3A_827 = tpu.memref_squeeze %dma_wait3A_826 : memref<1x1x128x64xf32, #tpu.memory_space<hbm>> -> memref<128x64xf32, #tpu.memory_space<hbm>>
    %dma_wait3A_828 = arith.constant 0 : i32
    %dma_wait3A_829 = arith.constant 0 : i32
    %dma_wait3A_830 = tpu.memref_slice %arg6[%dma_wait3A_814, %dma_wait3A_828, %dma_wait3A_829] : memref<8x128x64xf32, #tpu.memory_space<vmem>> -> memref<1x128x64xf32, #tpu.memory_space<vmem>>
    %dma_wait3A_831 = tpu.memref_squeeze %dma_wait3A_830 : memref<1x128x64xf32, #tpu.memory_space<vmem>> -> memref<128x64xf32, #tpu.memory_space<vmem>>
    tpu.wait_dma2 semaphore(%arg18 : memref<!tpu.dma_semaphore, #tpu.memory_space<semaphore_mem>>) src(%dma_wait3A_831 : memref<128x64xf32, #tpu.memory_space<vmem>>) dst(%dma_wait3A_827 : memref<128x64xf32, #tpu.memory_space<hbm>>)
    %dma_wait3A_832 = arith.constant 0 : i32
    %dma_wait3A_833 = arith.constant 6 : i32
    %dma_wait3A_834 = arith.constant 0 : i32
    %dma_wait3A_835 = arith.constant 0 : i32
    %dma_wait3A_836 = tpu.memref_slice %arg6[%dma_wait3A_833, %dma_wait3A_834, %dma_wait3A_835] : memref<8x128x64xf32, #tpu.memory_space<vmem>> -> memref<1x128x64xf32, #tpu.memory_space<vmem>>
    %dma_wait3A_837 = tpu.memref_squeeze %dma_wait3A_836 : memref<1x128x64xf32, #tpu.memory_space<vmem>> -> memref<128x64xf32, #tpu.memory_space<vmem>>
    %dma_wait3A_838 = arith.constant 0 : i32
    %dma_wait3A_839 = tpu.memref_slice %arg5[%dma_wait3A_832, %dma_wait3A_838] : memref<200x128xi32, #tpu.memory_space<vmem>> -> memref<1x128xi32, #tpu.memory_space<vmem>>
    %dma_wait3A_840 = tpu.memref_squeeze %dma_wait3A_839 : memref<1x128xi32, #tpu.memory_space<vmem>> -> memref<128xi32, #tpu.memory_space<vmem>>
    %dma_wait3A_841 = arith.constant 0 : i32
    %dma_wait3A_842 = arith.constant 0 : i32
    %dma_wait3A_843 = tpu.memref_slice %arg2[%dma_wait3A_841, %dma_wait3A_842] : memref<1000000x64xf32, #tpu.memory_space<hbm>> -> memref<1000000x64xf32, #tpu.memory_space<hbm>>
    tpu.wait_indirect_dma semaphore(%arg13 : memref<!tpu.dma_semaphore, #tpu.memory_space<semaphore_mem>>) src(%dma_wait3A_843 : memref<1000000x64xf32, #tpu.memory_space<hbm>>) dst(%dma_wait3A_837 : memref<128x64xf32, #tpu.memory_space<vmem>>)
    %dma_start3A_844 = arith.constant 6 : i32
    %dma_start3A_845 = arith.constant 198 : i32
    %dma_start3A_846 = arith.constant 0 : i32
    %dma_start3A_847 = arith.constant 0 : i32
    %dma_start3A_848 = tpu.memref_slice %arg6[%dma_start3A_844, %dma_start3A_846, %dma_start3A_847] : memref<8x128x64xf32, #tpu.memory_space<vmem>> -> memref<1x128x64xf32, #tpu.memory_space<vmem>>
    %dma_start3A_849 = tpu.memref_squeeze %dma_start3A_848 : memref<1x128x64xf32, #tpu.memory_space<vmem>> -> memref<128x64xf32, #tpu.memory_space<vmem>>
    %dma_start3A_850 = arith.constant 0 : i32
    %dma_start3A_851 = arith.constant 0 : i32
    %dma_start3A_852 = tpu.memref_slice %arg4[%add3A, %dma_start3A_845, %dma_start3A_850, %dma_start3A_851] : memref<32x200x128x64xf32, #tpu.memory_space<hbm>> -> memref<1x1x128x64xf32, #tpu.memory_space<hbm>>
    %dma_start3A_853 = tpu.memref_squeeze %dma_start3A_852 : memref<1x1x128x64xf32, #tpu.memory_space<hbm>> -> memref<128x64xf32, #tpu.memory_space<hbm>>
    %dma_start3A_854 = arith.constant 0 : i32
    %dma_start3A_855 = arith.constant 0 : i32
    %dma_start3A_856 = tpu.memref_slice %arg4[%add3A, %dma_start3A_845, %dma_start3A_854, %dma_start3A_855] : memref<32x200x128x64xf32, #tpu.memory_space<hbm>> -> memref<1x1x128x64xf32, #tpu.memory_space<hbm>>
    %dma_start3A_857 = tpu.memref_squeeze %dma_start3A_856 : memref<1x1x128x64xf32, #tpu.memory_space<hbm>> -> memref<128x64xf32, #tpu.memory_space<hbm>>
    %dma_start3A_858 = arith.constant 0 : i32
    %dma_start3A_859 = arith.constant 0 : i32
    %dma_start3A_860 = tpu.memref_slice %arg6[%dma_start3A_844, %dma_start3A_858, %dma_start3A_859] : memref<8x128x64xf32, #tpu.memory_space<vmem>> -> memref<1x128x64xf32, #tpu.memory_space<vmem>>
    %dma_start3A_861 = tpu.memref_squeeze %dma_start3A_860 : memref<1x128x64xf32, #tpu.memory_space<vmem>> -> memref<128x64xf32, #tpu.memory_space<vmem>>
    tpu.enqueue_dma source(%dma_start3A_861 : memref<128x64xf32, #tpu.memory_space<vmem>>) target(%dma_start3A_857 : memref<128x64xf32, #tpu.memory_space<hbm>>) target_semaphore(%arg21 : memref<!tpu.dma_semaphore, #tpu.memory_space<semaphore_mem>>)
    %dma_wait3A_862 = arith.constant 4 : i32
    %dma_wait3A_863 = arith.constant 0 : i32
    %dma_wait3A_864 = arith.constant 0 : i32
    %dma_wait3A_865 = arith.constant 0 : i32
    %dma_wait3A_866 = tpu.memref_slice %arg6[%dma_wait3A_862, %dma_wait3A_864, %dma_wait3A_865] : memref<8x128x64xf32, #tpu.memory_space<vmem>> -> memref<1x128x64xf32, #tpu.memory_space<vmem>>
    %dma_wait3A_867 = tpu.memref_squeeze %dma_wait3A_866 : memref<1x128x64xf32, #tpu.memory_space<vmem>> -> memref<128x64xf32, #tpu.memory_space<vmem>>
    %dma_wait3A_868 = arith.constant 0 : i32
    %dma_wait3A_869 = arith.constant 0 : i32
    %dma_wait3A_870 = tpu.memref_slice %arg4[%add3A, %dma_wait3A_863, %dma_wait3A_868, %dma_wait3A_869] : memref<32x200x128x64xf32, #tpu.memory_space<hbm>> -> memref<1x1x128x64xf32, #tpu.memory_space<hbm>>
    %dma_wait3A_871 = tpu.memref_squeeze %dma_wait3A_870 : memref<1x1x128x64xf32, #tpu.memory_space<hbm>> -> memref<128x64xf32, #tpu.memory_space<hbm>>
    %dma_wait3A_872 = arith.constant 0 : i32
    %dma_wait3A_873 = arith.constant 0 : i32
    %dma_wait3A_874 = tpu.memref_slice %arg4[%add3A, %dma_wait3A_863, %dma_wait3A_872, %dma_wait3A_873] : memref<32x200x128x64xf32, #tpu.memory_space<hbm>> -> memref<1x1x128x64xf32, #tpu.memory_space<hbm>>
    %dma_wait3A_875 = tpu.memref_squeeze %dma_wait3A_874 : memref<1x1x128x64xf32, #tpu.memory_space<hbm>> -> memref<128x64xf32, #tpu.memory_space<hbm>>
    %dma_wait3A_876 = arith.constant 0 : i32
    %dma_wait3A_877 = arith.constant 0 : i32
    %dma_wait3A_878 = tpu.memref_slice %arg6[%dma_wait3A_862, %dma_wait3A_876, %dma_wait3A_877] : memref<8x128x64xf32, #tpu.memory_space<vmem>> -> memref<1x128x64xf32, #tpu.memory_space<vmem>>
    %dma_wait3A_879 = tpu.memref_squeeze %dma_wait3A_878 : memref<1x128x64xf32, #tpu.memory_space<vmem>> -> memref<128x64xf32, #tpu.memory_space<vmem>>
    tpu.wait_dma2 semaphore(%arg19 : memref<!tpu.dma_semaphore, #tpu.memory_space<semaphore_mem>>) src(%dma_wait3A_879 : memref<128x64xf32, #tpu.memory_space<vmem>>) dst(%dma_wait3A_875 : memref<128x64xf32, #tpu.memory_space<hbm>>)
    %dma_wait3A_880 = arith.constant 0 : i32
    %dma_wait3A_881 = arith.constant 7 : i32
    %dma_wait3A_882 = arith.constant 0 : i32
    %dma_wait3A_883 = arith.constant 0 : i32
    %dma_wait3A_884 = tpu.memref_slice %arg6[%dma_wait3A_881, %dma_wait3A_882, %dma_wait3A_883] : memref<8x128x64xf32, #tpu.memory_space<vmem>> -> memref<1x128x64xf32, #tpu.memory_space<vmem>>
    %dma_wait3A_885 = tpu.memref_squeeze %dma_wait3A_884 : memref<1x128x64xf32, #tpu.memory_space<vmem>> -> memref<128x64xf32, #tpu.memory_space<vmem>>
    %dma_wait3A_886 = arith.constant 0 : i32
    %dma_wait3A_887 = tpu.memref_slice %arg5[%dma_wait3A_880, %dma_wait3A_886] : memref<200x128xi32, #tpu.memory_space<vmem>> -> memref<1x128xi32, #tpu.memory_space<vmem>>
    %dma_wait3A_888 = tpu.memref_squeeze %dma_wait3A_887 : memref<1x128xi32, #tpu.memory_space<vmem>> -> memref<128xi32, #tpu.memory_space<vmem>>
    %dma_wait3A_889 = arith.constant 0 : i32
    %dma_wait3A_890 = arith.constant 0 : i32
    %dma_wait3A_891 = tpu.memref_slice %arg2[%dma_wait3A_889, %dma_wait3A_890] : memref<1000000x64xf32, #tpu.memory_space<hbm>> -> memref<1000000x64xf32, #tpu.memory_space<hbm>>
    tpu.wait_indirect_dma semaphore(%arg14 : memref<!tpu.dma_semaphore, #tpu.memory_space<semaphore_mem>>) src(%dma_wait3A_891 : memref<1000000x64xf32, #tpu.memory_space<hbm>>) dst(%dma_wait3A_885 : memref<128x64xf32, #tpu.memory_space<vmem>>)
    %dma_start3A_892 = arith.constant 7 : i32
    %dma_start3A_893 = arith.constant 199 : i32
    %dma_start3A_894 = arith.constant 0 : i32
    %dma_start3A_895 = arith.constant 0 : i32
    %dma_start3A_896 = tpu.memref_slice %arg6[%dma_start3A_892, %dma_start3A_894, %dma_start3A_895] : memref<8x128x64xf32, #tpu.memory_space<vmem>> -> memref<1x128x64xf32, #tpu.memory_space<vmem>>
    %dma_start3A_897 = tpu.memref_squeeze %dma_start3A_896 : memref<1x128x64xf32, #tpu.memory_space<vmem>> -> memref<128x64xf32, #tpu.memory_space<vmem>>
    %dma_start3A_898 = arith.constant 0 : i32
    %dma_start3A_899 = arith.constant 0 : i32
    %dma_start3A_900 = tpu.memref_slice %arg4[%add3A, %dma_start3A_893, %dma_start3A_898, %dma_start3A_899] : memref<32x200x128x64xf32, #tpu.memory_space<hbm>> -> memref<1x1x128x64xf32, #tpu.memory_space<hbm>>
    %dma_start3A_901 = tpu.memref_squeeze %dma_start3A_900 : memref<1x1x128x64xf32, #tpu.memory_space<hbm>> -> memref<128x64xf32, #tpu.memory_space<hbm>>
    %dma_start3A_902 = arith.constant 0 : i32
    %dma_start3A_903 = arith.constant 0 : i32
    %dma_start3A_904 = tpu.memref_slice %arg4[%add3A, %dma_start3A_893, %dma_start3A_902, %dma_start3A_903] : memref<32x200x128x64xf32, #tpu.memory_space<hbm>> -> memref<1x1x128x64xf32, #tpu.memory_space<hbm>>
    %dma_start3A_905 = tpu.memref_squeeze %dma_start3A_904 : memref<1x1x128x64xf32, #tpu.memory_space<hbm>> -> memref<128x64xf32, #tpu.memory_space<hbm>>
    %dma_start3A_906 = arith.constant 0 : i32
    %dma_start3A_907 = arith.constant 0 : i32
    %dma_start3A_908 = tpu.memref_slice %arg6[%dma_start3A_892, %dma_start3A_906, %dma_start3A_907] : memref<8x128x64xf32, #tpu.memory_space<vmem>> -> memref<1x128x64xf32, #tpu.memory_space<vmem>>
    %dma_start3A_909 = tpu.memref_squeeze %dma_start3A_908 : memref<1x128x64xf32, #tpu.memory_space<vmem>> -> memref<128x64xf32, #tpu.memory_space<vmem>>
    tpu.enqueue_dma source(%dma_start3A_909 : memref<128x64xf32, #tpu.memory_space<vmem>>) target(%dma_start3A_905 : memref<128x64xf32, #tpu.memory_space<hbm>>) target_semaphore(%arg22 : memref<!tpu.dma_semaphore, #tpu.memory_space<semaphore_mem>>)
    %dma_wait3A_910 = arith.constant 5 : i32
    %dma_wait3A_911 = arith.constant 0 : i32
    %dma_wait3A_912 = arith.constant 0 : i32
    %dma_wait3A_913 = arith.constant 0 : i32
    %dma_wait3A_914 = tpu.memref_slice %arg6[%dma_wait3A_910, %dma_wait3A_912, %dma_wait3A_913] : memref<8x128x64xf32, #tpu.memory_space<vmem>> -> memref<1x128x64xf32, #tpu.memory_space<vmem>>
    %dma_wait3A_915 = tpu.memref_squeeze %dma_wait3A_914 : memref<1x128x64xf32, #tpu.memory_space<vmem>> -> memref<128x64xf32, #tpu.memory_space<vmem>>
    %dma_wait3A_916 = arith.constant 0 : i32
    %dma_wait3A_917 = arith.constant 0 : i32
    %dma_wait3A_918 = tpu.memref_slice %arg4[%add3A, %dma_wait3A_911, %dma_wait3A_916, %dma_wait3A_917] : memref<32x200x128x64xf32, #tpu.memory_space<hbm>> -> memref<1x1x128x64xf32, #tpu.memory_space<hbm>>
    %dma_wait3A_919 = tpu.memref_squeeze %dma_wait3A_918 : memref<1x1x128x64xf32, #tpu.memory_space<hbm>> -> memref<128x64xf32, #tpu.memory_space<hbm>>
    %dma_wait3A_920 = arith.constant 0 : i32
    %dma_wait3A_921 = arith.constant 0 : i32
    %dma_wait3A_922 = tpu.memref_slice %arg4[%add3A, %dma_wait3A_911, %dma_wait3A_920, %dma_wait3A_921] : memref<32x200x128x64xf32, #tpu.memory_space<hbm>> -> memref<1x1x128x64xf32, #tpu.memory_space<hbm>>
    %dma_wait3A_923 = tpu.memref_squeeze %dma_wait3A_922 : memref<1x1x128x64xf32, #tpu.memory_space<hbm>> -> memref<128x64xf32, #tpu.memory_space<hbm>>
    %dma_wait3A_924 = arith.constant 0 : i32
    %dma_wait3A_925 = arith.constant 0 : i32
    %dma_wait3A_926 = tpu.memref_slice %arg6[%dma_wait3A_910, %dma_wait3A_924, %dma_wait3A_925] : memref<8x128x64xf32, #tpu.memory_space<vmem>> -> memref<1x128x64xf32, #tpu.memory_space<vmem>>
    %dma_wait3A_927 = tpu.memref_squeeze %dma_wait3A_926 : memref<1x128x64xf32, #tpu.memory_space<vmem>> -> memref<128x64xf32, #tpu.memory_space<vmem>>
    tpu.wait_dma2 semaphore(%arg20 : memref<!tpu.dma_semaphore, #tpu.memory_space<semaphore_mem>>) src(%dma_wait3A_927 : memref<128x64xf32, #tpu.memory_space<vmem>>) dst(%dma_wait3A_923 : memref<128x64xf32, #tpu.memory_space<hbm>>)
    %dma_wait3A_928 = arith.constant 6 : i32
    %dma_wait3A_929 = arith.constant 0 : i32
    %dma_wait3A_930 = arith.constant 0 : i32
    %dma_wait3A_931 = arith.constant 0 : i32
    %dma_wait3A_932 = tpu.memref_slice %arg6[%dma_wait3A_928, %dma_wait3A_930, %dma_wait3A_931] : memref<8x128x64xf32, #tpu.memory_space<vmem>> -> memref<1x128x64xf32, #tpu.memory_space<vmem>>
    %dma_wait3A_933 = tpu.memref_squeeze %dma_wait3A_932 : memref<1x128x64xf32, #tpu.memory_space<vmem>> -> memref<128x64xf32, #tpu.memory_space<vmem>>
    %dma_wait3A_934 = arith.constant 0 : i32
    %dma_wait3A_935 = arith.constant 0 : i32
    %dma_wait3A_936 = tpu.memref_slice %arg4[%add3A, %dma_wait3A_929, %dma_wait3A_934, %dma_wait3A_935] : memref<32x200x128x64xf32, #tpu.memory_space<hbm>> -> memref<1x1x128x64xf32, #tpu.memory_space<hbm>>
    %dma_wait3A_937 = tpu.memref_squeeze %dma_wait3A_936 : memref<1x1x128x64xf32, #tpu.memory_space<hbm>> -> memref<128x64xf32, #tpu.memory_space<hbm>>
    %dma_wait3A_938 = arith.constant 0 : i32
    %dma_wait3A_939 = arith.constant 0 : i32
    %dma_wait3A_940 = tpu.memref_slice %arg4[%add3A, %dma_wait3A_929, %dma_wait3A_938, %dma_wait3A_939] : memref<32x200x128x64xf32, #tpu.memory_space<hbm>> -> memref<1x1x128x64xf32, #tpu.memory_space<hbm>>
    %dma_wait3A_941 = tpu.memref_squeeze %dma_wait3A_940 : memref<1x1x128x64xf32, #tpu.memory_space<hbm>> -> memref<128x64xf32, #tpu.memory_space<hbm>>
    %dma_wait3A_942 = arith.constant 0 : i32
    %dma_wait3A_943 = arith.constant 0 : i32
    %dma_wait3A_944 = tpu.memref_slice %arg6[%dma_wait3A_928, %dma_wait3A_942, %dma_wait3A_943] : memref<8x128x64xf32, #tpu.memory_space<vmem>> -> memref<1x128x64xf32, #tpu.memory_space<vmem>>
    %dma_wait3A_945 = tpu.memref_squeeze %dma_wait3A_944 : memref<1x128x64xf32, #tpu.memory_space<vmem>> -> memref<128x64xf32, #tpu.memory_space<vmem>>
    tpu.wait_dma2 semaphore(%arg21 : memref<!tpu.dma_semaphore, #tpu.memory_space<semaphore_mem>>) src(%dma_wait3A_945 : memref<128x64xf32, #tpu.memory_space<vmem>>) dst(%dma_wait3A_941 : memref<128x64xf32, #tpu.memory_space<hbm>>)
    %dma_wait3A_946 = arith.constant 7 : i32
    %dma_wait3A_947 = arith.constant 0 : i32
    %dma_wait3A_948 = arith.constant 0 : i32
    %dma_wait3A_949 = arith.constant 0 : i32
    %dma_wait3A_950 = tpu.memref_slice %arg6[%dma_wait3A_946, %dma_wait3A_948, %dma_wait3A_949] : memref<8x128x64xf32, #tpu.memory_space<vmem>> -> memref<1x128x64xf32, #tpu.memory_space<vmem>>
    %dma_wait3A_951 = tpu.memref_squeeze %dma_wait3A_950 : memref<1x128x64xf32, #tpu.memory_space<vmem>> -> memref<128x64xf32, #tpu.memory_space<vmem>>
    %dma_wait3A_952 = arith.constant 0 : i32
    %dma_wait3A_953 = arith.constant 0 : i32
    %dma_wait3A_954 = tpu.memref_slice %arg4[%add3A, %dma_wait3A_947, %dma_wait3A_952, %dma_wait3A_953] : memref<32x200x128x64xf32, #tpu.memory_space<hbm>> -> memref<1x1x128x64xf32, #tpu.memory_space<hbm>>
    %dma_wait3A_955 = tpu.memref_squeeze %dma_wait3A_954 : memref<1x1x128x64xf32, #tpu.memory_space<hbm>> -> memref<128x64xf32, #tpu.memory_space<hbm>>
    %dma_wait3A_956 = arith.constant 0 : i32
    %dma_wait3A_957 = arith.constant 0 : i32
    %dma_wait3A_958 = tpu.memref_slice %arg4[%add3A, %dma_wait3A_947, %dma_wait3A_956, %dma_wait3A_957] : memref<32x200x128x64xf32, #tpu.memory_space<hbm>> -> memref<1x1x128x64xf32, #tpu.memory_space<hbm>>
    %dma_wait3A_959 = tpu.memref_squeeze %dma_wait3A_958 : memref<1x1x128x64xf32, #tpu.memory_space<hbm>> -> memref<128x64xf32, #tpu.memory_space<hbm>>
    %dma_wait3A_960 = arith.constant 0 : i32
    %dma_wait3A_961 = arith.constant 0 : i32
    %dma_wait3A_962 = tpu.memref_slice %arg6[%dma_wait3A_946, %dma_wait3A_960, %dma_wait3A_961] : memref<8x128x64xf32, #tpu.memory_space<vmem>> -> memref<1x128x64xf32, #tpu.memory_space<vmem>>
    %dma_wait3A_963 = tpu.memref_squeeze %dma_wait3A_962 : memref<1x128x64xf32, #tpu.memory_space<vmem>> -> memref<128x64xf32, #tpu.memory_space<vmem>>
    tpu.wait_dma2 semaphore(%arg22 : memref<!tpu.dma_semaphore, #tpu.memory_space<semaphore_mem>>) src(%dma_wait3A_963 : memref<128x64xf32, #tpu.memory_space<vmem>>) dst(%dma_wait3A_959 : memref<128x64xf32, #tpu.memory_space<hbm>>)
    return
  }
}

</mosaic_0001>

<sc_bundles>
// kernel: kernel.3.cloned.1.call-start
scs
__scs_entry_jumppad:
0x0: {  	(pc) =	sbr.rel $0x88, $3  }
0x1: {  	(tag) =	ssettag $0x0;
	lr =	simm.s32 $0x1  }
0x2: {  	[smem:$0x3F9F] =	sst lr;
	_ =	strace $0xD0000000  }
0x3: {  	_ = 	snop  }
0x4: {  	_ = 	snop  }
0x5: {  	_ = 	snop  }
0x6: {  	_ = 	snop  }
0x7: {  	_ = 	snop  }
__scs_overlays_trampoline_lowered:
0x8: {  	[smem:$0x3FAE] =	sst s0  }
0x9: {  	[smem:$0x3FAF] =	sst s1  }
0xa: {  	[smem:$0x3FB0] =	sst s2  }
0xb: {  	[smem:$0x3FB1] =	sst s3  }
0xc: {  	[smem:$0x3FB2] =	sst s4  }
0xd: {  	[smem:$0x3FB3] =	sst s5  }
0xe: {  	[smem:$0x3FB4] =	sst s6  }
0xf: {  	[smem:$0x3FB5] =	sst s7  }
0x10: {  	[smem:$0x3FB6] =	sst s8  }
0x11: {  	[smem:$0x3FB7] =	sst s9;
	s0 =	simm.s32 @!p0 $0x0  }
0x12: {  	s1 =	sld [smem:$0x3F9D];
	s0 =	simm.s32 @p0 $0x1  }
0x13: {  	[smem:$0x3FB8] =	sst s0;
	s0 =	simm.s32 @!p1 $0x0  }
0x14: {  	s2 =	sld [smem:$0x3F9C];
	s0 =	simm.s32 @p1 $0x1  }
0x15: {  	[smem:$0x3FB9] =	sst s0;
	s0 =	simm.s32 @!p2 $0x0  }
0x16: {  	s3 =	sld [smem:$0x3FDB];
	s0 =	simm.s32 @p2 $0x1  }
0x17: {  	s4 =	simm.s32 $0x1BF5;
	[smem:$0x3FBB] =	sst s0  }
0x18: {  	s0 =	sld [smem:$0x3F9E];
	_ =	swait.ge [sflag:s4], $0x0  }
0x19: {  	s7 =	sld [smem:$0x3F9F]  }
0x1a: {  	s8 =	sadd.s32 $0xFFFFE003, lr  }
0x1b: {  	s9 =	sadd.s32 $0xFFFFFEF7, lr;
	s5 =	simm.s32 $0xFFFFFFFF;
	p2 =	slt.u32 s8, $0xFFFFF086  }
0x1c: {  	p1 =	slt.u32 s9, $0xF7A;
	s5 =	simm.s32 @!p2 $0x0  }
0x1d: {  	s5 =	simm.s32 @p1 $0x1;
	p0 =	seq.s32 s7, s2  }
0x1e: {  	s7 =	smul.u32 @!p0 $0xF7A, s2;
	p2 =	seq.s32 @!p0 s5, $0x0  }
0x1f: {  	s9 =	smul.u32 $0xF7A, s1;
	s8 =	simm.s32 @!p0 $0x1BF5;
	p2 =	por !p2, p0  }
0x20: {  	[sflag:s8] =	ssyncset.s32 @!p0 $0xFFFFF086;
	s6 =	sadd.s32 @!p0 s3, s7;
	s7 =	simm.s32 @!p0 $0x108  }
0x21: {  	s3 =	sadd.s32 s3, s9;
	s6 =	sadd.s32 @!p0 $0x88, s6;
	s7 =	simm.s32 @p2 $0x1082  }
0x22: {  	[simem:s7], [sflag:s8] =	dma.local @!p0 [hbm:s6], $0xF7A  }
0x23: {  	s9 =	sor.u32 $0xD0000000, s2;
	s6 =	simm.s32 $0x108;
	_ =	swait.ge @!p0 [sflag:s8], $0x0  }
0x24: {  	s3 =	sadd.s32 $0x88, s3;
	s6 =	simm.s32 @!p1 $0x1082;
	[sflag:s4] =	ssyncset.s32 $0xFFFFF086  }
0x25: {  	[simem:s6], [sflag:s4] =	dma.local [hbm:s3], $0xF7A  }
0x26: {  	[smem:$0x3F9F] =	sst s1;
	(tag) =	ssettag s2;
	_ =	strace s9  }
0x27: {  	s1 =	sld [smem:$0x3FAF]  }
0x28: {  	s2 =	sld [smem:$0x3FB0]  }
0x29: {  	s4 =	sld [smem:$0x3FB2]  }
0x2a: {  	p0 =	seq.s32 s5, $0x0;
	s5 =	sld [smem:$0x3FB3]  }
0x2b: {  	s6 =	sld [smem:$0x3FB4]  }
0x2c: {  	s7 =	sld [smem:$0x3FB5]  }
0x2d: {  	s3 =	simm.s32 $0x108;
	s8 =	sld [smem:$0x3FB6]  }
0x2e: {  	s3 =	simm.s32 @!p0 $0x1082;
	s9 =	sld [smem:$0x3FB7]  }
0x2f: {  	lr =	sadd.s32 s0, s3;
	s0 =	sld [smem:$0x3FAE]  }
0x30: {  	s3 =	sld [smem:$0x3FB1]  }
0x31: {  	[smem:$0x3FBA] =	sst s10  }
0x32: {  	s10 =	sld [smem:$0x3FB8];
	_ =	sdelay $0x3  }
0x33: {  	p0 =	seq.s32 s10, $0x1;
	s10 =	sld [smem:$0x3FBA];
	_ =	sdelay $0x3  }
0x34: {  	[smem:$0x3FBA] =	sst s10  }
0x35: {  	s10 =	sld [smem:$0x3FB9];
	_ =	sdelay $0x3  }
0x36: {  	p1 =	seq.s32 s10, $0x1;
	s10 =	sld [smem:$0x3FBA];
	_ =	sdelay $0x3  }
0x37: {  	[smem:$0x3FBA] =	sst s10  }
0x38: {  	s10 =	sld [smem:$0x3FBB]  }
0x39: {  	_ = 	snop;
	(pc) =	sbr.ind lr, $3  }
0x3a: {  	_ = 	snop  }
0x3b: {  	_ = 	snop  }
0x3c: {  	p2 =	seq.s32 s10, $0x1;
	s10 =	sld [smem:$0x3FBA]  }
0x3d: {  	_ =	shalt  }
0x3e: {  	_ =	shalt  }
0x3f: {  	_ =	shalt  }
0x40: {  	_ =	shalt  }
0x41: {  	_ =	shalt  }
0x42: {  	_ =	shalt  }
0x43: {  	_ =	shalt  }
0x44: {  	_ =	shalt  }
0x45: {  	_ =	shalt  }
0x46: {  	_ =	shalt  }
0x47: {  	_ =	shalt  }
0x48: {  	_ =	shalt  }
0x49: {  	_ =	shalt  }
0x4a: {  	_ =	shalt  }
0x4b: {  	_ =	shalt  }
0x4c: {  	_ =	shalt  }
0x4d: {  	_ =	shalt  }
0x4e: {  	_ =	shalt  }
0x4f: {  	_ =	shalt  }
0x50: {  	_ =	shalt  }
0x51: {  	_ =	shalt  }
0x52: {  	_ =	shalt  }
0x53: {  	_ =	shalt  }
0x54: {  	_ =	shalt  }
0x55: {  	_ =	shalt  }
0x56: {  	_ =	shalt  }
0x57: {  	_ =	shalt  }
0x58: {  	_ =	shalt  }
0x59: {  	_ =	shalt  }
0x5a: {  	_ =	shalt  }
0x5b: {  	_ =	shalt  }
0x5c: {  	_ =	shalt  }
0x5d: {  	_ =	shalt  }
0x5e: {  	_ =	shalt  }
0x5f: {  	_ =	shalt  }
0x60: {  	_ =	shalt  }
0x61: {  	_ =	shalt  }
0x62: {  	_ =	shalt  }
0x63: {  	_ =	shalt  }
0x64: {  	_ =	shalt  }
0x65: {  	_ =	shalt  }
0x66: {  	_ =	shalt  }
0x67: {  	_ =	shalt  }
0x68: {  	_ =	shalt  }
0x69: {  	_ =	shalt  }
0x6a: {  	_ =	shalt  }
0x6b: {  	_ =	shalt  }
0x6c: {  	_ =	shalt  }
0x6d: {  	_ =	shalt  }
0x6e: {  	_ =	shalt  }
0x6f: {  	_ =	shalt  }
0x70: {  	_ =	shalt  }
0x71: {  	_ =	shalt  }
0x72: {  	_ =	shalt  }
0x73: {  	_ =	shalt  }
0x74: {  	_ =	shalt  }
0x75: {  	_ =	shalt  }
0x76: {  	_ =	shalt  }
0x77: {  	_ =	shalt  }
0x78: {  	_ =	shalt  }
0x79: {  	_ =	shalt  }
0x7a: {  	_ =	shalt  }
0x7b: {  	_ =	shalt  }
0x7c: {  	_ =	shalt  }
0x7d: {  	_ =	shalt  }
0x7e: {  	_ =	shalt  }
0x7f: {  	_ =	shalt  }
0x80: {  	_ =	shalt  }
0x81: {  	_ =	shalt  }
0x82: {  	_ =	shalt  }
0x83: {  	_ =	shalt  }
0x84: {  	_ =	shalt  }
0x85: {  	_ =	shalt  }
0x86: {  	_ =	shalt  }
0x87: {  	_ =	shalt  }
.Lfunc_end0:
.L_simem_size_0:
called_computation.1_lowered:
.L_overlay_start_0:
0x88: {  	s2 =	sld [smem:$0x3FD9]  }
0x89: {  	s3 =	sld [smem:$0x3FFE];
	_ =	sdelay $0x1  }
0x8a: {  	s1 =	srdreg.scid  }
0x8b: {  	s0 =	sand.u32 $0x1, s1  }
0x8c: {  	s17 =	sshll.u32 s0, $0xA;
	s2 =	sadd.s32 s3, s2  }
0x8d: {  	s2 =	sadd.s32 s2, s17  }
0x8e: {  	[smem:$0x3FC6] =	sst s2  }
0x8f: {  	_ = 	snop  }
0x90: {  	s2 =	sld [smem:$0x3FD0];
	(tm) =	ssettm $0x1  }
0x91: {  	s18 =	sld [smem:$0x3FFB];
	_ =	sdelay $0x3  }
0x92: {  	_ =	strace s18  }
0x93: {  	s3 =	sld [smem:$0x3FFC];
	_ =	sdelay $0x3  }
0x94: {  	_ =	strace s3  }
0x95: {  	s3 =	sld [smem:$0x3FFD];
	_ =	sdelay $0x3  }
0x96: {  	_ =	strace s3  }
0x97: {  	_ =	strace $0x8FFFFFFF  }
0x98: {  	s19 =	sld [smem:$0x3FDB];
	_ =	sdelay $0x1  }
0x99: {  	s4 =	simm.s32 $_scs_section_size  }
0x9a: {  	s5 =	simm.s32 $_size__tile_overlayer_lowered;
	s6 =	simm.s32 $_tile_overlayer_lowered  }
0x9b: {  	s22 =	simm.s32 $0x1BFF;
	s21 =	sshll.u32 s6, $0x1;
	s3 =	sadd.s32 s4, s19  }
0x9c: {  	s7 =	simm.s32 $0x0;
	s20 =	sshll.u32 s5, $0x1;
	s5 =	sadd.s32 s21, s3  }
0x9d: {  	[timem:s7], [sflag:s22] =	dma.local [hbm:s5], s20  }
0x9e: {  	_ =	swait.ge [sflag:s22], s20  }
0x9f: {  	s4 =	ssub.s32 $0x0, s20;
	[sflag:s22] =	ssyncset.done $0x0  }
0xa0: {  	[sflag:s22] =	ssyncadd.s32 s4;
	_ =	sdelay $0x1  }
0xa1: {  	s23 =	simm.s32 $0x1B8B  }
0xa2: {  	_ =	swait.ge [sflag:s23], $0x1  }
0xa3: {  	[sflag:s23] =	ssyncset.done $0x0  }
0xa4: {  	s25 =	simm.s32 $0x1B8E;
	s24 =	sld [smem:$0x3FFE];
	[sflag:s23] =	ssyncadd.s32 $0xFFFFFFFF  }
0xa5: {  	s26 =	simm.s32 $execute0_lowered;
	[smem:$0x3FD2] =	sst s25  }
0xa6: {  	s5 =	sshll.u32 s26, $0x1;
	_ =	strace $0x80000046;
	[dreg:$0x1] =	wrdreg $0xFFFFFFFF  }
0xa7: {  	s28 =	simm.s32 $_size_execute0_lowered;
	s3 =	sadd.s32 s3, s5;
	[dreg:$0x0] =	wrdreg $0x0  }
0xa8: {  	s5 =	sshll.u32 s28, $0x1;
	[dreg:$0x2] =	wrdreg s3  }
0xa9: {  	[dreg:$0x3] =	wrdreg s5  }
0xaa: {  	[dreg:$0x4] =	wrdreg $0xC0  }
0xab: {  	_ =	task [dreg:s7], $0x5FFFF  }
0xac: {  	[dreg:$0x1] =	wrdreg $0xFFFFFFFF  }
0xad: {  	[dreg:$0x0] =	wrdreg $0x60  }
0xae: {  	[dreg:$0x2] =	wrdreg s24  }
0xaf: {  	[dreg:$0x3] =	wrdreg s2  }
0xb0: {  	[dreg:$0x4] =	wrdreg $0x9  }
0xb1: {  	_ =	task.clear_ibuf [dreg:s7], $0x5FFFF;
	_ =	strace $0x90000046  }
0xb2: {  	s29 =	simm.s32 $0x9;
	_ =	strace $0x80000048  }
0xb3: {  	_ =	swait.ge [sflag:s29], $0x1  }
0xb4: {  	[sflag:s29] =	ssyncadd.s32 $0xFFFFFFFF  }
0xb5: {  	_ =	strace $0x90000048  }
0xb6: {  	_ =	sfence  }
0xb7: {  	s30 =	sld [smem:$0x0];
	_ =	sdelay $0x2  }
0xb8: {  	s31 =	sshll.u32 s1, $0xD;
	s1 =	sshrl.u32 s1, $0x2  }
0xb9: {  	s3 =	sand.u32 $0x4000, s31;
	s1 =	sadd.s32 s1, s30  }
0xba: {  	s0 =	sor.u32 s3, s0;
	s1 =	sshll.u32 s1, $0x11  }
0xbb: {  	s0 =	sor.u32 s1, s0  }
0xbc: {  	s0 =	sadd.s32 $0x8F2B, s0  }
0xbd: {  	[sflag:s0] =	ssyncadd.remote.s32 $0x1  }
0xbe: {  	_ =	sfence.sel $0xFFFF  }
0xbf: {  	[dreg:$0x0] =	wrdreg $0xFFFFFFFF;
	(pc) =	sbr.abs _section_cstart, $3  }
0xc0: {  	[dreg:$0x1] =	wrdreg $0xFFFFFFFF  }
0xc1: {  	_ =	task.clear_ibuf [dreg:s7], $0x2FFFF;
	_ =	strace $0x9FFFFFFF  }
0xc2: {  	(tm) =	ssettm $0x7FFFFFFF  }
0xc3: {  	_ =	shalt  }
tec
execute0_lowered:
.L_overlay_start_1:
0x0: {  	(tag) =	ssettag $0x1  }
0x1: {  	s1 =	srdreg.scid;
	s7 =	stileid.u32  }
0x2: {  	s1 =	sand.u32 $0x1, s1;
	s2 =	sshll.u32 s7, $0x1  }
0x3: {  	s2 =	sor.u32 s1, s2  }
0x4: {  	s0 =	rddreg [dreg:$0x0];
	s5 =	smul.u32 $0x190000, s2  }
0x5: {  	s26 =	rddreg [dreg:$0x1];
	s3 =	simm.s32 $0x0;
	s2 =	smul.u32 $0xC80, s2  }
0x6: {  	[smem:$0x7FF] =	sst s3;
	s4 =	sadd.s32 $0xF42E00, s0  }
0x7: {  	_ =	strace $0x80000047;
	s6 =	ssub.s32 $0x2, s1;
	s0 =	sadd.s32 s2, s0  }
0x8: {  	s21 =	sshrl.u32 s6, $0x1;
	s5 =	sshrl.u32 s5, $0x3;
	s0 =	sadd.s32 $0xA00, s0  }
0x9: {  	s2 =	ssub.s32 s6, s21;
	s5 =	sadd.s32 s26, s5;
	[dreg:$0xb] =	wrdreg s0  }
0xa: {  	s2 =	smax.u32 s2, $0x1;
	[dreg:$0xa] =	wrdreg s5  }
0xb: {  	s22 =	sadd.s32 $0x400, s5;
	[dreg:$0x1b] =	wrdreg s2  }
0xc: {  	s23 =	sadd.s32 $0x800, s5;
	[dreg:$0xc] =	wrdreg s22  }
0xd: {  	s24 =	sadd.s32 $0xC00, s5;
	[dreg:$0xd] =	wrdreg s23  }
0xe: {  	s25 =	sadd.s32 $0x1000, s5;
	[dreg:$0xe] =	wrdreg s24  }
0xf: {  	s28 =	sadd.s32 $0x1400, s5;
	[dreg:$0xf] =	wrdreg s25  }
0x10: {  	s29 =	sadd.s32 $0x1800, s5;
	[dreg:$0x10] =	wrdreg s28  }
0x11: {  	s30 =	smul.u32 $0x320000, s7;
	s7 =	sadd.s32 $0x1C00, s5;
	[dreg:$0x11] =	wrdreg s29  }
0x12: {  	s8 =	sadd.s32 $0x30000, s5;
	[dreg:$0x12] =	wrdreg s7  }
0x13: {  	s9 =	sadd.s32 $0x30400, s5;
	[dreg:$0x13] =	wrdreg s8  }
0x14: {  	s10 =	sadd.s32 $0x30800, s5;
	[dreg:$0x14] =	wrdreg s9  }
0x15: {  	s11 =	sadd.s32 $0x30C00, s5;
	[dreg:$0x15] =	wrdreg s10  }
0x16: {  	s12 =	sadd.s32 $0x31000, s5;
	[dreg:$0x16] =	wrdreg s11  }
0x17: {  	s1 =	smul.u32 $0x190000, s1;
	s13 =	sadd.s32 $0x31400, s5;
	[dreg:$0x17] =	wrdreg s12  }
0x18: {  	s31 =	simm.s32 $0x10400;
	s14 =	sadd.s32 $0x31800, s5;
	[dreg:$0x18] =	wrdreg s13  }
0x19: {  	s0 =	sadd.s32 s1, s30;
	s15 =	sadd.s32 $0x31C00, s5;
	[dreg:$0x19] =	wrdreg s14  }
0x1a: {  	[dreg:$0x1a] =	wrdreg s15;
	s16 =	sadd.s32 $0x1A000, s0;
	s17 =	sadd.s32 $0x18000, s0  }
0x1b: {  	s19 =	sadd.s32 $0x16000, s0;
	s21 =	sadd.s32 $0x14000, s0;
	s23 =	sadd.s32 $0x12000, s0  }
0x1c: {  	s25 =	sadd.s32 $0x1E000, s0;
	s29 =	sadd.s32 $0x1C000, s0;
	s0 =	sadd.s32 $0x10000, s0  }
0x1d: {  	s10 =	simm.s32 $0x9;
	s11 =	simm.s32 $0x4;
	s12 =	simm.s32 $0xA  }
0x1e: {  	s13 =	simm.s32 $0x5;
	s1 =	sshrl.u32 s16, $0x3;
	[dreg:$0x1c] =	wrdreg s0  }
0x1f: {  	s14 =	simm.s32 $0xB;
	s18 =	sshrl.u32 s17, $0x3;
	[dreg:$0x3] =	wrdreg s1  }
0x20: {  	s15 =	simm.s32 $0x6;
	s20 =	sshrl.u32 s19, $0x3;
	[dreg:$0x4] =	wrdreg s18  }
0x21: {  	s22 =	sshrl.u32 s21, $0x3;
	s24 =	sshrl.u32 s23, $0x3;
	[dreg:$0x5] =	wrdreg s20  }
0x22: {  	s28 =	sshrl.u32 s25, $0x3;
	s30 =	sshrl.u32 s29, $0x3;
	[dreg:$0x6] =	wrdreg s22  }
0x23: {  	s25 =	simm.s32 $0x80;
	s16 =	simm.s32 $0xC;
	[dreg:$0x7] =	wrdreg s24  }
0x24: {  	s17 =	simm.s32 $0x7;
	s19 =	simm.s32 $0x8;
	[dreg:$0x8] =	wrdreg s28  }
0x25: {  	s21 =	simm.s32 $0xF;
	s0 =	simm.s32 $0x0;
	[dreg:$0x9] =	wrdreg s30  }
0x26: {  	s18 =	simm.s32 $0xD;
	s20 =	simm.s32 $0xE;
	s22 =	simm.s32 $0x10  }
.LBB2_1:
0x27: {  	[dreg:$0x1d] =	wrdreg s0  }
0x28: {  	s2 =	rddreg [dreg:$0xb];
	s5 =	simm.s32 $0x11  }
0x29: {  	[tilespmem:s3], [sflag:$0x11] =	stream.linear.gather [hbm4b:s2+s3], $0x6400, $0x38;
	[tilespmem:$0x16400] =	vst v63  }
0x2a: {  	_ =	swait.ge [sflag:s5], $0x6400  }
0x2b: {  	[sflag:s5] =	ssyncset.done $0x0  }
0x2c: {  	s23 =	simm.s32 $0x6400;
	[sflag:s5] =	ssyncadd.s32 $0xFFFF9C00  }
0x2d: {  	[tilespmem:s23], [sflag:$0x1] =	stream.indirect.gather [hbm4b:s4+s25], $0x40, s3, s25, $0xb8;
	[tilespmem:$0x16400] =	vst v63  }
0x2e: {  	s1 =	simm.s32 $0x8400  }
0x2f: {  	[tilespmem:s1], [sflag:$0x2] =	stream.indirect.gather [hbm4b:s4+s25], $0x40, s25, s25, $0xb8;
	[tilespmem:$0x16400] =	vst v63  }
0x30: {  	s6 =	simm.s32 $0x100;
	s24 =	simm.s32 $0xA400  }
0x31: {  	[tilespmem:s24], [sflag:$0x3] =	stream.indirect.gather [hbm4b:s4+s25], $0x40, s6, s25, $0xb8;
	[tilespmem:$0x16400] =	vst v63  }
0x32: {  	s7 =	simm.s32 $0x180;
	s28 =	simm.s32 $0xC400  }
0x33: {  	[tilespmem:s28], [sflag:$0x4] =	stream.indirect.gather [hbm4b:s4+s25], $0x40, s7, s25, $0xb8;
	[tilespmem:$0x16400] =	vst v63  }
0x34: {  	s8 =	simm.s32 $0x200;
	s6 =	simm.s32 $0xE400  }
0x35: {  	[tilespmem:s6], [sflag:$0x5] =	stream.indirect.gather [hbm4b:s4+s25], $0x40, s8, s25, $0xb8;
	[tilespmem:$0x16400] =	vst v63  }
0x36: {  	s9 =	simm.s32 $0x280;
	s0 =	simm.s32 $0x1;
	s8 =	simm.s32 $0x10400  }
0x37: {  	[tilespmem:s8], [sflag:$0x6] =	stream.indirect.gather [hbm4b:s4+s25], $0x40, s9, s25, $0xb8;
	[tilespmem:$0x16400] =	vst v63  }
0x38: {  	_ =	swait.ge [sflag:s0], $0x2000  }
0x39: {  	[sflag:s0] =	ssyncset.done $0x0  }
0x3a: {  	s29 =	rddreg [dreg:$0xa];
	[sflag:s0] =	ssyncadd.s32 $0xFFFFE000  }
0x3b: {  	[hbm4b:s29+s3] =	stream.linear.scatter [tilespmem:s23], [sflag:$0x9], $0x2000, $0x38;
	[tilespmem:$0x16400] =	vst v63  }
0x3c: {  	s30 =	simm.s32 $0x300;
	s7 =	simm.s32 $0x2;
	s29 =	simm.s32 $0x12400  }
0x3d: {  	[tilespmem:s29], [sflag:$0x7] =	stream.indirect.gather [hbm4b:s4+s25], $0x40, s30, s25, $0xb8;
	[tilespmem:$0x16400] =	vst v63  }
0x3e: {  	_ =	swait.ge [sflag:s7], $0x2000  }
0x3f: {  	[sflag:s7] =	ssyncset.done $0x0  }
0x40: {  	s5 =	rddreg [dreg:$0xc];
	[sflag:s7] =	ssyncadd.s32 $0xFFFFE000  }
0x41: {  	[hbm4b:s5+s3] =	stream.linear.scatter [tilespmem:s1], [sflag:$0xA], $0x2000, $0x38;
	[tilespmem:$0x16400] =	vst v63  }
0x42: {  	s9 =	simm.s32 $0x380;
	s30 =	simm.s32 $0x14400  }
0x43: {  	[tilespmem:s30], [sflag:$0x8] =	stream.indirect.gather [hbm4b:s4+s25], $0x40, s9, s25, $0xb8;
	[tilespmem:$0x16400] =	vst v63  }
0x44: {  	s9 =	simm.s32 $0x3  }
0x45: {  	_ =	swait.ge [sflag:s9], $0x2000  }
0x46: {  	[sflag:s9] =	ssyncset.done $0x0  }
0x47: {  	s5 =	rddreg [dreg:$0xd];
	[sflag:s9] =	ssyncadd.s32 $0xFFFFE000  }
0x48: {  	[hbm4b:s5+s3] =	stream.linear.scatter [tilespmem:s24], [sflag:$0xB], $0x2000, $0x38;
	[tilespmem:$0x16400] =	vst v63  }
0x49: {  	_ =	swait.ge [sflag:s10], $0x2000  }
0x4a: {  	[sflag:s10] =	ssyncset.done $0x0  }
0x4b: {  	s5 =	simm.s32 $0x400;
	[sflag:s10] =	ssyncadd.s32 $0xFFFFE000  }
0x4c: {  	[tilespmem:s23], [sflag:$0x1] =	stream.indirect.gather [hbm4b:s4+s25], $0x40, s5, s25, $0xb8;
	[tilespmem:$0x16400] =	vst v63  }
0x4d: {  	_ =	swait.ge [sflag:s11], $0x2000  }
0x4e: {  	[sflag:s11] =	ssyncset.done $0x0  }
0x4f: {  	s5 =	rddreg [dreg:$0xe];
	[sflag:s11] =	ssyncadd.s32 $0xFFFFE000  }
0x50: {  	[hbm4b:s5+s3] =	stream.linear.scatter [tilespmem:s28], [sflag:$0xC], $0x2000, $0x38;
	[tilespmem:$0x16400] =	vst v63  }
0x51: {  	_ =	swait.ge [sflag:s12], $0x2000  }
0x52: {  	[sflag:s12] =	ssyncset.done $0x0  }
0x53: {  	s5 =	simm.s32 $0x480;
	[sflag:s12] =	ssyncadd.s32 $0xFFFFE000  }
0x54: {  	[tilespmem:s1], [sflag:$0x2] =	stream.indirect.gather [hbm4b:s4+s25], $0x40, s5, s25, $0xb8;
	[tilespmem:$0x16400] =	vst v63  }
0x55: {  	_ =	swait.ge [sflag:s13], $0x2000  }
0x56: {  	[sflag:s13] =	ssyncset.done $0x0  }
0x57: {  	s5 =	rddreg [dreg:$0xf];
	[sflag:s13] =	ssyncadd.s32 $0xFFFFE000  }
0x58: {  	[hbm4b:s5+s3] =	stream.linear.scatter [tilespmem:s6], [sflag:$0xD], $0x2000, $0x38;
	[tilespmem:$0x16400] =	vst v63  }
0x59: {  	_ =	swait.ge [sflag:s14], $0x2000  }
0x5a: {  	[sflag:s14] =	ssyncset.done $0x0  }
0x5b: {  	s5 =	simm.s32 $0x500;
	[sflag:s14] =	ssyncadd.s32 $0xFFFFE000  }
0x5c: {  	[tilespmem:s24], [sflag:$0x3] =	stream.indirect.gather [hbm4b:s4+s25], $0x40, s5, s25, $0xb8;
	[tilespmem:$0x16400] =	vst v63  }
0x5d: {  	_ =	swait.ge [sflag:s15], $0x2000  }
0x5e: {  	[sflag:s15] =	ssyncset.done $0x0  }
0x5f: {  	s5 =	rddreg [dreg:$0x10];
	[sflag:s15] =	ssyncadd.s32 $0xFFFFE000  }
0x60: {  	[hbm4b:s5+s3] =	stream.linear.scatter [tilespmem:s8], [sflag:$0xE], $0x2000, $0x38;
	[tilespmem:$0x16400] =	vst v63  }
0x61: {  	_ =	swait.ge [sflag:s16], $0x2000  }
0x62: {  	[sflag:s16] =	ssyncset.done $0x0  }
0x63: {  	s5 =	simm.s32 $0x580;
	[sflag:s16] =	ssyncadd.s32 $0xFFFFE000  }
0x64: {  	[tilespmem:s28], [sflag:$0x4] =	stream.indirect.gather [hbm4b:s4+s25], $0x40, s5, s25, $0xb8;
	[tilespmem:$0x16400] =	vst v63  }
0x65: {  	_ =	swait.ge [sflag:s17], $0x2000  }
0x66: {  	[sflag:s17] =	ssyncset.done $0x0  }
0x67: {  	s5 =	rddreg [dreg:$0x11];
	[sflag:s17] =	ssyncadd.s32 $0xFFFFE000  }
0x68: {  	[hbm4b:s5+s3] =	stream.linear.scatter [tilespmem:s29], [sflag:$0xF], $0x2000, $0x38;
	[tilespmem:$0x16400] =	vst v63  }
0x69: {  	_ =	swait.ge [sflag:s18], $0x2000  }
0x6a: {  	[sflag:s18] =	ssyncset.done $0x0  }
0x6b: {  	s5 =	simm.s32 $0x600;
	[sflag:s18] =	ssyncadd.s32 $0xFFFFE000  }
0x6c: {  	[tilespmem:s6], [sflag:$0x5] =	stream.indirect.gather [hbm4b:s4+s25], $0x40, s5, s25, $0xb8;
	[tilespmem:$0x16400] =	vst v63  }
0x6d: {  	_ =	swait.ge [sflag:s19], $0x2000  }
0x6e: {  	[sflag:s19] =	ssyncset.done $0x0  }
0x6f: {  	s5 =	rddreg [dreg:$0x12];
	[sflag:s19] =	ssyncadd.s32 $0xFFFFE000  }
0x70: {  	[hbm4b:s5+s3] =	stream.linear.scatter [tilespmem:s30], [sflag:$0x10], $0x2000, $0x38;
	[tilespmem:$0x16400] =	vst v63  }
0x71: {  	_ =	swait.ge [sflag:s20], $0x2000  }
0x72: {  	[sflag:s20] =	ssyncset.done $0x0  }
0x73: {  	s5 =	simm.s32 $0x680;
	[sflag:s20] =	ssyncadd.s32 $0xFFFFE000  }
0x74: {  	[tilespmem:s8], [sflag:$0x6] =	stream.indirect.gather [hbm4b:s4+s25], $0x40, s5, s25, $0xb8;
	[tilespmem:$0x16400] =	vst v63  }
0x75: {  	_ =	swait.ge [sflag:s0], $0x2000  }
0x76: {  	s5 =	rddreg [dreg:$0x1c]  }
0x77: {  	[sflag:s0] =	ssyncset.done $0x0;
	s2 =	sshrl.u32 s5, $0x3  }
0x78: {  	[sflag:s0] =	ssyncadd.s32 $0xFFFFE000;
	s2 =	sadd.s32 s26, s2  }
0x79: {  	[hbm4b:s2+s3] =	stream.linear.scatter [tilespmem:s23], [sflag:$0x9], $0x2000, $0x38;
	[tilespmem:$0x16400] =	vst v63  }
0x7a: {  	_ =	swait.ge [sflag:s21], $0x2000  }
0x7b: {  	[sflag:s21] =	ssyncset.done $0x0  }
0x7c: {  	s0 =	simm.s32 $0x700;
	[sflag:s21] =	ssyncadd.s32 $0xFFFFE000  }
0x7d: {  	[tilespmem:s29], [sflag:$0x7] =	stream.indirect.gather [hbm4b:s4+s25], $0x40, s0, s25, $0xb8;
	[tilespmem:$0x16400] =	vst v63  }
0x7e: {  	_ =	swait.ge [sflag:s7], $0x2000  }
0x7f: {  	s0 =	rddreg [dreg:$0x7];
	[sflag:s7] =	ssyncset.done $0x0  }
0x80: {  	[sflag:s7] =	ssyncadd.s32 $0xFFFFE000;
	s2 =	sadd.s32 s26, s0  }
0x81: {  	[hbm4b:s2+s3] =	stream.linear.scatter [tilespmem:s1], [sflag:$0xA], $0x2000, $0x38;
	[tilespmem:$0x16400] =	vst v63  }
0x82: {  	_ =	swait.ge [sflag:s22], $0x2000  }
0x83: {  	[sflag:s22] =	ssyncset.done $0x0  }
0x84: {  	s7 =	simm.s32 $0x780;
	[sflag:s22] =	ssyncadd.s32 $0xFFFFE000  }
0x85: {  	[tilespmem:s30], [sflag:$0x8] =	stream.indirect.gather [hbm4b:s4+s25], $0x40, s7, s25, $0xb8;
	[tilespmem:$0x16400] =	vst v63  }
0x86: {  	_ =	swait.ge [sflag:s9], $0x2000  }
0x87: {  	s0 =	rddreg [dreg:$0x6];
	[sflag:s9] =	ssyncset.done $0x0  }
0x88: {  	[sflag:s9] =	ssyncadd.s32 $0xFFFFE000;
	s2 =	sadd.s32 s26, s0  }
0x89: {  	[hbm4b:s2+s3] =	stream.linear.scatter [tilespmem:s24], [sflag:$0xB], $0x2000, $0x38;
	[tilespmem:$0x16400] =	vst v63  }
0x8a: {  	_ =	swait.ge [sflag:s10], $0x2000  }
0x8b: {  	[sflag:s10] =	ssyncset.done $0x0  }
0x8c: {  	s7 =	simm.s32 $0x800;
	[sflag:s10] =	ssyncadd.s32 $0xFFFFE000  }
0x8d: {  	[tilespmem:s23], [sflag:$0x1] =	stream.indirect.gather [hbm4b:s4+s25], $0x40, s7, s25, $0xb8;
	[tilespmem:$0x16400] =	vst v63  }
0x8e: {  	_ =	swait.ge [sflag:s11], $0x2000  }
0x8f: {  	s9 =	rddreg [dreg:$0x5];
	[sflag:s11] =	ssyncset.done $0x0  }
0x90: {  	[sflag:s11] =	ssyncadd.s32 $0xFFFFE000;
	s2 =	sadd.s32 s26, s9  }
0x91: {  	[hbm4b:s2+s3] =	stream.linear.scatter [tilespmem:s28], [sflag:$0xC], $0x2000, $0x38;
	[tilespmem:$0x16400] =	vst v63  }
0x92: {  	_ =	swait.ge [sflag:s12], $0x2000  }
0x93: {  	[sflag:s12] =	ssyncset.done $0x0  }
0x94: {  	s23 =	simm.s32 $0x880;
	[sflag:s12] =	ssyncadd.s32 $0xFFFFE000  }
0x95: {  	[tilespmem:s1], [sflag:$0x2] =	stream.indirect.gather [hbm4b:s4+s25], $0x40, s23, s25, $0xb8;
	[tilespmem:$0x16400] =	vst v63  }
0x96: {  	_ =	swait.ge [sflag:s13], $0x2000  }
0x97: {  	s0 =	rddreg [dreg:$0x4];
	[sflag:s13] =	ssyncset.done $0x0  }
0x98: {  	[sflag:s13] =	ssyncadd.s32 $0xFFFFE000;
	s2 =	sadd.s32 s26, s0  }
0x99: {  	[hbm4b:s2+s3] =	stream.linear.scatter [tilespmem:s6], [sflag:$0xD], $0x2000, $0x38;
	[tilespmem:$0x16400] =	vst v63  }
0x9a: {  	_ =	swait.ge [sflag:s14], $0x2000  }
0x9b: {  	[sflag:s14] =	ssyncset.done $0x0  }
0x9c: {  	s1 =	simm.s32 $0x900;
	[sflag:s14] =	ssyncadd.s32 $0xFFFFE000  }
0x9d: {  	[tilespmem:s24], [sflag:$0x3] =	stream.indirect.gather [hbm4b:s4+s25], $0x40, s1, s25, $0xb8;
	[tilespmem:$0x16400] =	vst v63  }
0x9e: {  	_ =	swait.ge [sflag:s15], $0x2000  }
0x9f: {  	s7 =	rddreg [dreg:$0x3];
	[sflag:s15] =	ssyncset.done $0x0  }
0xa0: {  	[sflag:s15] =	ssyncadd.s32 $0xFFFFE000;
	s2 =	sadd.s32 s26, s7  }
0xa1: {  	[hbm4b:s2+s3] =	stream.linear.scatter [tilespmem:s8], [sflag:$0xE], $0x2000, $0x38;
	[tilespmem:$0x16400] =	vst v63  }
0xa2: {  	_ =	swait.ge [sflag:s16], $0x2000  }
0xa3: {  	[sflag:s16] =	ssyncset.done $0x0  }
0xa4: {  	s9 =	simm.s32 $0x980;
	[sflag:s16] =	ssyncadd.s32 $0xFFFFE000  }
0xa5: {  	[tilespmem:s28], [sflag:$0x4] =	stream.indirect.gather [hbm4b:s4+s25], $0x40, s9, s25, $0xb8;
	[tilespmem:$0x16400] =	vst v63  }
0xa6: {  	_ =	swait.ge [sflag:s17], $0x2000  }
0xa7: {  	s23 =	rddreg [dreg:$0x9];
	[sflag:s17] =	ssyncset.done $0x0  }
0xa8: {  	[sflag:s17] =	ssyncadd.s32 $0xFFFFE000;
	s2 =	sadd.s32 s26, s23  }
0xa9: {  	[hbm4b:s2+s3] =	stream.linear.scatter [tilespmem:s29], [sflag:$0xF], $0x2000, $0x38;
	[tilespmem:$0x16400] =	vst v63  }
0xaa: {  	_ =	swait.ge [sflag:s18], $0x2000  }
0xab: {  	[sflag:s18] =	ssyncset.done $0x0  }
0xac: {  	s24 =	simm.s32 $0xA00;
	[sflag:s18] =	ssyncadd.s32 $0xFFFFE000  }
0xad: {  	[tilespmem:s6], [sflag:$0x5] =	stream.indirect.gather [hbm4b:s4+s25], $0x40, s24, s25, $0xb8;
	[tilespmem:$0x16400] =	vst v63  }
0xae: {  	_ =	swait.ge [sflag:s19], $0x2000  }
0xaf: {  	s29 =	rddreg [dreg:$0x8];
	[sflag:s19] =	ssyncset.done $0x0  }
0xb0: {  	[sflag:s19] =	ssyncadd.s32 $0xFFFFE000;
	s2 =	sadd.s32 s26, s29  }
0xb1: {  	[hbm4b:s2+s3] =	stream.linear.scatter [tilespmem:s30], [sflag:$0x10], $0x2000, $0x38;
	[tilespmem:$0x16400] =	vst v63  }
0xb2: {  	s28 =	smov.u32 s26;
	_ =	swait.ge [sflag:s20], $0x2000  }
0xb3: {  	s23 =	sadd.s32 $0x10000, s5;
	s5 =	sadd.s32 $0x2000, s26;
	[sflag:s20] =	ssyncset.done $0x0  }
0xb4: {  	s24 =	simm.s32 $0x1000;
	s2 =	simm.s32 $0xA80;
	[sflag:s20] =	ssyncadd.s32 $0xFFFFE000  }
.LBB2_2:
0xb5: {  	[tilespmem:s31], [sflag:$0x6] =	stream.indirect.gather [hbm4b:s4+s25], $0x40, s2, s25, $0xb8;
	[tilespmem:$0x16400] =	vst v63  }
0xb6: {  	s0 =	simm.s32 $0x1  }
0xb7: {  	_ =	swait.ge [sflag:s0], $0x2000  }
0xb8: {  	s26 =	sshrl.u32 s23, $0x3;
	[sflag:s0] =	ssyncset.done $0x0  }
0xb9: {  	s1 =	simm.s32 $0x6400;
	s26 =	sadd.s32 s28, s26;
	[sflag:s0] =	ssyncadd.s32 $0xFFFFE000  }
0xba: {  	[hbm4b:s26+s3] =	stream.linear.scatter [tilespmem:s1], [sflag:$0x9], $0x2000, $0x38;
	[tilespmem:$0x16400] =	vst v63  }
0xbb: {  	s8 =	smov.u32 s24;
	_ =	swait.ge [sflag:s21], $0x2000  }
0xbc: {  	s7 =	simm.s32 $0x12400;
	s2 =	sshra.s32 s8, $0x2;
	[sflag:s21] =	ssyncset.done $0x0  }
0xbd: {  	s9 =	sadd.s32 $0x700, s2;
	s26 =	simm.s32 $0x2;
	[sflag:s21] =	ssyncadd.s32 $0xFFFFE000  }
0xbe: {  	[tilespmem:s7], [sflag:$0x7] =	stream.indirect.gather [hbm4b:s4+s25], $0x40, s9, s25, $0xb8;
	[tilespmem:$0x16400] =	vst v63  }
0xbf: {  	_ =	swait.ge [sflag:s26], $0x2000  }
0xc0: {  	s6 =	rddreg [dreg:$0x7];
	[sflag:s26] =	ssyncset.done $0x0  }
0xc1: {  	s29 =	simm.s32 $0x8400;
	[sflag:s26] =	ssyncadd.s32 $0xFFFFE000;
	s26 =	sadd.s32 s5, s6  }
0xc2: {  	[hbm4b:s26+s3] =	stream.linear.scatter [tilespmem:s29], [sflag:$0xA], $0x2000, $0x38;
	[tilespmem:$0x16400] =	vst v63  }
0xc3: {  	_ =	swait.ge [sflag:s22], $0x2000  }
0xc4: {  	s8 =	sadd.s32 $0x780, s2;
	[sflag:s22] =	ssyncset.done $0x0  }
0xc5: {  	s9 =	simm.s32 $0x14400;
	s26 =	simm.s32 $0x3;
	[sflag:s22] =	ssyncadd.s32 $0xFFFFE000  }
0xc6: {  	[tilespmem:s9], [sflag:$0x8] =	stream.indirect.gather [hbm4b:s4+s25], $0x40, s8, s25, $0xb8;
	[tilespmem:$0x16400] =	vst v63  }
0xc7: {  	_ =	swait.ge [sflag:s26], $0x2000  }
0xc8: {  	s6 =	rddreg [dreg:$0x6];
	[sflag:s26] =	ssyncset.done $0x0  }
0xc9: {  	s0 =	simm.s32 $0xA400;
	[sflag:s26] =	ssyncadd.s32 $0xFFFFE000;
	s26 =	sadd.s32 s5, s6  }
0xca: {  	[hbm4b:s26+s3] =	stream.linear.scatter [tilespmem:s0], [sflag:$0xB], $0x2000, $0x38;
	[tilespmem:$0x16400] =	vst v63  }
0xcb: {  	_ =	swait.ge [sflag:s10], $0x2000  }
0xcc: {  	[sflag:s10] =	ssyncset.done $0x0  }
0xcd: {  	s8 =	sadd.s32 $0x800, s2;
	[sflag:s10] =	ssyncadd.s32 $0xFFFFE000  }
0xce: {  	[tilespmem:s1], [sflag:$0x1] =	stream.indirect.gather [hbm4b:s4+s25], $0x40, s8, s25, $0xb8;
	[tilespmem:$0x16400] =	vst v63  }
0xcf: {  	_ =	swait.ge [sflag:s11], $0x2000  }
0xd0: {  	s6 =	rddreg [dreg:$0x5];
	[sflag:s11] =	ssyncset.done $0x0  }
0xd1: {  	[sflag:s11] =	ssyncadd.s32 $0xFFFFE000;
	s26 =	sadd.s32 s5, s6;
	s6 =	simm.s32 $0xC400  }
0xd2: {  	[hbm4b:s26+s3] =	stream.linear.scatter [tilespmem:s6], [sflag:$0xC], $0x2000, $0x38;
	[tilespmem:$0x16400] =	vst v63  }
0xd3: {  	_ =	swait.ge [sflag:s12], $0x2000  }
0xd4: {  	[sflag:s12] =	ssyncset.done $0x0  }
0xd5: {  	s8 =	sadd.s32 $0x880, s2;
	[sflag:s12] =	ssyncadd.s32 $0xFFFFE000  }
0xd6: {  	[tilespmem:s29], [sflag:$0x2] =	stream.indirect.gather [hbm4b:s4+s25], $0x40, s8, s25, $0xb8;
	[tilespmem:$0x16400] =	vst v63  }
0xd7: {  	_ =	swait.ge [sflag:s13], $0x2000  }
0xd8: {  	s8 =	rddreg [dreg:$0x4];
	[sflag:s13] =	ssyncset.done $0x0  }
0xd9: {  	[sflag:s13] =	ssyncadd.s32 $0xFFFFE000;
	s26 =	sadd.s32 s5, s8;
	s8 =	simm.s32 $0xE400  }
0xda: {  	[hbm4b:s26+s3] =	stream.linear.scatter [tilespmem:s8], [sflag:$0xD], $0x2000, $0x38;
	[tilespmem:$0x16400] =	vst v63  }
0xdb: {  	_ =	swait.ge [sflag:s14], $0x2000  }
0xdc: {  	[sflag:s14] =	ssyncset.done $0x0  }
0xdd: {  	s26 =	sadd.s32 $0x900, s2;
	[sflag:s14] =	ssyncadd.s32 $0xFFFFE000  }
0xde: {  	[tilespmem:s0], [sflag:$0x3] =	stream.indirect.gather [hbm4b:s4+s25], $0x40, s26, s25, $0xb8;
	[tilespmem:$0x16400] =	vst v63  }
0xdf: {  	_ =	swait.ge [sflag:s15], $0x2000  }
0xe0: {  	s0 =	rddreg [dreg:$0x3];
	[sflag:s15] =	ssyncset.done $0x0  }
0xe1: {  	[sflag:s15] =	ssyncadd.s32 $0xFFFFE000;
	s26 =	sadd.s32 s5, s0  }
0xe2: {  	[hbm4b:s26+s3] =	stream.linear.scatter [tilespmem:s31], [sflag:$0xE], $0x2000, $0x38;
	[tilespmem:$0x16400] =	vst v63  }
0xe3: {  	_ =	swait.ge [sflag:s16], $0x2000  }
0xe4: {  	[sflag:s16] =	ssyncset.done $0x0  }
0xe5: {  	s26 =	sadd.s32 $0x980, s2;
	[sflag:s16] =	ssyncadd.s32 $0xFFFFE000  }
0xe6: {  	[tilespmem:s6], [sflag:$0x4] =	stream.indirect.gather [hbm4b:s4+s25], $0x40, s26, s25, $0xb8;
	[tilespmem:$0x16400] =	vst v63  }
0xe7: {  	_ =	swait.ge [sflag:s17], $0x2000  }
0xe8: {  	s6 =	rddreg [dreg:$0x9];
	[sflag:s17] =	ssyncset.done $0x0  }
0xe9: {  	[sflag:s17] =	ssyncadd.s32 $0xFFFFE000;
	s26 =	sadd.s32 s5, s6  }
0xea: {  	[hbm4b:s26+s3] =	stream.linear.scatter [tilespmem:s7], [sflag:$0xF], $0x2000, $0x38;
	[tilespmem:$0x16400] =	vst v63  }
0xeb: {  	_ =	swait.ge [sflag:s18], $0x2000  }
0xec: {  	[sflag:s18] =	ssyncset.done $0x0  }
0xed: {  	p0 =	sne.s32 s24, $0x16000;
	s7 =	sadd.s32 $0xA00, s2;
	[sflag:s18] =	ssyncadd.s32 $0xFFFFE000  }
0xee: {  	[tilespmem:s8], [sflag:$0x5] =	stream.indirect.gather [hbm4b:s4+s25], $0x40, s7, s25, $0xb8;
	[tilespmem:$0x16400] =	vst v63  }
0xef: {  	s24 =	sadd.s32 $0x1000, s24;
	s30 =	simm.s32 $0x6400;
	_ =	swait.ge [sflag:s19], $0x2000  }
0xf0: {  	s23 =	sadd.s32 $0x10000, s23;
	s8 =	rddreg [dreg:$0x8];
	[sflag:s19] =	ssyncset.done $0x0  }
.Ltmp0:
0xf1: {  	[sflag:s19] =	ssyncadd.s32 $0xFFFFE000;
	s26 =	sadd.s32 s5, s8;
	(pc) =	sbr.rel @p0 .LBB2_2-.Ltmp0, $4  }
0xf2: {  	[hbm4b:s26+s3] =	stream.linear.scatter [tilespmem:s9], [sflag:$0x10], $0x2000, $0x38;
	[tilespmem:$0x16400] =	vst v63  }
0xf3: {  	s1 =	simm.s32 $0x8400;
	s29 =	simm.s32 $0xA400;
	_ =	swait.ge [sflag:s20], $0x2000  }
0xf4: {  	s0 =	simm.s32 $0xC400;
	s6 =	simm.s32 $0xE400;
	[sflag:s20] =	ssyncset.done $0x0  }
0xf5: {  	s2 =	sadd.s32 $0xA80, s2;
	s5 =	sadd.s32 $0x2000, s5;
	[sflag:s20] =	ssyncadd.s32 $0xFFFFE000  }
0xf6: {  	s5 =	simm.s32 $0x10400;
	s26 =	simm.s32 $0x1  }
0xf7: {  	[tilespmem:s5], [sflag:$0x6] =	stream.indirect.gather [hbm4b:s4+s25], $0x40, s2, s25, $0xb8;
	[tilespmem:$0x16400] =	vst v63  }
0xf8: {  	_ =	swait.ge [sflag:s26], $0x2000  }
0xf9: {  	[sflag:s26] =	ssyncset.done $0x0  }
0xfa: {  	s7 =	rddreg [dreg:$0x13];
	[sflag:s26] =	ssyncadd.s32 $0xFFFFE000  }
0xfb: {  	[hbm4b:s7+s3] =	stream.linear.scatter [tilespmem:s30], [sflag:$0x9], $0x2000, $0x38;
	[tilespmem:$0x16400] =	vst v63  }
0xfc: {  	_ =	swait.ge [sflag:s21], $0x2000  }
0xfd: {  	s8 =	simm.s32 $0x6300;
	[sflag:s21] =	ssyncset.done $0x0  }
0xfe: {  	s9 =	simm.s32 $0x2;
	s7 =	simm.s32 $0x12400;
	[sflag:s21] =	ssyncadd.s32 $0xFFFFE000  }
0xff: {  	[tilespmem:s7], [sflag:$0x7] =	stream.indirect.gather [hbm4b:s4+s25], $0x40, s8, s25, $0xb8;
	[tilespmem:$0x16400] =	vst v63  }
0x100: {  	_ =	swait.ge [sflag:s9], $0x2000  }
0x101: {  	[sflag:s9] =	ssyncset.done $0x0  }
0x102: {  	s23 =	rddreg [dreg:$0x14];
	[sflag:s9] =	ssyncadd.s32 $0xFFFFE000  }
0x103: {  	[hbm4b:s23+s3] =	stream.linear.scatter [tilespmem:s1], [sflag:$0xA], $0x2000, $0x38;
	[tilespmem:$0x16400] =	vst v63  }
0x104: {  	_ =	swait.ge [sflag:s22], $0x2000  }
0x105: {  	s24 =	simm.s32 $0x6380;
	[sflag:s22] =	ssyncset.done $0x0  }
0x106: {  	s26 =	simm.s32 $0x3;
	s1 =	simm.s32 $0x14400;
	[sflag:s22] =	ssyncadd.s32 $0xFFFFE000  }
0x107: {  	[tilespmem:s1], [sflag:$0x8] =	stream.indirect.gather [hbm4b:s4+s25], $0x40, s24, s25, $0xb8;
	[tilespmem:$0x16400] =	vst v63  }
0x108: {  	_ =	swait.ge [sflag:s26], $0x2000  }
0x109: {  	[sflag:s26] =	ssyncset.done $0x0  }
0x10a: {  	s30 =	rddreg [dreg:$0x15];
	[sflag:s26] =	ssyncadd.s32 $0xFFFFE000  }
0x10b: {  	[hbm4b:s30+s3] =	stream.linear.scatter [tilespmem:s29], [sflag:$0xB], $0x2000, $0x38;
	[tilespmem:$0x16400] =	vst v63  }
0x10c: {  	_ =	swait.ge [sflag:s10], $0x2000  }
0x10d: {  	[sflag:s10] =	ssyncset.done $0x0  }
0x10e: {  	[sflag:s10] =	ssyncadd.s32 $0xFFFFE000  }
0x10f: {  	_ =	swait.ge [sflag:s11], $0x2000  }
0x110: {  	[sflag:s11] =	ssyncset.done $0x0  }
0x111: {  	s8 =	rddreg [dreg:$0x16];
	[sflag:s11] =	ssyncadd.s32 $0xFFFFE000  }
0x112: {  	[hbm4b:s8+s3] =	stream.linear.scatter [tilespmem:s0], [sflag:$0xC], $0x2000, $0x38;
	[tilespmem:$0x16400] =	vst v63  }
0x113: {  	_ =	swait.ge [sflag:s12], $0x2000  }
0x114: {  	[sflag:s12] =	ssyncset.done $0x0  }
0x115: {  	[sflag:s12] =	ssyncadd.s32 $0xFFFFE000  }
0x116: {  	_ =	swait.ge [sflag:s13], $0x2000  }
0x117: {  	[sflag:s13] =	ssyncset.done $0x0  }
0x118: {  	s9 =	rddreg [dreg:$0x17];
	[sflag:s13] =	ssyncadd.s32 $0xFFFFE000  }
0x119: {  	[hbm4b:s9+s3] =	stream.linear.scatter [tilespmem:s6], [sflag:$0xD], $0x2000, $0x38;
	[tilespmem:$0x16400] =	vst v63  }
0x11a: {  	_ =	swait.ge [sflag:s14], $0x2000  }
0x11b: {  	[sflag:s14] =	ssyncset.done $0x0  }
0x11c: {  	[sflag:s14] =	ssyncadd.s32 $0xFFFFE000  }
0x11d: {  	_ =	swait.ge [sflag:s15], $0x2000  }
0x11e: {  	[sflag:s15] =	ssyncset.done $0x0  }
0x11f: {  	s23 =	rddreg [dreg:$0x18];
	[sflag:s15] =	ssyncadd.s32 $0xFFFFE000  }
0x120: {  	[hbm4b:s23+s3] =	stream.linear.scatter [tilespmem:s5], [sflag:$0xE], $0x2000, $0x38;
	[tilespmem:$0x16400] =	vst v63  }
0x121: {  	_ =	swait.ge [sflag:s16], $0x2000  }
0x122: {  	[sflag:s16] =	ssyncset.done $0x0  }
0x123: {  	[sflag:s16] =	ssyncadd.s32 $0xFFFFE000  }
0x124: {  	_ =	swait.ge [sflag:s17], $0x2000  }
0x125: {  	[sflag:s17] =	ssyncset.done $0x0  }
0x126: {  	s24 =	rddreg [dreg:$0x19];
	[sflag:s17] =	ssyncadd.s32 $0xFFFFE000  }
0x127: {  	[hbm4b:s24+s3] =	stream.linear.scatter [tilespmem:s7], [sflag:$0xF], $0x2000, $0x38;
	[tilespmem:$0x16400] =	vst v63  }
0x128: {  	_ =	swait.ge [sflag:s18], $0x2000  }
0x129: {  	[sflag:s18] =	ssyncset.done $0x0  }
0x12a: {  	[sflag:s18] =	ssyncadd.s32 $0xFFFFE000  }
0x12b: {  	_ =	swait.ge [sflag:s19], $0x2000  }
0x12c: {  	[sflag:s19] =	ssyncset.done $0x0  }
0x12d: {  	s26 =	rddreg [dreg:$0x1a];
	[sflag:s19] =	ssyncadd.s32 $0xFFFFE000  }
0x12e: {  	[hbm4b:s26+s3] =	stream.linear.scatter [tilespmem:s1], [sflag:$0x10], $0x2000, $0x38;
	[tilespmem:$0x16400] =	vst v63  }
0x12f: {  	_ =	swait.ge [sflag:s20], $0x2000  }
0x130: {  	[sflag:s20] =	ssyncset.done $0x0  }
0x131: {  	[sflag:s20] =	ssyncadd.s32 $0xFFFFE000  }
0x132: {  	_ =	swait.ge [sflag:s21], $0x2000  }
0x133: {  	[sflag:s21] =	ssyncset.done $0x0  }
0x134: {  	[sflag:s21] =	ssyncadd.s32 $0xFFFFE000  }
0x135: {  	_ =	swait.ge [sflag:s22], $0x2000  }
0x136: {  	s29 =	rddreg [dreg:$0x1d]  }
0x137: {  	s30 =	rddreg [dreg:$0x1b];
	s0 =	sadd.s32 $0x1, s29  }
0x138: {  	p0 =	sne.s32 s0, s30  }
.Ltmp1:
0x139: {  	_ = 	snop;
	(pc) =	sbr.rel @p0 .LBB2_1-.Ltmp1, $3  }
0x13a: {  	_ =	sdelay $0x1  }
0x13b: {  	[sflag:s22] =	ssyncset.done $0x0  }
0x13c: {  	s26 =	smov.u32 s28;
	[sflag:s22] =	ssyncadd.s32 $0xFFFFE000  }
0x13d: {  	_ =	sfence.sel $0x180000  }
0x13e: {  	[bflag:$0x0] =	sbarrier.arrive $0xFFFF  }
0x13f: {  	_ =	strace $0x90000047  }
0x140: {  	s0 =	stileid.u32;
	[bflag:$0x2] =	sbarrier.arrive $0xFFFF  }
0x141: {  	p0 =	sne.s32 s0, $0x0;
	s0 =	rddreg [dreg:$0x2]  }
0x142: {  	s0 =	sadd.s32 @!p0 $0x100000, s0  }
0x143: {  	[sflag:s0] =	ssyncadd.tile.s32 @!p0 $0x1;
	_ =	shalt  }
.Lfunc_end2:
_tile_overlayer_lowered:
.L_overlay_start_2:
0x144: {  	(tag) =	ssettag $0x2  }
0x145: {  	s0 =	rddreg [dreg:$0x0];
	s2 =	stileid.u32  }
0x146: {  	s1 =	rddreg [dreg:$0x1];
	p0 =	sne.s32 s2, $0x0  }
0x147: {  	s3 =	rddreg [dreg:$0x2];
	[bflag:$0x3] =	sbarrier.arrive $0xFFFF;
	s2 =	simm.s32 @!p0 $0x1C11  }
0x148: {  	[timem:s3], [sflag:s2] =	dma.local @!p0 [hbm:s0], s1  }
0x149: {  	s0 =	simm.s32 @!p0 $0x11  }
0x14a: {  	_ =	swait.ge @!p0 [sflag:s0], s1  }
0x14b: {  	s1 =	ssub.s32 @!p0 $0x0, s1;
	[sflag:s0] =	ssyncset.done @!p0 $0x0  }
0x14c: {  	[sflag:s0] =	ssyncadd.s32 @!p0 s1  }
0x14d: {  	[bflag:$0x3] =	sbarrier.arrive $0xFFFF  }
0x14e: {  	_ =	shalt  }

// kernel: sparse-core-data-format-call.cloned.1.call-start
scs
called_computation_lowered:
.L_overlay_start_0:
0x0: {  	s2 =	sld [smem:$0x3FD9]  }
0x1: {  	s3 =	sld [smem:$0x3FFE];
	_ =	sdelay $0x1  }
0x2: {  	s1 =	srdreg.scid  }
0x3: {  	s0 =	sand.u32 $0x1, s1  }
0x4: {  	s18 =	sshll.u32 s0, $0xA;
	s2 =	sadd.s32 s3, s2  }
0x5: {  	s2 =	sadd.s32 s2, s18  }
0x6: {  	[smem:$0x3FC6] =	sst s2  }
0x7: {  	_ = 	snop  }
0x8: {  	s2 =	sld [smem:$0x3FD0];
	(tm) =	ssettm $0x1  }
0x9: {  	s19 =	sld [smem:$0x3FFB];
	_ =	sdelay $0x3  }
0xa: {  	_ =	strace s19  }
0xb: {  	s3 =	sld [smem:$0x3FFC];
	_ =	sdelay $0x3  }
0xc: {  	_ =	strace s3  }
0xd: {  	s3 =	sld [smem:$0x3FFD];
	_ =	sdelay $0x3  }
0xe: {  	_ =	strace s3  }
0xf: {  	_ =	strace $0x8FFFFFFF  }
0x10: {  	s20 =	sld [smem:$0x3FDB];
	_ =	sdelay $0x1  }
0x11: {  	s4 =	simm.s32 $_scs_section_size  }
0x12: {  	s5 =	simm.s32 $_size__tile_overlayer_lowered;
	s6 =	simm.s32 $_tile_overlayer_lowered  }
0x13: {  	s23 =	simm.s32 $0x1BFF;
	s22 =	sshll.u32 s6, $0x1;
	s3 =	sadd.s32 s4, s20  }
0x14: {  	s7 =	simm.s32 $0x0;
	s21 =	sshll.u32 s5, $0x1;
	s5 =	sadd.s32 s22, s3  }
0x15: {  	[timem:s7], [sflag:s23] =	dma.local [hbm:s5], s21  }
0x16: {  	_ =	swait.ge [sflag:s23], s21  }
0x17: {  	s4 =	ssub.s32 $0x0, s21;
	[sflag:s23] =	ssyncset.done $0x0  }
0x18: {  	[sflag:s23] =	ssyncadd.s32 s4;
	_ =	sdelay $0x1  }
0x19: {  	s24 =	simm.s32 $0x1B8B  }
0x1a: {  	_ =	swait.ge [sflag:s24], $0x1  }
0x1b: {  	[sflag:s24] =	ssyncset.done $0x0  }
0x1c: {  	s26 =	simm.s32 $0x1B8E;
	s25 =	sld [smem:$0x3FFE];
	[sflag:s24] =	ssyncadd.s32 $0xFFFFFFFF  }
0x1d: {  	s27 =	simm.s32 $execute0_lowered;
	[smem:$0x3FD2] =	sst s26  }
0x1e: {  	s5 =	sshll.u32 s27, $0x1;
	_ =	strace $0x80000049;
	[dreg:$0x1] =	wrdreg $0xFFFFFFFF  }
0x1f: {  	s28 =	simm.s32 $_size_execute0_lowered;
	s3 =	sadd.s32 s3, s5;
	[dreg:$0x0] =	wrdreg $0x0  }
0x20: {  	s5 =	sshll.u32 s28, $0x1;
	[dreg:$0x2] =	wrdreg s3  }
0x21: {  	[dreg:$0x3] =	wrdreg s5  }
0x22: {  	[dreg:$0x4] =	wrdreg $0xC0  }
0x23: {  	_ =	task [dreg:s7], $0x5FFFF  }
0x24: {  	[dreg:$0x1] =	wrdreg $0xFFFFFFFF  }
0x25: {  	[dreg:$0x0] =	wrdreg $0x60  }
0x26: {  	[dreg:$0x2] =	wrdreg s25  }
0x27: {  	[dreg:$0x3] =	wrdreg s2  }
0x28: {  	[dreg:$0x4] =	wrdreg $0x9  }
0x29: {  	_ =	task.clear_ibuf [dreg:s7], $0x5FFFF;
	_ =	strace $0x90000049  }
0x2a: {  	s29 =	simm.s32 $0x9;
	_ =	strace $0x8000004B  }
0x2b: {  	_ =	swait.ge [sflag:s29], $0x1  }
0x2c: {  	[sflag:s29] =	ssyncadd.s32 $0xFFFFFFFF  }
0x2d: {  	_ =	strace $0x9000004B  }
0x2e: {  	_ =	sfence  }
0x2f: {  	s30 =	sld [smem:$0x0];
	_ =	sdelay $0x2  }
0x30: {  	s31 =	sshll.u32 s1, $0xD;
	s1 =	sshrl.u32 s1, $0x2  }
0x31: {  	s3 =	sand.u32 $0x4000, s31;
	s1 =	sadd.s32 s1, s30  }
0x32: {  	s0 =	sor.u32 s3, s0;
	s1 =	sshll.u32 s1, $0x11  }
0x33: {  	s0 =	sor.u32 s1, s0  }
0x34: {  	s0 =	sadd.s32 $0x8F2B, s0  }
0x35: {  	[sflag:s0] =	ssyncadd.remote.s32 $0x1  }
0x36: {  	_ =	sfence.sel $0xFFFF  }
0x37: {  	[dreg:$0x0] =	wrdreg $0xFFFFFFFF;
	(pc) =	sbr.abs _section_cstart, $3  }
0x38: {  	[dreg:$0x1] =	wrdreg $0xFFFFFFFF  }
0x39: {  	_ =	task.clear_ibuf [dreg:s7], $0x2FFFF;
	_ =	strace $0x9FFFFFFF  }
0x3a: {  	(tm) =	ssettm $0x7FFFFFFF  }
0x3b: {  	_ =	shalt  }
tec
execute0_lowered:
.L_overlay_start_1:
0x0: {  	(tag) =	ssettag $0x1  }
0x1: {  	s0 =	srdreg.scid  }
0x2: {  	s1 =	sshll.u32 s0, $0x4  }
0x3: {  	s0 =	stileid.u32;
	s1 =	sand.u32 $0x10, s1  }
0x4: {  	s1 =	sor.u32 s0, s1  }
0x5: {  	s6 =	rddreg [dreg:$0x0];
	s4 =	simm.s32 $0x1;
	s2 =	sshll.u32 s1, $0x7  }
0x6: {  	s7 =	simm.s32 $0x2;
	s12 =	simm.s32 $0x0;
	s1 =	ssub.s32 $0x1000, s2  }
0x7: {  	s8 =	simm.s32 $0x8000;
	s13 =	simm.s32 $0x0;
	s3 =	sand.u32 $0xF80, s1  }
0x8: {  	s9 =	simm.s32 $0x0;
	s5 =	sshrl.u32 s1, $0xC;
	p0 =	sne.s32 s3, $0x0  }
.Ltmp0:
0x9: {  	s1 =	rddreg [dreg:$0x2];
	s4 =	simm.s32 @!p0 $0x0;
	(pc) =	sbr.rel .LBB1_1-.Ltmp0, $4  }
0xa: {  	s11 =	simm.s32 $0x0;
	s3 =	rddreg [dreg:$0x1];
	s5 =	sadd.s32 s4, s5  }
0xb: {  	_ =	strace $0x8000004A;
	s4 =	simm.s32 $0x1;
	s5 =	smul.u32 $0xC8, s5  }
0xc: {  	s6 =	sadd.s32 $0xA00, s6;
	s10 =	smov.u32 s2;
	[sflag:s4] =	ssyncpa.u1 $0x0  }
0xd: {  	p0 =	por $0x0, $0x0;
	[sflag:s7] =	ssyncpa.u1 $0x0;
	s7 =	sor.u32 $0x1, s5  }
.LBB1_4:
0xe: {  	s16 =	sshll.u32 s13, $0x3;
	s17 =	sand.u32 $0x78, s13  }
0xf: {  	s30 =	sand.u32 $0x7E00, s13;
	s12 =	sshll.u32 s12, $0xF;
	s16 =	sand.u32 $0xC00, s16  }
0x10: {  	[tilespmem:s15+$0x810 ss:$0x81] =	vst.msk $0xffff, v2;
	s31 =	sand.u32 $0x7, s13;
	s16 =	sor.u32 s17, s16;
	s17 =	sadd.s32 s3, s30  }
0x11: {  	[tilespmem:s15+$0x1020 ss:$0x81] =	vst.msk $0xffff, v0;
	s13 =	sshll.u32 s31, $0x12;
	s12 =	sadd.s32 s12, s17;
	s16 =	sshrl.u32 s16, $0x3  }
0x12: {  	[tilespmem:s15+$0x0 ss:$0x81] =	vst.msk $0xffff, v1;
	s13 =	sor.u32 $0x400, s13;
	s12 =	sadd.s32 s16, s12  }
0x13: {  	[hbm4b:s12+s13] =	stream.strided.scatter [tilespmem:s14], [sflag:$0x2], $0x2000, s8, s13, $0x20;
	[tilespmem:$0x8080] =	vst v63  }
.LBB1_5:
0x14: {  	s14 =	sadd.s32 $0x1, s9  }
0x15: {  	s12 =	sadd.s32 $0x1000, s10;
	s16 =	smov.u32 s10;
	p2 =	sgt.s32 s14, $0xC7  }
0x16: {  	s16 =	smov.u32 @p2 s12  }
0x17: {  	s14 =	simm.s32 @p2 $0x0;
	p2 =	sgt.s32 s16, $0xFFF  }
0x18: {  	s16 =	smov.u32 @p2 s2;
	p2 =	sne.s32 s11, s7  }
.Ltmp1:
0x19: {  	p1 =	slt.u32 s11, $0x2;
	(pc) =	sbr.rel @!p2 .LBB1_6-.Ltmp1, $4  }
0x1a: {  	s15 =	simm.s32 @!p1 $0x2  }
0x1b: {  	s13 =	smov.u32 s10;
	p0 =	por !p0, !p0;
	_ =	swait.ge @!p1 [sflag:s15], $0x2000  }
0x1c: {  	s12 =	smov.u32 s9;
	[sflag:s15] =	ssyncset.done @!p1 $0x0;
	s9 =	smov.u32 s14  }
0x1d: {  	s11 =	sadd.s32 $0x1, s11;
	[sflag:s15] =	ssyncadd.s32 @!p1 $0xFFFFE000;
	s10 =	smov.u32 s16  }
.LBB1_1:
0x1e: {  	p1 =	sge.u32 s11, s5  }
0x1f: {  	s14 =	sand.u32 @!p1 $0x1FFFFFF, s9  }
0x20: {  	s15 =	smulhi.u32 @!p1 $0x147AE15, s14;
	_ =	sdelay $0x1  }
0x21: {  	s15 =	smul.u32 @!p1 $0xC8, s15  }
0x22: {  	s16 =	sxor.u32 @!p1 $0xFFFFFFFF, s11;
	s17 =	smul.u32 @!p1 $0xC80, s10  }
0x23: {  	s31 =	sadd.s32 $0xFFFFFFFF, s11;
	s16 =	sshll.u32 @!p1 s16, $0xD;
	s14 =	ssub.s32 @!p1 s14, s15  }
0x24: {  	s15 =	sand.u32 @!p1 $0x2000, s16;
	s16 =	sadd.s32 @!p1 s6, s17;
	s14 =	sshll.u32 @!p1 s14, $0x4  }
0x25: {  	s17 =	simm.s32 @!p1 $0x6400;
	s14 =	sadd.s32 @!p1 s14, s16;
	s16 =	simm.s32 @!p1 $0x40  }
0x26: {  	[tilespmem:s15], [sflag:$0x1] =	stream.strided.gather @!p1 [hbm4b:s14+s16], $0x2000, s17, s16, $0x38;
	[tilespmem:$0x8080] =	vst v63  }
0x27: {  	p1 =	sge.u32 s31, s5  }
.Ltmp2:
0x28: {  	_ = 	snop;
	(pc) =	sbr.rel @p1 .LBB1_5-.Ltmp2, $1  }
0x29: {  	_ =	sdelay $0x3  }
0x2a: {  	s14 =	simm.s32 $0x1  }
0x2b: {  	_ =	swait.ge [sflag:s4], $0x2000;
	s14 =	simm.s32 @!p0 $0x0  }
0x2c: {  	[sflag:s4] =	ssyncset.done $0x0;
	s15 =	sshll.u32 s14, $0xD  }
0x2d: {  	[sflag:s4] =	ssyncadd.s32 $0xFFFFE000;
	s18 =	sor.u32 $0x20, s15  }
0x2e: {  	s14 =	smul.u32 $0x8100, s14;
	v3 =	vld [tilespmem:s18+$0x10]  }
0x2f: {  	s30 =	sand.u32 $0x1, s11;
	v2 =	vld [tilespmem:s18+$0xFFFFFFF0]  }
0x30: {  	s15 =	smul.u32 $0x8100, s30;
	s14 =	sshrl.u32 s14, $0x2;
	v0 =	vld [tilespmem:s18+$0x0]  }
0x31: {  	v1 =	vld [tilespmem:s18+$0xFFFFFFE0];
	s16 =	sor.u32 $0x4000, s14  }
0x32: {  	s31 =	sshrl.u32 s15, $0x2;
	s15 =	sadd.s32 $0x0, s16  }
0x33: {  	s17 =	simm.s32 $0x4;
	s18 =	sadd.s32 $0x40, s18;
	s14 =	sor.u32 $0x4000, s31;
	[tilespmem:s15+$0x1830 ss:$0x81] =	vst.msk $0xffff, v3  }
.LBB1_3:
0x34: {  	v3 =	vld [tilespmem:s18+$0x10];
	p1 =	sne.s32 s17, $0x1FC;
	[tilespmem:s15+$0x810 ss:$0x81] =	vst.msk $0xffff, v2;
	s19 =	smov.u32 s17;
	s17 =	sadd.s32 $0x4, s17  }
.Ltmp3:
0x35: {  	v2 =	vld [tilespmem:s18+$0xFFFFFFF0];
	[tilespmem:s15+$0x1020 ss:$0x81] =	vst.msk $0xffff, v0;
	(pc) =	sbr.rel @p1 .LBB1_3-.Ltmp3, $4  }
0x36: {  	v0 =	vld [tilespmem:s18+$0x0];
	[tilespmem:s15+$0x0 ss:$0x81] =	vst.msk $0xffff, v1  }
0x37: {  	s15 =	sshra.s32 s19, $0x2;
	v1 =	vld [tilespmem:s18+$0xFFFFFFE0]  }
0x38: {  	s15 =	sadd.s32 s15, s16  }
0x39: {  	s18 =	sadd.s32 $0x40, s18;
	[tilespmem:s15+$0x1830 ss:$0x81] =	vst.msk $0xffff, v3  }
.Ltmp4:
0x3a: {  	_ = 	snop;
	(pc) =	sbr.rel .LBB1_4-.Ltmp4, $1  }
0x3b: {  	_ =	sdelay $0x3  }
.LBB1_6:
0x3c: {  	_ =	sfence.sel $0x180000  }
0x3d: {  	s2 =	simm.s32 $0x1;
	[bflag:$0x0] =	sbarrier.arrive $0xFFFF  }
0x3e: {  	s31 =	simm.s32 $0x2;
	[sflag:s2] =	ssyncpa.u1 $0x1  }
0x3f: {  	[sflag:s31] =	ssyncpa.u1 $0x1  }
0x40: {  	p0 =	sne.s32 s0, $0x0;
	_ =	strace $0x9000004A  }
0x41: {  	s0 =	sadd.s32 @!p0 $0x100000, s1;
	[bflag:$0x2] =	sbarrier.arrive $0xFFFF  }
0x42: {  	[sflag:s0] =	ssyncadd.tile.s32 @!p0 $0x1;
	_ =	shalt  }
.Lfunc_end1:
_tile_overlayer_lowered:
.L_overlay_start_2:
0x43: {  	(tag) =	ssettag $0x2  }
0x44: {  	s0 =	rddreg [dreg:$0x0];
	s2 =	stileid.u32  }
0x45: {  	s1 =	rddreg [dreg:$0x1];
	p0 =	sne.s32 s2, $0x0  }
0x46: {  	s3 =	rddreg [dreg:$0x2];
	[bflag:$0x3] =	sbarrier.arrive $0xFFFF;
	s2 =	simm.s32 @!p0 $0x1C01  }
0x47: {  	[timem:s3], [sflag:s2] =	dma.local @!p0 [hbm:s0], s1  }
0x48: {  	s0 =	simm.s32 @!p0 $0x1  }
0x49: {  	_ =	swait.ge @!p0 [sflag:s0], s1  }
0x4a: {  	s1 =	ssub.s32 @!p0 $0x0, s1;
	[sflag:s0] =	ssyncset.done @!p0 $0x0  }
0x4b: {  	[sflag:s0] =	ssyncadd.s32 @!p0 s1  }
0x4c: {  	[bflag:$0x3] =	sbarrier.arrive $0xFFFF  }
0x4d: {  	_ =	shalt  }

</sc_bundles>
